<compile_context>
chip_gen: v7x
topology: tpu7x:2x2x1
jax: 0.10.2.dev20260603
libtpu: 0.0.44.dev20260713+nightly
codegen_flags: <defaults>
</compile_context>

<pallas_src>
import jax
import jax.numpy as jnp
from jax import lax
from jax.experimental import pallas as pl
from jax.experimental.pallas import tpu as pltpu
from jax.experimental.pallas import tpu_sc as plsc

N = 10000
E = 320000
D = 128
DH = D // 2

NC = 2
NS = 16

C = 128
CHUNKS = 160
E_PAD = NS * CHUNKS * C
N_PAD = 10240
ROWS_PER_TILE = N_PAD // NS
NBUF = 2


def _mm_body(x_ref, w_ref, o_ref):
    o_ref[0] = jnp.dot(x_ref[...], w_ref[0],
                       preferred_element_type=jnp.float32)
    o_ref[1] = jnp.dot(x_ref[...], w_ref[1],
                       preferred_element_type=jnp.float32)


def _matmul_halves(x, w):
    bm = 2000
    w2 = w.reshape(D, NC, DH).transpose(1, 0, 2)
    return pl.pallas_call(
        _mm_body,
        grid=(N // bm,),
        in_specs=[
            pl.BlockSpec((bm, D), lambda i: (i, 0)),
            pl.BlockSpec((NC, D, DH), lambda i: (0, 0, 0)),
        ],
        out_specs=pl.BlockSpec((NC, bm, DH), lambda i: (0, i, 0)),
        out_shape=jax.ShapeDtypeStruct((NC, N_PAD, DH), jnp.float32),
    )(x, w2)


def _sc_body(support_hbm, packed_hbm, adj_hbm, binit_hbm, out_hbm,
             table, acc, packed_v, col_s, row_s, adj_s, rows_b,
             semg, sems, sema):
    c = lax.axis_index("c")
    s = lax.axis_index("s")
    rslice = pl.ds(s * ROWS_PER_TILE, ROWS_PER_TILE)

    pltpu.sync_copy(support_hbm.at[c, rslice], table.at[rslice])
    pltpu.sync_copy(binit_hbm.at[c, rslice], acc.at[rslice])

    pltpu.sync_copy(packed_hbm.at[s], packed_v)
    plsc.subcore_barrier()

    def fill_slot(g, m):
        for j in range(C // 16):
            sl = pl.ds(j * 16, 16)
            p = packed_v[g, sl]
            col_s[m][sl] = p & 32767
            row_s[m][sl] = p >> 15

    def start_adj(g, m):
        pltpu.async_copy(adj_hbm.at[s, g], adj_s[m], sema[m])

    def wait_adj(m):
        pltpu.make_async_copy(adj_hbm.at[s, 0], adj_s[m], sema[m]).wait()

    def start_gather(m):
        pltpu.async_copy(table.at[col_s[m]], rows_b[m], semg[m])

    def wait_gather(m):
        pltpu.make_async_copy(table.at[col_s[m]], rows_b[m], semg[m]).wait()

    def start_scatter(m):
        pltpu.async_copy(rows_b[m], acc.at[row_s[m]], sems[m], add=True)

    def wait_scatter(m):
        pltpu.make_async_copy(rows_b[m], acc.at[row_s[m]], sems[m]).wait()

    def scale(m):
        rows_v = rows_b[m]
        adj_v = adj_s[m]

        def scale_body(it, carry2):
            a16 = adj_v[pl.ds(it * 16, 16)]
            for k in range(16):
                e = it * 16 + k
                a = a16[k]
                for j in range(DH // 16):
                    sl = pl.ds(j * 16, 16)
                    rows_v[e, sl] = rows_v[e, sl] * a
            return carry2

        lax.fori_loop(0, C // 16, scale_body, 0)

    for m in range(NBUF):
        fill_slot(m, m)
        start_adj(m, m)
        start_gather(m)

    def body(i, carry):
        for m in range(NBUF):
            g = i * NBUF + m
            wait_gather(m)
            wait_adj(m)
            scale(m)
            start_scatter(m)

            @pl.when(g + NBUF < CHUNKS)
            def _():
                wait_scatter(m)
                fill_slot(g + NBUF, m)
                start_adj(g + NBUF, m)
                start_gather(m)

        return carry

    lax.fori_loop(0, CHUNKS // NBUF, body, 0)
    for m in range(NBUF):
        wait_scatter(m)

    plsc.subcore_barrier()
    pltpu.sync_copy(acc.at[rslice], out_hbm.at[c, rslice])


def _sc_edge_pass(support2, packed, adj, binit):
    mesh = plsc.VectorSubcoreMesh(core_axis_name="c", subcore_axis_name="s",
                                  num_cores=NC, num_subcores=NS)
    k = pl.kernel(
        _sc_body,
        out_type=jax.ShapeDtypeStruct((NC, N_PAD, DH), jnp.float32),
        mesh=mesh,
        compiler_params=pltpu.CompilerParams(use_tc_tiling_on_sc=False),
        scratch_types=[
            pltpu.VMEM_SHARED((N_PAD, DH), jnp.float32),
            pltpu.VMEM_SHARED((N_PAD, DH), jnp.float32),
            pltpu.VMEM((CHUNKS, C), jnp.int32),
            [pltpu.VMEM((C,), jnp.int32)] * NBUF,
            [pltpu.VMEM((C,), jnp.int32)] * NBUF,
            [pltpu.VMEM((C,), jnp.float32)] * NBUF,
            [pltpu.VMEM((C, DH), jnp.float32)] * NBUF,
            [pltpu.SemaphoreType.DMA] * NBUF,
            [pltpu.SemaphoreType.DMA] * NBUF,
            [pltpu.SemaphoreType.DMA] * NBUF,
        ],
    )
    return k(support2,
             packed.reshape(NS, CHUNKS, C),
             adj.reshape(NS, CHUNKS, C), binit)


def _comb_body(p_ref, o_ref):
    o_ref[...] = jnp.concatenate([p_ref[0], p_ref[1]], axis=1)


def _combine(partials):
    bm = 1000
    return pl.pallas_call(
        _comb_body,
        grid=(N // bm,),
        in_specs=[
            pl.BlockSpec((NC, bm, DH), lambda i: (0, i, 0)),
        ],
        out_specs=pl.BlockSpec((bm, D), lambda i: (i, 0)),
        out_shape=jax.ShapeDtypeStruct((N, D), jnp.float32),
    )(partials)


def kernel(x, edge_index, adj_values, W0, b0):
    support2 = _matmul_halves(x, W0)

    pad = E_PAD - E
    ef = edge_index.reshape(2 * E)
    packed = jnp.concatenate(
        [(ef[:E] << 15) | ef[E:], jnp.zeros((pad,), dtype=jnp.int32)])
    adj = jnp.concatenate(
        [adj_values, jnp.zeros((pad,), dtype=jnp.float32)])
    binit = jnp.broadcast_to(
        b0.reshape(NC, 1, DH), (NC, N_PAD, DH))

    partials = _sc_edge_pass(support2, packed, adj, binit)
    return _combine(partials)

# --- scband reference (transcript-rebuilt; emitter-appended) ---
"""Pipeline reference for scband-mw-gcn-20366734917713 (READ-ONLY COPY).

The authoritative reference and input builder live on the scoring server;
editing this copy changes nothing except your own understanding.
"""

import jax, jax.numpy as jnp
import numpy as np

N = 10000
E = 320000
D_IN = 128
D_OUT = 128


def setup_inputs(seed: int = 0) -> dict:
    key = jax.random.key(seed)
    k1, k2, k3, k4 = jax.random.split(key, 4)
    x = jax.random.normal(k1, (N, D_IN), dtype=jnp.float32)
    edge_index = jax.random.randint(k2, (2, E), 0, N, dtype=jnp.int32)
    adj_values = jax.random.uniform(k3, (E,), dtype=jnp.float32)
    # weight0: torch kaiming_uniform_ on Tensor(input_dim, output_dim)
    bound = float(np.sqrt(6.0 / D_OUT))
    W0 = jax.random.uniform(k4, (D_IN, D_OUT), minval=-bound, maxval=bound, dtype=jnp.float32)
    b0 = jnp.zeros((D_OUT,), dtype=jnp.float32)
    return {"x": x, "edge_index": edge_index, "adj_values": adj_values, "W0": W0, "b0": b0}


def reference(x, edge_index, adj_values, W0, b0):
    # rel_num=1, share=False, use_att=False, use_bias=True
    # support = input_features[0] @ weight0
    support = jnp.dot(x, W0)
    # output = sparse_adj @ support ; sparse adj in COO: row=edge_index[0], col=edge_index[1]
    row = edge_index[0]
    col = edge_index[1]
    msgs = adj_values[:, None] * jnp.take(support, col, axis=0)
    out = jnp.zeros((N, D_OUT), dtype=support.dtype).at[row].add(msgs)
    out = out + b0
    # use_att=False -> returns output_list (single element)
    return out

if __name__ == "__main__":
    import jax
    _d = setup_inputs()
    print(jax.jit(kernel)(*tuple(_d.values())))

</pallas_src>

<mosaic_0001>
#map = affine_map<(d0, d1) -> (0, 0, 0)>
module attributes {stable_mosaic.version = 14 : i64} {
  func.func @_sc_body(%arg0: i32, %arg1: i32, %arg2: memref<2x10240x64xf32, #tpu.memory_space<hbm>>, %arg3: memref<16x160x128xi32, #tpu.memory_space<hbm>>, %arg4: memref<16x160x128xf32, #tpu.memory_space<hbm>>, %arg5: memref<2x10240x64xf32, #tpu.memory_space<hbm>>, %arg6: memref<2x10240x64xf32, #tpu.memory_space<hbm>>, %arg7: memref<10240x64xf32, #tpu.memory_space<vmem_shared>>, %arg8: memref<10240x64xf32, #tpu.memory_space<vmem_shared>>, %arg9: memref<160x128xi32, #tpu.memory_space<vmem>>, %arg10: memref<128xi32, #tpu.memory_space<vmem>>, %arg11: memref<128xi32, #tpu.memory_space<vmem>>, %arg12: memref<128xi32, #tpu.memory_space<vmem>>, %arg13: memref<128xi32, #tpu.memory_space<vmem>>, %arg14: memref<128xf32, #tpu.memory_space<vmem>>, %arg15: memref<128xf32, #tpu.memory_space<vmem>>, %arg16: memref<128x64xf32, #tpu.memory_space<vmem>>, %arg17: memref<128x64xf32, #tpu.memory_space<vmem>>, %arg18: memref<!tpu.dma_semaphore, #tpu.memory_space<semaphore_mem>>, %arg19: memref<!tpu.dma_semaphore, #tpu.memory_space<semaphore_mem>>, %arg20: memref<!tpu.dma_semaphore, #tpu.memory_space<semaphore_mem>>, %arg21: memref<!tpu.dma_semaphore, #tpu.memory_space<semaphore_mem>>, %arg22: memref<!tpu.dma_semaphore, #tpu.memory_space<semaphore_mem>>, %arg23: memref<!tpu.dma_semaphore, #tpu.memory_space<semaphore_mem>>) attributes {dimension_semantics = [#tpu.dimension_semantics<core_parallel>, #tpu.dimension_semantics<subcore_parallel>], iteration_bounds = array<i64: 2, 16>, scalar_prefetch = 0 : i64, scratch_operands = 17 : i64, tpu.core_type = #tpu.core_type<sc_vector_subcore>, window_params = [{transform_indices = #map}, {transform_indices = #map}, {transform_indices = #map}, {transform_indices = #map}, {transform_indices = #map}]} {
    %mul3A = arith.constant 640 : i32
    %mul3A_0 = arith.muli %arg1, %mul3A : i32
    "tpu.region"() ({
      %run_scoped3A = tpu.sem_alloc : memref<!tpu.dma_semaphore, #tpu.memory_space<semaphore_mem>>
      %dma_start3A_331 = arith.constant 0 : i32
      %dma_start3A_332 = tpu.memref_slice %arg7[%mul3A_0, %dma_start3A_331] : memref<10240x64xf32, #tpu.memory_space<vmem_shared>> -> memref<640x64xf32, #tpu.memory_space<vmem_shared>>
      %dma_start3A_333 = arith.constant 0 : i32
      %dma_start3A_334 = tpu.memref_slice %arg2[%arg0, %mul3A_0, %dma_start3A_333] : memref<2x10240x64xf32, #tpu.memory_space<hbm>> -> memref<1x640x64xf32, #tpu.memory_space<hbm>>
      %dma_start3A_335 = tpu.memref_squeeze %dma_start3A_334 : memref<1x640x64xf32, #tpu.memory_space<hbm>> -> memref<640x64xf32, #tpu.memory_space<hbm>>
      tpu.enqueue_dma source(%dma_start3A_335 : memref<640x64xf32, #tpu.memory_space<hbm>>) target(%dma_start3A_332 : memref<640x64xf32, #tpu.memory_space<vmem_shared>>) target_semaphore(%run_scoped3A : memref<!tpu.dma_semaphore, #tpu.memory_space<semaphore_mem>>)
      %dma_wait3A_336 = arith.constant 0 : i32
      %dma_wait3A_337 = tpu.memref_slice %arg7[%mul3A_0, %dma_wait3A_336] : memref<10240x64xf32, #tpu.memory_space<vmem_shared>> -> memref<640x64xf32, #tpu.memory_space<vmem_shared>>
      %dma_wait3A_338 = arith.constant 0 : i32
      %dma_wait3A_339 = tpu.memref_slice %arg2[%arg0, %mul3A_0, %dma_wait3A_338] : memref<2x10240x64xf32, #tpu.memory_space<hbm>> -> memref<1x640x64xf32, #tpu.memory_space<hbm>>
      %dma_wait3A_340 = tpu.memref_squeeze %dma_wait3A_339 : memref<1x640x64xf32, #tpu.memory_space<hbm>> -> memref<640x64xf32, #tpu.memory_space<hbm>>
      tpu.wait_dma2 semaphore(%run_scoped3A : memref<!tpu.dma_semaphore, #tpu.memory_space<semaphore_mem>>) src(%dma_wait3A_340 : memref<640x64xf32, #tpu.memory_space<hbm>>) dst(%dma_wait3A_337 : memref<640x64xf32, #tpu.memory_space<vmem_shared>>)
      tpu.yield
    }) : () -> ()
    "tpu.region"() ({
      %run_scoped3A = tpu.sem_alloc : memref<!tpu.dma_semaphore, #tpu.memory_space<semaphore_mem>>
      %dma_start3A_331 = arith.constant 0 : i32
      %dma_start3A_332 = tpu.memref_slice %arg8[%mul3A_0, %dma_start3A_331] : memref<10240x64xf32, #tpu.memory_space<vmem_shared>> -> memref<640x64xf32, #tpu.memory_space<vmem_shared>>
      %dma_start3A_333 = arith.constant 0 : i32
      %dma_start3A_334 = tpu.memref_slice %arg5[%arg0, %mul3A_0, %dma_start3A_333] : memref<2x10240x64xf32, #tpu.memory_space<hbm>> -> memref<1x640x64xf32, #tpu.memory_space<hbm>>
      %dma_start3A_335 = tpu.memref_squeeze %dma_start3A_334 : memref<1x640x64xf32, #tpu.memory_space<hbm>> -> memref<640x64xf32, #tpu.memory_space<hbm>>
      tpu.enqueue_dma source(%dma_start3A_335 : memref<640x64xf32, #tpu.memory_space<hbm>>) target(%dma_start3A_332 : memref<640x64xf32, #tpu.memory_space<vmem_shared>>) target_semaphore(%run_scoped3A : memref<!tpu.dma_semaphore, #tpu.memory_space<semaphore_mem>>)
      %dma_wait3A_336 = arith.constant 0 : i32
      %dma_wait3A_337 = tpu.memref_slice %arg8[%mul3A_0, %dma_wait3A_336] : memref<10240x64xf32, #tpu.memory_space<vmem_shared>> -> memref<640x64xf32, #tpu.memory_space<vmem_shared>>
      %dma_wait3A_338 = arith.constant 0 : i32
      %dma_wait3A_339 = tpu.memref_slice %arg5[%arg0, %mul3A_0, %dma_wait3A_338] : memref<2x10240x64xf32, #tpu.memory_space<hbm>> -> memref<1x640x64xf32, #tpu.memory_space<hbm>>
      %dma_wait3A_340 = tpu.memref_squeeze %dma_wait3A_339 : memref<1x640x64xf32, #tpu.memory_space<hbm>> -> memref<640x64xf32, #tpu.memory_space<hbm>>
      tpu.wait_dma2 semaphore(%run_scoped3A : memref<!tpu.dma_semaphore, #tpu.memory_space<semaphore_mem>>) src(%dma_wait3A_340 : memref<640x64xf32, #tpu.memory_space<hbm>>) dst(%dma_wait3A_337 : memref<640x64xf32, #tpu.memory_space<vmem_shared>>)
      tpu.yield
    }) : () -> ()
    "tpu.region"() ({
      %run_scoped3A = tpu.sem_alloc : memref<!tpu.dma_semaphore, #tpu.memory_space<semaphore_mem>>
      %dma_start3A_331 = arith.constant 0 : i32
      %dma_start3A_332 = arith.constant 0 : i32
      %dma_start3A_333 = tpu.memref_slice %arg3[%arg1, %dma_start3A_331, %dma_start3A_332] : memref<16x160x128xi32, #tpu.memory_space<hbm>> -> memref<1x160x128xi32, #tpu.memory_space<hbm>>
      %dma_start3A_334 = tpu.memref_squeeze %dma_start3A_333 : memref<1x160x128xi32, #tpu.memory_space<hbm>> -> memref<160x128xi32, #tpu.memory_space<hbm>>
      %dma_start3A_335 = arith.constant 0 : i32
      %dma_start3A_336 = arith.constant 0 : i32
      %dma_start3A_337 = tpu.memref_slice %arg3[%arg1, %dma_start3A_335, %dma_start3A_336] : memref<16x160x128xi32, #tpu.memory_space<hbm>> -> memref<1x160x128xi32, #tpu.memory_space<hbm>>
      %dma_start3A_338 = tpu.memref_squeeze %dma_start3A_337 : memref<1x160x128xi32, #tpu.memory_space<hbm>> -> memref<160x128xi32, #tpu.memory_space<hbm>>
      tpu.enqueue_dma source(%dma_start3A_338 : memref<160x128xi32, #tpu.memory_space<hbm>>) target(%arg9 : memref<160x128xi32, #tpu.memory_space<vmem>>) target_semaphore(%run_scoped3A : memref<!tpu.dma_semaphore, #tpu.memory_space<semaphore_mem>>)
      %dma_wait3A_339 = arith.constant 0 : i32
      %dma_wait3A_340 = arith.constant 0 : i32
      %dma_wait3A_341 = tpu.memref_slice %arg3[%arg1, %dma_wait3A_339, %dma_wait3A_340] : memref<16x160x128xi32, #tpu.memory_space<hbm>> -> memref<1x160x128xi32, #tpu.memory_space<hbm>>
      %dma_wait3A_342 = tpu.memref_squeeze %dma_wait3A_341 : memref<1x160x128xi32, #tpu.memory_space<hbm>> -> memref<160x128xi32, #tpu.memory_space<hbm>>
      %dma_wait3A_343 = arith.constant 0 : i32
      %dma_wait3A_344 = arith.constant 0 : i32
      %dma_wait3A_345 = tpu.memref_slice %arg3[%arg1, %dma_wait3A_343, %dma_wait3A_344] : memref<16x160x128xi32, #tpu.memory_space<hbm>> -> memref<1x160x128xi32, #tpu.memory_space<hbm>>
      %dma_wait3A_346 = tpu.memref_squeeze %dma_wait3A_345 : memref<1x160x128xi32, #tpu.memory_space<hbm>> -> memref<160x128xi32, #tpu.memory_space<hbm>>
      tpu.wait_dma2 semaphore(%run_scoped3A : memref<!tpu.dma_semaphore, #tpu.memory_space<semaphore_mem>>) src(%dma_wait3A_346 : memref<160x128xi32, #tpu.memory_space<hbm>>) dst(%arg9 : memref<160x128xi32, #tpu.memory_space<vmem>>)
      tpu.yield
    }) : () -> ()
    %barrier3A = arith.constant 0 : index
    tpu.barrier barrier_id(%barrier3A)
    %get3A = arith.constant 0 : i32
    %get3A_1 = arith.index_cast %get3A : i32 to index
    %get3A_2 = arith.constant 0 : index
    %get3A_3 = tpu.vector_load %arg9[%get3A_1, %get3A_2] {strides = array<i32>} : memref<160x128xi32, #tpu.memory_space<vmem>>, vector<1x16xi32>,
    %get3A_4 = vector.shape_cast %get3A_3 : vector<1x16xi32> to vector<16xi32>
    %and3A = arith.constant 32767 : i32
    %and3A_5 = vector.broadcast %and3A : i32 to vector<16xi32>
    %and3A_6 = arith.andi %get3A_4, %and3A_5 : vector<16xi32>
    %swap3A = arith.constant 0 : index
    %swap3A_7 = tpu.vector_load %arg10[%swap3A] {strides = array<i32>} : memref<128xi32, #tpu.memory_space<vmem>>, vector<16xi32>,
    %swap3A_8 = vector.shape_cast %swap3A_7 : vector<16xi32> to vector<16xi32>
    %swap3A_9 = vector.shape_cast %and3A_6 : vector<16xi32> to vector<16xi32>
    tpu.vector_store %arg10[%swap3A], %swap3A_9 {strides = array<i32>} : memref<128xi32, #tpu.memory_space<vmem>>, vector<16xi32>,
    %shift_right_arithmetic3A = arith.constant 15 : i32
    %shift_right_arithmetic3A_10 = vector.broadcast %shift_right_arithmetic3A : i32 to vector<16xi32>
    %shift_right_arithmetic3A_11 = arith.shrsi %get3A_4, %shift_right_arithmetic3A_10 : vector<16xi32>
    %swap3A_12 = arith.constant 0 : index
    %swap3A_13 = tpu.vector_load %arg12[%swap3A_12] {strides = array<i32>} : memref<128xi32, #tpu.memory_space<vmem>>, vector<16xi32>,
    %swap3A_14 = vector.shape_cast %swap3A_13 : vector<16xi32> to vector<16xi32>
    %swap3A_15 = vector.shape_cast %shift_right_arithmetic3A_11 : vector<16xi32> to vector<16xi32>
    tpu.vector_store %arg12[%swap3A_12], %swap3A_15 {strides = array<i32>} : memref<128xi32, #tpu.memory_space<vmem>>, vector<16xi32>,
    %get3A_16 = arith.constant 0 : i32
    %get3A_17 = arith.index_cast %get3A_16 : i32 to index
    %get3A_18 = arith.constant 16 : index
    %get3A_19 = tpu.vector_load %arg9[%get3A_17, %get3A_18] {strides = array<i32>} : memref<160x128xi32, #tpu.memory_space<vmem>>, vector<1x16xi32>,
    %get3A_20 = vector.shape_cast %get3A_19 : vector<1x16xi32> to vector<16xi32>
    %and3A_21 = arith.constant 32767 : i32
    %and3A_22 = vector.broadcast %and3A_21 : i32 to vector<16xi32>
    %and3A_23 = arith.andi %get3A_20, %and3A_22 : vector<16xi32>
    %swap3A_24 = arith.constant 16 : index
    %swap3A_25 = tpu.vector_load %arg10[%swap3A_24] {strides = array<i32>} : memref<128xi32, #tpu.memory_space<vmem>>, vector<16xi32>,
    %swap3A_26 = vector.shape_cast %swap3A_25 : vector<16xi32> to vector<16xi32>
    %swap3A_27 = vector.shape_cast %and3A_23 : vector<16xi32> to vector<16xi32>
    tpu.vector_store %arg10[%swap3A_24], %swap3A_27 {strides = array<i32>} : memref<128xi32, #tpu.memory_space<vmem>>, vector<16xi32>,
    %shift_right_arithmetic3A_28 = arith.constant 15 : i32
    %shift_right_arithmetic3A_29 = vector.broadcast %shift_right_arithmetic3A_28 : i32 to vector<16xi32>
    %shift_right_arithmetic3A_30 = arith.shrsi %get3A_20, %shift_right_arithmetic3A_29 : vector<16xi32>
    %swap3A_31 = arith.constant 16 : index
    %swap3A_32 = tpu.vector_load %arg12[%swap3A_31] {strides = array<i32>} : memref<128xi32, #tpu.memory_space<vmem>>, vector<16xi32>,
    %swap3A_33 = vector.shape_cast %swap3A_32 : vector<16xi32> to vector<16xi32>
    %swap3A_34 = vector.shape_cast %shift_right_arithmetic3A_30 : vector<16xi32> to vector<16xi32>
    tpu.vector_store %arg12[%swap3A_31], %swap3A_34 {strides = array<i32>} : memref<128xi32, #tpu.memory_space<vmem>>, vector<16xi32>,
    %get3A_35 = arith.constant 0 : i32
    %get3A_36 = arith.index_cast %get3A_35 : i32 to index
    %get3A_37 = arith.constant 32 : index
    %get3A_38 = tpu.vector_load %arg9[%get3A_36, %get3A_37] {strides = array<i32>} : memref<160x128xi32, #tpu.memory_space<vmem>>, vector<1x16xi32>,
    %get3A_39 = vector.shape_cast %get3A_38 : vector<1x16xi32> to vector<16xi32>
    %and3A_40 = arith.constant 32767 : i32
    %and3A_41 = vector.broadcast %and3A_40 : i32 to vector<16xi32>
    %and3A_42 = arith.andi %get3A_39, %and3A_41 : vector<16xi32>
    %swap3A_43 = arith.constant 32 : index
    %swap3A_44 = tpu.vector_load %arg10[%swap3A_43] {strides = array<i32>} : memref<128xi32, #tpu.memory_space<vmem>>, vector<16xi32>,
    %swap3A_45 = vector.shape_cast %swap3A_44 : vector<16xi32> to vector<16xi32>
    %swap3A_46 = vector.shape_cast %and3A_42 : vector<16xi32> to vector<16xi32>
    tpu.vector_store %arg10[%swap3A_43], %swap3A_46 {strides = array<i32>} : memref<128xi32, #tpu.memory_space<vmem>>, vector<16xi32>,
    %shift_right_arithmetic3A_47 = arith.constant 15 : i32
    %shift_right_arithmetic3A_48 = vector.broadcast %shift_right_arithmetic3A_47 : i32 to vector<16xi32>
    %shift_right_arithmetic3A_49 = arith.shrsi %get3A_39, %shift_right_arithmetic3A_48 : vector<16xi32>
    %swap3A_50 = arith.constant 32 : index
    %swap3A_51 = tpu.vector_load %arg12[%swap3A_50] {strides = array<i32>} : memref<128xi32, #tpu.memory_space<vmem>>, vector<16xi32>,
    %swap3A_52 = vector.shape_cast %swap3A_51 : vector<16xi32> to vector<16xi32>
    %swap3A_53 = vector.shape_cast %shift_right_arithmetic3A_49 : vector<16xi32> to vector<16xi32>
    tpu.vector_store %arg12[%swap3A_50], %swap3A_53 {strides = array<i32>} : memref<128xi32, #tpu.memory_space<vmem>>, vector<16xi32>,
    %get3A_54 = arith.constant 0 : i32
    %get3A_55 = arith.index_cast %get3A_54 : i32 to index
    %get3A_56 = arith.constant 48 : index
    %get3A_57 = tpu.vector_load %arg9[%get3A_55, %get3A_56] {strides = array<i32>} : memref<160x128xi32, #tpu.memory_space<vmem>>, vector<1x16xi32>,
    %get3A_58 = vector.shape_cast %get3A_57 : vector<1x16xi32> to vector<16xi32>
    %and3A_59 = arith.constant 32767 : i32
    %and3A_60 = vector.broadcast %and3A_59 : i32 to vector<16xi32>
    %and3A_61 = arith.andi %get3A_58, %and3A_60 : vector<16xi32>
    %swap3A_62 = arith.constant 48 : index
    %swap3A_63 = tpu.vector_load %arg10[%swap3A_62] {strides = array<i32>} : memref<128xi32, #tpu.memory_space<vmem>>, vector<16xi32>,
    %swap3A_64 = vector.shape_cast %swap3A_63 : vector<16xi32> to vector<16xi32>
    %swap3A_65 = vector.shape_cast %and3A_61 : vector<16xi32> to vector<16xi32>
    tpu.vector_store %arg10[%swap3A_62], %swap3A_65 {strides = array<i32>} : memref<128xi32, #tpu.memory_space<vmem>>, vector<16xi32>,
    %shift_right_arithmetic3A_66 = arith.constant 15 : i32
    %shift_right_arithmetic3A_67 = vector.broadcast %shift_right_arithmetic3A_66 : i32 to vector<16xi32>
    %shift_right_arithmetic3A_68 = arith.shrsi %get3A_58, %shift_right_arithmetic3A_67 : vector<16xi32>
    %swap3A_69 = arith.constant 48 : index
    %swap3A_70 = tpu.vector_load %arg12[%swap3A_69] {strides = array<i32>} : memref<128xi32, #tpu.memory_space<vmem>>, vector<16xi32>,
    %swap3A_71 = vector.shape_cast %swap3A_70 : vector<16xi32> to vector<16xi32>
    %swap3A_72 = vector.shape_cast %shift_right_arithmetic3A_68 : vector<16xi32> to vector<16xi32>
    tpu.vector_store %arg12[%swap3A_69], %swap3A_72 {strides = array<i32>} : memref<128xi32, #tpu.memory_space<vmem>>, vector<16xi32>,
    %get3A_73 = arith.constant 0 : i32
    %get3A_74 = arith.index_cast %get3A_73 : i32 to index
    %get3A_75 = arith.constant 64 : index
    %get3A_76 = tpu.vector_load %arg9[%get3A_74, %get3A_75] {strides = array<i32>} : memref<160x128xi32, #tpu.memory_space<vmem>>, vector<1x16xi32>,
    %get3A_77 = vector.shape_cast %get3A_76 : vector<1x16xi32> to vector<16xi32>
    %and3A_78 = arith.constant 32767 : i32
    %and3A_79 = vector.broadcast %and3A_78 : i32 to vector<16xi32>
    %and3A_80 = arith.andi %get3A_77, %and3A_79 : vector<16xi32>
    %swap3A_81 = arith.constant 64 : index
    %swap3A_82 = tpu.vector_load %arg10[%swap3A_81] {strides = array<i32>} : memref<128xi32, #tpu.memory_space<vmem>>, vector<16xi32>,
    %swap3A_83 = vector.shape_cast %swap3A_82 : vector<16xi32> to vector<16xi32>
    %swap3A_84 = vector.shape_cast %and3A_80 : vector<16xi32> to vector<16xi32>
    tpu.vector_store %arg10[%swap3A_81], %swap3A_84 {strides = array<i32>} : memref<128xi32, #tpu.memory_space<vmem>>, vector<16xi32>,
    %shift_right_arithmetic3A_85 = arith.constant 15 : i32
    %shift_right_arithmetic3A_86 = vector.broadcast %shift_right_arithmetic3A_85 : i32 to vector<16xi32>
    %shift_right_arithmetic3A_87 = arith.shrsi %get3A_77, %shift_right_arithmetic3A_86 : vector<16xi32>
    %swap3A_88 = arith.constant 64 : index
    %swap3A_89 = tpu.vector_load %arg12[%swap3A_88] {strides = array<i32>} : memref<128xi32, #tpu.memory_space<vmem>>, vector<16xi32>,
    %swap3A_90 = vector.shape_cast %swap3A_89 : vector<16xi32> to vector<16xi32>
    %swap3A_91 = vector.shape_cast %shift_right_arithmetic3A_87 : vector<16xi32> to vector<16xi32>
    tpu.vector_store %arg12[%swap3A_88], %swap3A_91 {strides = array<i32>} : memref<128xi32, #tpu.memory_space<vmem>>, vector<16xi32>,
    %get3A_92 = arith.constant 0 : i32
    %get3A_93 = arith.index_cast %get3A_92 : i32 to index
    %get3A_94 = arith.constant 80 : index
    %get3A_95 = tpu.vector_load %arg9[%get3A_93, %get3A_94] {strides = array<i32>} : memref<160x128xi32, #tpu.memory_space<vmem>>, vector<1x16xi32>,
    %get3A_96 = vector.shape_cast %get3A_95 : vector<1x16xi32> to vector<16xi32>
    %and3A_97 = arith.constant 32767 : i32
    %and3A_98 = vector.broadcast %and3A_97 : i32 to vector<16xi32>
    %and3A_99 = arith.andi %get3A_96, %and3A_98 : vector<16xi32>
    %swap3A_100 = arith.constant 80 : index
    %swap3A_101 = tpu.vector_load %arg10[%swap3A_100] {strides = array<i32>} : memref<128xi32, #tpu.memory_space<vmem>>, vector<16xi32>,
    %swap3A_102 = vector.shape_cast %swap3A_101 : vector<16xi32> to vector<16xi32>
    %swap3A_103 = vector.shape_cast %and3A_99 : vector<16xi32> to vector<16xi32>
    tpu.vector_store %arg10[%swap3A_100], %swap3A_103 {strides = array<i32>} : memref<128xi32, #tpu.memory_space<vmem>>, vector<16xi32>,
    %shift_right_arithmetic3A_104 = arith.constant 15 : i32
    %shift_right_arithmetic3A_105 = vector.broadcast %shift_right_arithmetic3A_104 : i32 to vector<16xi32>
    %shift_right_arithmetic3A_106 = arith.shrsi %get3A_96, %shift_right_arithmetic3A_105 : vector<16xi32>
    %swap3A_107 = arith.constant 80 : index
    %swap3A_108 = tpu.vector_load %arg12[%swap3A_107] {strides = array<i32>} : memref<128xi32, #tpu.memory_space<vmem>>, vector<16xi32>,
    %swap3A_109 = vector.shape_cast %swap3A_108 : vector<16xi32> to vector<16xi32>
    %swap3A_110 = vector.shape_cast %shift_right_arithmetic3A_106 : vector<16xi32> to vector<16xi32>
    tpu.vector_store %arg12[%swap3A_107], %swap3A_110 {strides = array<i32>} : memref<128xi32, #tpu.memory_space<vmem>>, vector<16xi32>,
    %get3A_111 = arith.constant 0 : i32
    %get3A_112 = arith.index_cast %get3A_111 : i32 to index
    %get3A_113 = arith.constant 96 : index
    %get3A_114 = tpu.vector_load %arg9[%get3A_112, %get3A_113] {strides = array<i32>} : memref<160x128xi32, #tpu.memory_space<vmem>>, vector<1x16xi32>,
    %get3A_115 = vector.shape_cast %get3A_114 : vector<1x16xi32> to vector<16xi32>
    %and3A_116 = arith.constant 32767 : i32
    %and3A_117 = vector.broadcast %and3A_116 : i32 to vector<16xi32>
    %and3A_118 = arith.andi %get3A_115, %and3A_117 : vector<16xi32>
    %swap3A_119 = arith.constant 96 : index
    %swap3A_120 = tpu.vector_load %arg10[%swap3A_119] {strides = array<i32>} : memref<128xi32, #tpu.memory_space<vmem>>, vector<16xi32>,
    %swap3A_121 = vector.shape_cast %swap3A_120 : vector<16xi32> to vector<16xi32>
    %swap3A_122 = vector.shape_cast %and3A_118 : vector<16xi32> to vector<16xi32>
    tpu.vector_store %arg10[%swap3A_119], %swap3A_122 {strides = array<i32>} : memref<128xi32, #tpu.memory_space<vmem>>, vector<16xi32>,
    %shift_right_arithmetic3A_123 = arith.constant 15 : i32
    %shift_right_arithmetic3A_124 = vector.broadcast %shift_right_arithmetic3A_123 : i32 to vector<16xi32>
    %shift_right_arithmetic3A_125 = arith.shrsi %get3A_115, %shift_right_arithmetic3A_124 : vector<16xi32>
    %swap3A_126 = arith.constant 96 : index
    %swap3A_127 = tpu.vector_load %arg12[%swap3A_126] {strides = array<i32>} : memref<128xi32, #tpu.memory_space<vmem>>, vector<16xi32>,
    %swap3A_128 = vector.shape_cast %swap3A_127 : vector<16xi32> to vector<16xi32>
    %swap3A_129 = vector.shape_cast %shift_right_arithmetic3A_125 : vector<16xi32> to vector<16xi32>
    tpu.vector_store %arg12[%swap3A_126], %swap3A_129 {strides = array<i32>} : memref<128xi32, #tpu.memory_space<vmem>>, vector<16xi32>,
    %get3A_130 = arith.constant 0 : i32
    %get3A_131 = arith.index_cast %get3A_130 : i32 to index
    %get3A_132 = arith.constant 112 : index
    %get3A_133 = tpu.vector_load %arg9[%get3A_131, %get3A_132] {strides = array<i32>} : memref<160x128xi32, #tpu.memory_space<vmem>>, vector<1x16xi32>,
    %get3A_134 = vector.shape_cast %get3A_133 : vector<1x16xi32> to vector<16xi32>
    %and3A_135 = arith.constant 32767 : i32
    %and3A_136 = vector.broadcast %and3A_135 : i32 to vector<16xi32>
    %and3A_137 = arith.andi %get3A_134, %and3A_136 : vector<16xi32>
    %swap3A_138 = arith.constant 112 : index
    %swap3A_139 = tpu.vector_load %arg10[%swap3A_138] {strides = array<i32>} : memref<128xi32, #tpu.memory_space<vmem>>, vector<16xi32>,
    %swap3A_140 = vector.shape_cast %swap3A_139 : vector<16xi32> to vector<16xi32>
    %swap3A_141 = vector.shape_cast %and3A_137 : vector<16xi32> to vector<16xi32>
    tpu.vector_store %arg10[%swap3A_138], %swap3A_141 {strides = array<i32>} : memref<128xi32, #tpu.memory_space<vmem>>, vector<16xi32>,
    %shift_right_arithmetic3A_142 = arith.constant 15 : i32
    %shift_right_arithmetic3A_143 = vector.broadcast %shift_right_arithmetic3A_142 : i32 to vector<16xi32>
    %shift_right_arithmetic3A_144 = arith.shrsi %get3A_134, %shift_right_arithmetic3A_143 : vector<16xi32>
    %swap3A_145 = arith.constant 112 : index
    %swap3A_146 = tpu.vector_load %arg12[%swap3A_145] {strides = array<i32>} : memref<128xi32, #tpu.memory_space<vmem>>, vector<16xi32>,
    %swap3A_147 = vector.shape_cast %swap3A_146 : vector<16xi32> to vector<16xi32>
    %swap3A_148 = vector.shape_cast %shift_right_arithmetic3A_144 : vector<16xi32> to vector<16xi32>
    tpu.vector_store %arg12[%swap3A_145], %swap3A_148 {strides = array<i32>} : memref<128xi32, #tpu.memory_space<vmem>>, vector<16xi32>,
    %dma_start3A = arith.constant 0 : i32
    %dma_start3A_149 = arith.constant 0 : i32
    %dma_start3A_150 = tpu.memref_slice %arg4[%arg1, %dma_start3A, %dma_start3A_149] : memref<16x160x128xf32, #tpu.memory_space<hbm>> -> memref<1x1x128xf32, #tpu.memory_space<hbm>>
    %dma_start3A_151 = tpu.memref_squeeze %dma_start3A_150 : memref<1x1x128xf32, #tpu.memory_space<hbm>> -> memref<128xf32, #tpu.memory_space<hbm>>
    %dma_start3A_152 = arith.constant 0 : i32
    %dma_start3A_153 = tpu.memref_slice %arg4[%arg1, %dma_start3A, %dma_start3A_152] : memref<16x160x128xf32, #tpu.memory_space<hbm>> -> memref<1x1x128xf32, #tpu.memory_space<hbm>>
    %dma_start3A_154 = tpu.memref_squeeze %dma_start3A_153 : memref<1x1x128xf32, #tpu.memory_space<hbm>> -> memref<128xf32, #tpu.memory_space<hbm>>
    tpu.enqueue_dma source(%dma_start3A_154 : memref<128xf32, #tpu.memory_space<hbm>>) target(%arg14 : memref<128xf32, #tpu.memory_space<vmem>>) target_semaphore(%arg22 : memref<!tpu.dma_semaphore, #tpu.memory_space<semaphore_mem>>)
    %dma_start3A_155 = arith.constant 0 : i32
    %dma_start3A_156 = arith.constant 0 : i32
    %dma_start3A_157 = tpu.memref_slice %arg7[%dma_start3A_155, %dma_start3A_156] : memref<10240x64xf32, #tpu.memory_space<vmem_shared>> -> memref<10240x64xf32, #tpu.memory_space<vmem_shared>>
    tpu.enqueue_indirect_dma source(%dma_start3A_157 : memref<10240x64xf32, #tpu.memory_space<vmem_shared>>) target(%arg16 : memref<128x64xf32, #tpu.memory_space<vmem>>) offsets(%arg10 : memref<128xi32, #tpu.memory_space<vmem>>) semaphore(%arg18 : memref<!tpu.dma_semaphore, #tpu.memory_space<semaphore_mem>>)
    %get3A_158 = arith.constant 1 : i32
    %get3A_159 = arith.index_cast %get3A_158 : i32 to index
    %get3A_160 = arith.constant 0 : index
    %get3A_161 = tpu.vector_load %arg9[%get3A_159, %get3A_160] {strides = array<i32>} : memref<160x128xi32, #tpu.memory_space<vmem>>, vector<1x16xi32>,
    %get3A_162 = vector.shape_cast %get3A_161 : vector<1x16xi32> to vector<16xi32>
    %and3A_163 = arith.constant 32767 : i32
    %and3A_164 = vector.broadcast %and3A_163 : i32 to vector<16xi32>
    %and3A_165 = arith.andi %get3A_162, %and3A_164 : vector<16xi32>
    %swap3A_166 = arith.constant 0 : index
    %swap3A_167 = tpu.vector_load %arg11[%swap3A_166] {strides = array<i32>} : memref<128xi32, #tpu.memory_space<vmem>>, vector<16xi32>,
    %swap3A_168 = vector.shape_cast %swap3A_167 : vector<16xi32> to vector<16xi32>
    %swap3A_169 = vector.shape_cast %and3A_165 : vector<16xi32> to vector<16xi32>
    tpu.vector_store %arg11[%swap3A_166], %swap3A_169 {strides = array<i32>} : memref<128xi32, #tpu.memory_space<vmem>>, vector<16xi32>,
    %shift_right_arithmetic3A_170 = arith.constant 15 : i32
    %shift_right_arithmetic3A_171 = vector.broadcast %shift_right_arithmetic3A_170 : i32 to vector<16xi32>
    %shift_right_arithmetic3A_172 = arith.shrsi %get3A_162, %shift_right_arithmetic3A_171 : vector<16xi32>
    %swap3A_173 = arith.constant 0 : index
    %swap3A_174 = tpu.vector_load %arg13[%swap3A_173] {strides = array<i32>} : memref<128xi32, #tpu.memory_space<vmem>>, vector<16xi32>,
    %swap3A_175 = vector.shape_cast %swap3A_174 : vector<16xi32> to vector<16xi32>
    %swap3A_176 = vector.shape_cast %shift_right_arithmetic3A_172 : vector<16xi32> to vector<16xi32>
    tpu.vector_store %arg13[%swap3A_173], %swap3A_176 {strides = array<i32>} : memref<128xi32, #tpu.memory_space<vmem>>, vector<16xi32>,
    %get3A_177 = arith.constant 1 : i32
    %get3A_178 = arith.index_cast %get3A_177 : i32 to index
    %get3A_179 = arith.constant 16 : index
    %get3A_180 = tpu.vector_load %arg9[%get3A_178, %get3A_179] {strides = array<i32>} : memref<160x128xi32, #tpu.memory_space<vmem>>, vector<1x16xi32>,
    %get3A_181 = vector.shape_cast %get3A_180 : vector<1x16xi32> to vector<16xi32>
    %and3A_182 = arith.constant 32767 : i32
    %and3A_183 = vector.broadcast %and3A_182 : i32 to vector<16xi32>
    %and3A_184 = arith.andi %get3A_181, %and3A_183 : vector<16xi32>
    %swap3A_185 = arith.constant 16 : index
    %swap3A_186 = tpu.vector_load %arg11[%swap3A_185] {strides = array<i32>} : memref<128xi32, #tpu.memory_space<vmem>>, vector<16xi32>,
    %swap3A_187 = vector.shape_cast %swap3A_186 : vector<16xi32> to vector<16xi32>
    %swap3A_188 = vector.shape_cast %and3A_184 : vector<16xi32> to vector<16xi32>
    tpu.vector_store %arg11[%swap3A_185], %swap3A_188 {strides = array<i32>} : memref<128xi32, #tpu.memory_space<vmem>>, vector<16xi32>,
    %shift_right_arithmetic3A_189 = arith.constant 15 : i32
    %shift_right_arithmetic3A_190 = vector.broadcast %shift_right_arithmetic3A_189 : i32 to vector<16xi32>
    %shift_right_arithmetic3A_191 = arith.shrsi %get3A_181, %shift_right_arithmetic3A_190 : vector<16xi32>
    %swap3A_192 = arith.constant 16 : index
    %swap3A_193 = tpu.vector_load %arg13[%swap3A_192] {strides = array<i32>} : memref<128xi32, #tpu.memory_space<vmem>>, vector<16xi32>,
    %swap3A_194 = vector.shape_cast %swap3A_193 : vector<16xi32> to vector<16xi32>
    %swap3A_195 = vector.shape_cast %shift_right_arithmetic3A_191 : vector<16xi32> to vector<16xi32>
    tpu.vector_store %arg13[%swap3A_192], %swap3A_195 {strides = array<i32>} : memref<128xi32, #tpu.memory_space<vmem>>, vector<16xi32>,
    %get3A_196 = arith.constant 1 : i32
    %get3A_197 = arith.index_cast %get3A_196 : i32 to index
    %get3A_198 = arith.constant 32 : index
    %get3A_199 = tpu.vector_load %arg9[%get3A_197, %get3A_198] {strides = array<i32>} : memref<160x128xi32, #tpu.memory_space<vmem>>, vector<1x16xi32>,
    %get3A_200 = vector.shape_cast %get3A_199 : vector<1x16xi32> to vector<16xi32>
    %and3A_201 = arith.constant 32767 : i32
    %and3A_202 = vector.broadcast %and3A_201 : i32 to vector<16xi32>
    %and3A_203 = arith.andi %get3A_200, %and3A_202 : vector<16xi32>
    %swap3A_204 = arith.constant 32 : index
    %swap3A_205 = tpu.vector_load %arg11[%swap3A_204] {strides = array<i32>} : memref<128xi32, #tpu.memory_space<vmem>>, vector<16xi32>,
    %swap3A_206 = vector.shape_cast %swap3A_205 : vector<16xi32> to vector<16xi32>
    %swap3A_207 = vector.shape_cast %and3A_203 : vector<16xi32> to vector<16xi32>
    tpu.vector_store %arg11[%swap3A_204], %swap3A_207 {strides = array<i32>} : memref<128xi32, #tpu.memory_space<vmem>>, vector<16xi32>,
    %shift_right_arithmetic3A_208 = arith.constant 15 : i32
    %shift_right_arithmetic3A_209 = vector.broadcast %shift_right_arithmetic3A_208 : i32 to vector<16xi32>
    %shift_right_arithmetic3A_210 = arith.shrsi %get3A_200, %shift_right_arithmetic3A_209 : vector<16xi32>
    %swap3A_211 = arith.constant 32 : index
    %swap3A_212 = tpu.vector_load %arg13[%swap3A_211] {strides = array<i32>} : memref<128xi32, #tpu.memory_space<vmem>>, vector<16xi32>,
    %swap3A_213 = vector.shape_cast %swap3A_212 : vector<16xi32> to vector<16xi32>
    %swap3A_214 = vector.shape_cast %shift_right_arithmetic3A_210 : vector<16xi32> to vector<16xi32>
    tpu.vector_store %arg13[%swap3A_211], %swap3A_214 {strides = array<i32>} : memref<128xi32, #tpu.memory_space<vmem>>, vector<16xi32>,
    %get3A_215 = arith.constant 1 : i32
    %get3A_216 = arith.index_cast %get3A_215 : i32 to index
    %get3A_217 = arith.constant 48 : index
    %get3A_218 = tpu.vector_load %arg9[%get3A_216, %get3A_217] {strides = array<i32>} : memref<160x128xi32, #tpu.memory_space<vmem>>, vector<1x16xi32>,
    %get3A_219 = vector.shape_cast %get3A_218 : vector<1x16xi32> to vector<16xi32>
    %and3A_220 = arith.constant 32767 : i32
    %and3A_221 = vector.broadcast %and3A_220 : i32 to vector<16xi32>
    %and3A_222 = arith.andi %get3A_219, %and3A_221 : vector<16xi32>
    %swap3A_223 = arith.constant 48 : index
    %swap3A_224 = tpu.vector_load %arg11[%swap3A_223] {strides = array<i32>} : memref<128xi32, #tpu.memory_space<vmem>>, vector<16xi32>,
    %swap3A_225 = vector.shape_cast %swap3A_224 : vector<16xi32> to vector<16xi32>
    %swap3A_226 = vector.shape_cast %and3A_222 : vector<16xi32> to vector<16xi32>
    tpu.vector_store %arg11[%swap3A_223], %swap3A_226 {strides = array<i32>} : memref<128xi32, #tpu.memory_space<vmem>>, vector<16xi32>,
    %shift_right_arithmetic3A_227 = arith.constant 15 : i32
    %shift_right_arithmetic3A_228 = vector.broadcast %shift_right_arithmetic3A_227 : i32 to vector<16xi32>
    %shift_right_arithmetic3A_229 = arith.shrsi %get3A_219, %shift_right_arithmetic3A_228 : vector<16xi32>
    %swap3A_230 = arith.constant 48 : index
    %swap3A_231 = tpu.vector_load %arg13[%swap3A_230] {strides = array<i32>} : memref<128xi32, #tpu.memory_space<vmem>>, vector<16xi32>,
    %swap3A_232 = vector.shape_cast %swap3A_231 : vector<16xi32> to vector<16xi32>
    %swap3A_233 = vector.shape_cast %shift_right_arithmetic3A_229 : vector<16xi32> to vector<16xi32>
    tpu.vector_store %arg13[%swap3A_230], %swap3A_233 {strides = array<i32>} : memref<128xi32, #tpu.memory_space<vmem>>, vector<16xi32>,
    %get3A_234 = arith.constant 1 : i32
    %get3A_235 = arith.index_cast %get3A_234 : i32 to index
    %get3A_236 = arith.constant 64 : index
    %get3A_237 = tpu.vector_load %arg9[%get3A_235, %get3A_236] {strides = array<i32>} : memref<160x128xi32, #tpu.memory_space<vmem>>, vector<1x16xi32>,
    %get3A_238 = vector.shape_cast %get3A_237 : vector<1x16xi32> to vector<16xi32>
    %and3A_239 = arith.constant 32767 : i32
    %and3A_240 = vector.broadcast %and3A_239 : i32 to vector<16xi32>
    %and3A_241 = arith.andi %get3A_238, %and3A_240 : vector<16xi32>
    %swap3A_242 = arith.constant 64 : index
    %swap3A_243 = tpu.vector_load %arg11[%swap3A_242] {strides = array<i32>} : memref<128xi32, #tpu.memory_space<vmem>>, vector<16xi32>,
    %swap3A_244 = vector.shape_cast %swap3A_243 : vector<16xi32> to vector<16xi32>
    %swap3A_245 = vector.shape_cast %and3A_241 : vector<16xi32> to vector<16xi32>
    tpu.vector_store %arg11[%swap3A_242], %swap3A_245 {strides = array<i32>} : memref<128xi32, #tpu.memory_space<vmem>>, vector<16xi32>,
    %shift_right_arithmetic3A_246 = arith.constant 15 : i32
    %shift_right_arithmetic3A_247 = vector.broadcast %shift_right_arithmetic3A_246 : i32 to vector<16xi32>
    %shift_right_arithmetic3A_248 = arith.shrsi %get3A_238, %shift_right_arithmetic3A_247 : vector<16xi32>
    %swap3A_249 = arith.constant 64 : index
    %swap3A_250 = tpu.vector_load %arg13[%swap3A_249] {strides = array<i32>} : memref<128xi32, #tpu.memory_space<vmem>>, vector<16xi32>,
    %swap3A_251 = vector.shape_cast %swap3A_250 : vector<16xi32> to vector<16xi32>
    %swap3A_252 = vector.shape_cast %shift_right_arithmetic3A_248 : vector<16xi32> to vector<16xi32>
    tpu.vector_store %arg13[%swap3A_249], %swap3A_252 {strides = array<i32>} : memref<128xi32, #tpu.memory_space<vmem>>, vector<16xi32>,
    %get3A_253 = arith.constant 1 : i32
    %get3A_254 = arith.index_cast %get3A_253 : i32 to index
    %get3A_255 = arith.constant 80 : index
    %get3A_256 = tpu.vector_load %arg9[%get3A_254, %get3A_255] {strides = array<i32>} : memref<160x128xi32, #tpu.memory_space<vmem>>, vector<1x16xi32>,
    %get3A_257 = vector.shape_cast %get3A_256 : vector<1x16xi32> to vector<16xi32>
    %and3A_258 = arith.constant 32767 : i32
    %and3A_259 = vector.broadcast %and3A_258 : i32 to vector<16xi32>
    %and3A_260 = arith.andi %get3A_257, %and3A_259 : vector<16xi32>
    %swap3A_261 = arith.constant 80 : index
    %swap3A_262 = tpu.vector_load %arg11[%swap3A_261] {strides = array<i32>} : memref<128xi32, #tpu.memory_space<vmem>>, vector<16xi32>,
    %swap3A_263 = vector.shape_cast %swap3A_262 : vector<16xi32> to vector<16xi32>
    %swap3A_264 = vector.shape_cast %and3A_260 : vector<16xi32> to vector<16xi32>
    tpu.vector_store %arg11[%swap3A_261], %swap3A_264 {strides = array<i32>} : memref<128xi32, #tpu.memory_space<vmem>>, vector<16xi32>,
    %shift_right_arithmetic3A_265 = arith.constant 15 : i32
    %shift_right_arithmetic3A_266 = vector.broadcast %shift_right_arithmetic3A_265 : i32 to vector<16xi32>
    %shift_right_arithmetic3A_267 = arith.shrsi %get3A_257, %shift_right_arithmetic3A_266 : vector<16xi32>
    %swap3A_268 = arith.constant 80 : index
    %swap3A_269 = tpu.vector_load %arg13[%swap3A_268] {strides = array<i32>} : memref<128xi32, #tpu.memory_space<vmem>>, vector<16xi32>,
    %swap3A_270 = vector.shape_cast %swap3A_269 : vector<16xi32> to vector<16xi32>
    %swap3A_271 = vector.shape_cast %shift_right_arithmetic3A_267 : vector<16xi32> to vector<16xi32>
    tpu.vector_store %arg13[%swap3A_268], %swap3A_271 {strides = array<i32>} : memref<128xi32, #tpu.memory_space<vmem>>, vector<16xi32>,
    %get3A_272 = arith.constant 1 : i32
    %get3A_273 = arith.index_cast %get3A_272 : i32 to index
    %get3A_274 = arith.constant 96 : index
    %get3A_275 = tpu.vector_load %arg9[%get3A_273, %get3A_274] {strides = array<i32>} : memref<160x128xi32, #tpu.memory_space<vmem>>, vector<1x16xi32>,
    %get3A_276 = vector.shape_cast %get3A_275 : vector<1x16xi32> to vector<16xi32>
    %and3A_277 = arith.constant 32767 : i32
    %and3A_278 = vector.broadcast %and3A_277 : i32 to vector<16xi32>
    %and3A_279 = arith.andi %get3A_276, %and3A_278 : vector<16xi32>
    %swap3A_280 = arith.constant 96 : index
    %swap3A_281 = tpu.vector_load %arg11[%swap3A_280] {strides = array<i32>} : memref<128xi32, #tpu.memory_space<vmem>>, vector<16xi32>,
    %swap3A_282 = vector.shape_cast %swap3A_281 : vector<16xi32> to vector<16xi32>
    %swap3A_283 = vector.shape_cast %and3A_279 : vector<16xi32> to vector<16xi32>
    tpu.vector_store %arg11[%swap3A_280], %swap3A_283 {strides = array<i32>} : memref<128xi32, #tpu.memory_space<vmem>>, vector<16xi32>,
    %shift_right_arithmetic3A_284 = arith.constant 15 : i32
    %shift_right_arithmetic3A_285 = vector.broadcast %shift_right_arithmetic3A_284 : i32 to vector<16xi32>
    %shift_right_arithmetic3A_286 = arith.shrsi %get3A_276, %shift_right_arithmetic3A_285 : vector<16xi32>
    %swap3A_287 = arith.constant 96 : index
    %swap3A_288 = tpu.vector_load %arg13[%swap3A_287] {strides = array<i32>} : memref<128xi32, #tpu.memory_space<vmem>>, vector<16xi32>,
    %swap3A_289 = vector.shape_cast %swap3A_288 : vector<16xi32> to vector<16xi32>
    %swap3A_290 = vector.shape_cast %shift_right_arithmetic3A_286 : vector<16xi32> to vector<16xi32>
    tpu.vector_store %arg13[%swap3A_287], %swap3A_290 {strides = array<i32>} : memref<128xi32, #tpu.memory_space<vmem>>, vector<16xi32>,
    %get3A_291 = arith.constant 1 : i32
    %get3A_292 = arith.index_cast %get3A_291 : i32 to index
    %get3A_293 = arith.constant 112 : index
    %get3A_294 = tpu.vector_load %arg9[%get3A_292, %get3A_293] {strides = array<i32>} : memref<160x128xi32, #tpu.memory_space<vmem>>, vector<1x16xi32>,
    %get3A_295 = vector.shape_cast %get3A_294 : vector<1x16xi32> to vector<16xi32>
    %and3A_296 = arith.constant 32767 : i32
    %and3A_297 = vector.broadcast %and3A_296 : i32 to vector<16xi32>
    %and3A_298 = arith.andi %get3A_295, %and3A_297 : vector<16xi32>
    %swap3A_299 = arith.constant 112 : index
    %swap3A_300 = tpu.vector_load %arg11[%swap3A_299] {strides = array<i32>} : memref<128xi32, #tpu.memory_space<vmem>>, vector<16xi32>,
    %swap3A_301 = vector.shape_cast %swap3A_300 : vector<16xi32> to vector<16xi32>
    %swap3A_302 = vector.shape_cast %and3A_298 : vector<16xi32> to vector<16xi32>
    tpu.vector_store %arg11[%swap3A_299], %swap3A_302 {strides = array<i32>} : memref<128xi32, #tpu.memory_space<vmem>>, vector<16xi32>,
    %shift_right_arithmetic3A_303 = arith.constant 15 : i32
    %shift_right_arithmetic3A_304 = vector.broadcast %shift_right_arithmetic3A_303 : i32 to vector<16xi32>
    %shift_right_arithmetic3A_305 = arith.shrsi %get3A_295, %shift_right_arithmetic3A_304 : vector<16xi32>
    %swap3A_306 = arith.constant 112 : index
    %swap3A_307 = tpu.vector_load %arg13[%swap3A_306] {strides = array<i32>} : memref<128xi32, #tpu.memory_space<vmem>>, vector<16xi32>,
    %swap3A_308 = vector.shape_cast %swap3A_307 : vector<16xi32> to vector<16xi32>
    %swap3A_309 = vector.shape_cast %shift_right_arithmetic3A_305 : vector<16xi32> to vector<16xi32>
    tpu.vector_store %arg13[%swap3A_306], %swap3A_309 {strides = array<i32>} : memref<128xi32, #tpu.memory_space<vmem>>, vector<16xi32>,
    %dma_start3A_310 = arith.constant 1 : i32
    %dma_start3A_311 = arith.constant 0 : i32
    %dma_start3A_312 = tpu.memref_slice %arg4[%arg1, %dma_start3A_310, %dma_start3A_311] : memref<16x160x128xf32, #tpu.memory_space<hbm>> -> memref<1x1x128xf32, #tpu.memory_space<hbm>>
    %dma_start3A_313 = tpu.memref_squeeze %dma_start3A_312 : memref<1x1x128xf32, #tpu.memory_space<hbm>> -> memref<128xf32, #tpu.memory_space<hbm>>
    %dma_start3A_314 = arith.constant 0 : i32
    %dma_start3A_315 = tpu.memref_slice %arg4[%arg1, %dma_start3A_310, %dma_start3A_314] : memref<16x160x128xf32, #tpu.memory_space<hbm>> -> memref<1x1x128xf32, #tpu.memory_space<hbm>>
    %dma_start3A_316 = tpu.memref_squeeze %dma_start3A_315 : memref<1x1x128xf32, #tpu.memory_space<hbm>> -> memref<128xf32, #tpu.memory_space<hbm>>
    tpu.enqueue_dma source(%dma_start3A_316 : memref<128xf32, #tpu.memory_space<hbm>>) target(%arg15 : memref<128xf32, #tpu.memory_space<vmem>>) target_semaphore(%arg23 : memref<!tpu.dma_semaphore, #tpu.memory_space<semaphore_mem>>)
    %dma_start3A_317 = arith.constant 0 : i32
    %dma_start3A_318 = arith.constant 0 : i32
    %dma_start3A_319 = tpu.memref_slice %arg7[%dma_start3A_317, %dma_start3A_318] : memref<10240x64xf32, #tpu.memory_space<vmem_shared>> -> memref<10240x64xf32, #tpu.memory_space<vmem_shared>>
    tpu.enqueue_indirect_dma source(%dma_start3A_319 : memref<10240x64xf32, #tpu.memory_space<vmem_shared>>) target(%arg17 : memref<128x64xf32, #tpu.memory_space<vmem>>) offsets(%arg11 : memref<128xi32, #tpu.memory_space<vmem>>) semaphore(%arg19 : memref<!tpu.dma_semaphore, #tpu.memory_space<semaphore_mem>>)
    %scan3A = arith.constant 0 : i32
    %scan3A_320 = arith.constant 0 : i32
    %scan3A_321 = arith.constant 80 : i32
    %scan3A_322 = arith.addi %scan3A_320, %scan3A_321 : i32
    %scan3A_323 = arith.constant 1 : i32
    scf.for %scan3A_331 = %scan3A_320 to %scan3A_322 step %scan3A_323  : i32 {
      %mul3A_332 = arith.constant 2 : i32
      %mul3A_333 = arith.muli %scan3A_331, %mul3A_332 : i32
      %add3A = arith.constant 0 : i32
      %add3A_334 = arith.addi %mul3A_333, %add3A : i32
      %dma_wait3A_335 = arith.constant 0 : i32
      %dma_wait3A_336 = arith.constant 0 : i32
      %dma_wait3A_337 = tpu.memref_slice %arg7[%dma_wait3A_335, %dma_wait3A_336] : memref<10240x64xf32, #tpu.memory_space<vmem_shared>> -> memref<10240x64xf32, #tpu.memory_space<vmem_shared>>
      tpu.wait_indirect_dma semaphore(%arg18 : memref<!tpu.dma_semaphore, #tpu.memory_space<semaphore_mem>>) src(%dma_wait3A_337 : memref<10240x64xf32, #tpu.memory_space<vmem_shared>>) dst(%arg16 : memref<128x64xf32, #tpu.memory_space<vmem>>)
      %dma_wait3A_338 = arith.constant 0 : i32
      %dma_wait3A_339 = arith.constant 0 : i32
      %dma_wait3A_340 = tpu.memref_slice %arg4[%arg1, %dma_wait3A_338, %dma_wait3A_339] : memref<16x160x128xf32, #tpu.memory_space<hbm>> -> memref<1x1x128xf32, #tpu.memory_space<hbm>>
      %dma_wait3A_341 = tpu.memref_squeeze %dma_wait3A_340 : memref<1x1x128xf32, #tpu.memory_space<hbm>> -> memref<128xf32, #tpu.memory_space<hbm>>
      %dma_wait3A_342 = arith.constant 0 : i32
      %dma_wait3A_343 = tpu.memref_slice %arg4[%arg1, %dma_wait3A_338, %dma_wait3A_342] : memref<16x160x128xf32, #tpu.memory_space<hbm>> -> memref<1x1x128xf32, #tpu.memory_space<hbm>>
      %dma_wait3A_344 = tpu.memref_squeeze %dma_wait3A_343 : memref<1x1x128xf32, #tpu.memory_space<hbm>> -> memref<128xf32, #tpu.memory_space<hbm>>
      tpu.wait_dma2 semaphore(%arg22 : memref<!tpu.dma_semaphore, #tpu.memory_space<semaphore_mem>>) src(%dma_wait3A_344 : memref<128xf32, #tpu.memory_space<hbm>>) dst(%arg14 : memref<128xf32, #tpu.memory_space<vmem>>)
      %scan3A_345 = arith.constant 0 : i32
      %scan3A_346 = arith.constant 0 : i32
      %scan3A_347 = arith.constant 8 : i32
      %scan3A_348 = arith.addi %scan3A_346, %scan3A_347 : i32
      %scan3A_349 = arith.constant 1 : i32
      scf.for %scan3A_388 = %scan3A_346 to %scan3A_348 step %scan3A_349  : i32 {
        %mul3A_389 = arith.constant 16 : i32
        %mul3A_390 = arith.muli %scan3A_388, %mul3A_389 : i32
        %get3A_391 = arith.index_cast %mul3A_390 : i32 to index
        %get3A_392 = tpu.vector_load %arg14[%get3A_391] {strides = array<i32>} : memref<128xf32, #tpu.memory_space<vmem>>, vector<16xf32>,
        %get3A_393 = vector.shape_cast %get3A_392 : vector<16xf32> to vector<16xf32>
        %mul3A_394 = arith.constant 16 : i32
        %mul3A_395 = arith.muli %scan3A_388, %mul3A_394 : i32
        %add3A_396 = arith.constant 0 : i32
        %add3A_397 = arith.addi %mul3A_395, %add3A_396 : i32
        %slice3A = vector.extract_strided_slice %get3A_393 {offsets = [0], sizes = [1], strides = [1]} : vector<16xf32> to vector<1xf32>
        %squeeze3A = vector.extract %slice3A[0] : f32 from vector<1xf32>
        %get3A_398 = arith.index_cast %add3A_397 : i32 to index
        %get3A_399 = arith.constant 0 : index
        %get3A_400 = tpu.vector_load %arg16[%get3A_398, %get3A_399] {strides = array<i32>} : memref<128x64xf32, #tpu.memory_space<vmem>>, vector<1x16xf32>,
        %get3A_401 = vector.shape_cast %get3A_400 : vector<1x16xf32> to vector<16xf32>
        %mul3A_402 = vector.broadcast %squeeze3A : f32 to vector<16xf32>
        %mul3A_403 = arith.mulf %get3A_401, %mul3A_402 : vector<16xf32>
        %swap3A_404 = arith.index_cast %add3A_397 : i32 to index
        %swap3A_405 = arith.constant 0 : index
        %swap3A_406 = tpu.vector_load %arg16[%swap3A_404, %swap3A_405] {strides = array<i32>} : memref<128x64xf32, #tpu.memory_space<vmem>>, vector<1x16xf32>,
        %swap3A_407 = vector.shape_cast %swap3A_406 : vector<1x16xf32> to vector<16xf32>
        %swap3A_408 = vector.shape_cast %mul3A_403 : vector<16xf32> to vector<1x16xf32>
        tpu.vector_store %arg16[%swap3A_404, %swap3A_405], %swap3A_408 {strides = array<i32>} : memref<128x64xf32, #tpu.memory_space<vmem>>, vector<1x16xf32>,
        %get3A_409 = arith.index_cast %add3A_397 : i32 to index
        %get3A_410 = arith.constant 16 : index
        %get3A_411 = tpu.vector_load %arg16[%get3A_409, %get3A_410] {strides = array<i32>} : memref<128x64xf32, #tpu.memory_space<vmem>>, vector<1x16xf32>,
        %get3A_412 = vector.shape_cast %get3A_411 : vector<1x16xf32> to vector<16xf32>
        %mul3A_413 = vector.broadcast %squeeze3A : f32 to vector<16xf32>
        %mul3A_414 = arith.mulf %get3A_412, %mul3A_413 : vector<16xf32>
        %swap3A_415 = arith.index_cast %add3A_397 : i32 to index
        %swap3A_416 = arith.constant 16 : index
        %swap3A_417 = tpu.vector_load %arg16[%swap3A_415, %swap3A_416] {strides = array<i32>} : memref<128x64xf32, #tpu.memory_space<vmem>>, vector<1x16xf32>,
        %swap3A_418 = vector.shape_cast %swap3A_417 : vector<1x16xf32> to vector<16xf32>
        %swap3A_419 = vector.shape_cast %mul3A_414 : vector<16xf32> to vector<1x16xf32>
        tpu.vector_store %arg16[%swap3A_415, %swap3A_416], %swap3A_419 {strides = array<i32>} : memref<128x64xf32, #tpu.memory_space<vmem>>, vector<1x16xf32>,
        %get3A_420 = arith.index_cast %add3A_397 : i32 to index
        %get3A_421 = arith.constant 32 : index
        %get3A_422 = tpu.vector_load %arg16[%get3A_420, %get3A_421] {strides = array<i32>} : memref<128x64xf32, #tpu.memory_space<vmem>>, vector<1x16xf32>,
        %get3A_423 = vector.shape_cast %get3A_422 : vector<1x16xf32> to vector<16xf32>
        %mul3A_424 = vector.broadcast %squeeze3A : f32 to vector<16xf32>
        %mul3A_425 = arith.mulf %get3A_423, %mul3A_424 : vector<16xf32>
        %swap3A_426 = arith.index_cast %add3A_397 : i32 to index
        %swap3A_427 = arith.constant 32 : index
        %swap3A_428 = tpu.vector_load %arg16[%swap3A_426, %swap3A_427] {strides = array<i32>} : memref<128x64xf32, #tpu.memory_space<vmem>>, vector<1x16xf32>,
        %swap3A_429 = vector.shape_cast %swap3A_428 : vector<1x16xf32> to vector<16xf32>
        %swap3A_430 = vector.shape_cast %mul3A_425 : vector<16xf32> to vector<1x16xf32>
        tpu.vector_store %arg16[%swap3A_426, %swap3A_427], %swap3A_430 {strides = array<i32>} : memref<128x64xf32, #tpu.memory_space<vmem>>, vector<1x16xf32>,
        %get3A_431 = arith.index_cast %add3A_397 : i32 to index
        %get3A_432 = arith.constant 48 : index
        %get3A_433 = tpu.vector_load %arg16[%get3A_431, %get3A_432] {strides = array<i32>} : memref<128x64xf32, #tpu.memory_space<vmem>>, vector<1x16xf32>,
        %get3A_434 = vector.shape_cast %get3A_433 : vector<1x16xf32> to vector<16xf32>
        %mul3A_435 = vector.broadcast %squeeze3A : f32 to vector<16xf32>
        %mul3A_436 = arith.mulf %get3A_434, %mul3A_435 : vector<16xf32>
        %swap3A_437 = arith.index_cast %add3A_397 : i32 to index
        %swap3A_438 = arith.constant 48 : index
        %swap3A_439 = tpu.vector_load %arg16[%swap3A_437, %swap3A_438] {strides = array<i32>} : memref<128x64xf32, #tpu.memory_space<vmem>>, vector<1x16xf32>,
        %swap3A_440 = vector.shape_cast %swap3A_439 : vector<1x16xf32> to vector<16xf32>
        %swap3A_441 = vector.shape_cast %mul3A_436 : vector<16xf32> to vector<1x16xf32>
        tpu.vector_store %arg16[%swap3A_437, %swap3A_438], %swap3A_441 {strides = array<i32>} : memref<128x64xf32, #tpu.memory_space<vmem>>, vector<1x16xf32>,
        %mul3A_442 = arith.constant 16 : i32
        %mul3A_443 = arith.muli %scan3A_388, %mul3A_442 : i32
        %add3A_444 = arith.constant 1 : i32
        %add3A_445 = arith.addi %mul3A_443, %add3A_444 : i32
        %slice3A_446 = vector.extract_strided_slice %get3A_393 {offsets = [1], sizes = [1], strides = [1]} : vector<16xf32> to vector<1xf32>
        %squeeze3A_447 = vector.extract %slice3A_446[0] : f32 from vector<1xf32>
        %get3A_448 = arith.index_cast %add3A_445 : i32 to index
        %get3A_449 = arith.constant 0 : index
        %get3A_450 = tpu.vector_load %arg16[%get3A_448, %get3A_449] {strides = array<i32>} : memref<128x64xf32, #tpu.memory_space<vmem>>, vector<1x16xf32>,
        %get3A_451 = vector.shape_cast %get3A_450 : vector<1x16xf32> to vector<16xf32>
        %mul3A_452 = vector.broadcast %squeeze3A_447 : f32 to vector<16xf32>
        %mul3A_453 = arith.mulf %get3A_451, %mul3A_452 : vector<16xf32>
        %swap3A_454 = arith.index_cast %add3A_445 : i32 to index
        %swap3A_455 = arith.constant 0 : index
        %swap3A_456 = tpu.vector_load %arg16[%swap3A_454, %swap3A_455] {strides = array<i32>} : memref<128x64xf32, #tpu.memory_space<vmem>>, vector<1x16xf32>,
        %swap3A_457 = vector.shape_cast %swap3A_456 : vector<1x16xf32> to vector<16xf32>
        %swap3A_458 = vector.shape_cast %mul3A_453 : vector<16xf32> to vector<1x16xf32>
        tpu.vector_store %arg16[%swap3A_454, %swap3A_455], %swap3A_458 {strides = array<i32>} : memref<128x64xf32, #tpu.memory_space<vmem>>, vector<1x16xf32>,
        %get3A_459 = arith.index_cast %add3A_445 : i32 to index
        %get3A_460 = arith.constant 16 : index
        %get3A_461 = tpu.vector_load %arg16[%get3A_459, %get3A_460] {strides = array<i32>} : memref<128x64xf32, #tpu.memory_space<vmem>>, vector<1x16xf32>,
        %get3A_462 = vector.shape_cast %get3A_461 : vector<1x16xf32> to vector<16xf32>
        %mul3A_463 = vector.broadcast %squeeze3A_447 : f32 to vector<16xf32>
        %mul3A_464 = arith.mulf %get3A_462, %mul3A_463 : vector<16xf32>
        %swap3A_465 = arith.index_cast %add3A_445 : i32 to index
        %swap3A_466 = arith.constant 16 : index
        %swap3A_467 = tpu.vector_load %arg16[%swap3A_465, %swap3A_466] {strides = array<i32>} : memref<128x64xf32, #tpu.memory_space<vmem>>, vector<1x16xf32>,
        %swap3A_468 = vector.shape_cast %swap3A_467 : vector<1x16xf32> to vector<16xf32>
        %swap3A_469 = vector.shape_cast %mul3A_464 : vector<16xf32> to vector<1x16xf32>
        tpu.vector_store %arg16[%swap3A_465, %swap3A_466], %swap3A_469 {strides = array<i32>} : memref<128x64xf32, #tpu.memory_space<vmem>>, vector<1x16xf32>,
        %get3A_470 = arith.index_cast %add3A_445 : i32 to index
        %get3A_471 = arith.constant 32 : index
        %get3A_472 = tpu.vector_load %arg16[%get3A_470, %get3A_471] {strides = array<i32>} : memref<128x64xf32, #tpu.memory_space<vmem>>, vector<1x16xf32>,
        %get3A_473 = vector.shape_cast %get3A_472 : vector<1x16xf32> to vector<16xf32>
        %mul3A_474 = vector.broadcast %squeeze3A_447 : f32 to vector<16xf32>
        %mul3A_475 = arith.mulf %get3A_473, %mul3A_474 : vector<16xf32>
        %swap3A_476 = arith.index_cast %add3A_445 : i32 to index
        %swap3A_477 = arith.constant 32 : index
        %swap3A_478 = tpu.vector_load %arg16[%swap3A_476, %swap3A_477] {strides = array<i32>} : memref<128x64xf32, #tpu.memory_space<vmem>>, vector<1x16xf32>,
        %swap3A_479 = vector.shape_cast %swap3A_478 : vector<1x16xf32> to vector<16xf32>
        %swap3A_480 = vector.shape_cast %mul3A_475 : vector<16xf32> to vector<1x16xf32>
        tpu.vector_store %arg16[%swap3A_476, %swap3A_477], %swap3A_480 {strides = array<i32>} : memref<128x64xf32, #tpu.memory_space<vmem>>, vector<1x16xf32>,
        %get3A_481 = arith.index_cast %add3A_445 : i32 to index
        %get3A_482 = arith.constant 48 : index
        %get3A_483 = tpu.vector_load %arg16[%get3A_481, %get3A_482] {strides = array<i32>} : memref<128x64xf32, #tpu.memory_space<vmem>>, vector<1x16xf32>,
        %get3A_484 = vector.shape_cast %get3A_483 : vector<1x16xf32> to vector<16xf32>
        %mul3A_485 = vector.broadcast %squeeze3A_447 : f32 to vector<16xf32>
        %mul3A_486 = arith.mulf %get3A_484, %mul3A_485 : vector<16xf32>
        %swap3A_487 = arith.index_cast %add3A_445 : i32 to index
        %swap3A_488 = arith.constant 48 : index
        %swap3A_489 = tpu.vector_load %arg16[%swap3A_487, %swap3A_488] {strides = array<i32>} : memref<128x64xf32, #tpu.memory_space<vmem>>, vector<1x16xf32>,
        %swap3A_490 = vector.shape_cast %swap3A_489 : vector<1x16xf32> to vector<16xf32>
        %swap3A_491 = vector.shape_cast %mul3A_486 : vector<16xf32> to vector<1x16xf32>
        tpu.vector_store %arg16[%swap3A_487, %swap3A_488], %swap3A_491 {strides = array<i32>} : memref<128x64xf32, #tpu.memory_space<vmem>>, vector<1x16xf32>,
        %mul3A_492 = arith.constant 16 : i32
        %mul3A_493 = arith.muli %scan3A_388, %mul3A_492 : i32
        %add3A_494 = arith.constant 2 : i32
        %add3A_495 = arith.addi %mul3A_493, %add3A_494 : i32
        %slice3A_496 = vector.extract_strided_slice %get3A_393 {offsets = [2], sizes = [1], strides = [1]} : vector<16xf32> to vector<1xf32>
        %squeeze3A_497 = vector.extract %slice3A_496[0] : f32 from vector<1xf32>
        %get3A_498 = arith.index_cast %add3A_495 : i32 to index
        %get3A_499 = arith.constant 0 : index
        %get3A_500 = tpu.vector_load %arg16[%get3A_498, %get3A_499] {strides = array<i32>} : memref<128x64xf32, #tpu.memory_space<vmem>>, vector<1x16xf32>,
        %get3A_501 = vector.shape_cast %get3A_500 : vector<1x16xf32> to vector<16xf32>
        %mul3A_502 = vector.broadcast %squeeze3A_497 : f32 to vector<16xf32>
        %mul3A_503 = arith.mulf %get3A_501, %mul3A_502 : vector<16xf32>
        %swap3A_504 = arith.index_cast %add3A_495 : i32 to index
        %swap3A_505 = arith.constant 0 : index
        %swap3A_506 = tpu.vector_load %arg16[%swap3A_504, %swap3A_505] {strides = array<i32>} : memref<128x64xf32, #tpu.memory_space<vmem>>, vector<1x16xf32>,
        %swap3A_507 = vector.shape_cast %swap3A_506 : vector<1x16xf32> to vector<16xf32>
        %swap3A_508 = vector.shape_cast %mul3A_503 : vector<16xf32> to vector<1x16xf32>
        tpu.vector_store %arg16[%swap3A_504, %swap3A_505], %swap3A_508 {strides = array<i32>} : memref<128x64xf32, #tpu.memory_space<vmem>>, vector<1x16xf32>,
        %get3A_509 = arith.index_cast %add3A_495 : i32 to index
        %get3A_510 = arith.constant 16 : index
        %get3A_511 = tpu.vector_load %arg16[%get3A_509, %get3A_510] {strides = array<i32>} : memref<128x64xf32, #tpu.memory_space<vmem>>, vector<1x16xf32>,
        %get3A_512 = vector.shape_cast %get3A_511 : vector<1x16xf32> to vector<16xf32>
        %mul3A_513 = vector.broadcast %squeeze3A_497 : f32 to vector<16xf32>
        %mul3A_514 = arith.mulf %get3A_512, %mul3A_513 : vector<16xf32>
        %swap3A_515 = arith.index_cast %add3A_495 : i32 to index
        %swap3A_516 = arith.constant 16 : index
        %swap3A_517 = tpu.vector_load %arg16[%swap3A_515, %swap3A_516] {strides = array<i32>} : memref<128x64xf32, #tpu.memory_space<vmem>>, vector<1x16xf32>,
        %swap3A_518 = vector.shape_cast %swap3A_517 : vector<1x16xf32> to vector<16xf32>
        %swap3A_519 = vector.shape_cast %mul3A_514 : vector<16xf32> to vector<1x16xf32>
        tpu.vector_store %arg16[%swap3A_515, %swap3A_516], %swap3A_519 {strides = array<i32>} : memref<128x64xf32, #tpu.memory_space<vmem>>, vector<1x16xf32>,
        %get3A_520 = arith.index_cast %add3A_495 : i32 to index
        %get3A_521 = arith.constant 32 : index
        %get3A_522 = tpu.vector_load %arg16[%get3A_520, %get3A_521] {strides = array<i32>} : memref<128x64xf32, #tpu.memory_space<vmem>>, vector<1x16xf32>,
        %get3A_523 = vector.shape_cast %get3A_522 : vector<1x16xf32> to vector<16xf32>
        %mul3A_524 = vector.broadcast %squeeze3A_497 : f32 to vector<16xf32>
        %mul3A_525 = arith.mulf %get3A_523, %mul3A_524 : vector<16xf32>
        %swap3A_526 = arith.index_cast %add3A_495 : i32 to index
        %swap3A_527 = arith.constant 32 : index
        %swap3A_528 = tpu.vector_load %arg16[%swap3A_526, %swap3A_527] {strides = array<i32>} : memref<128x64xf32, #tpu.memory_space<vmem>>, vector<1x16xf32>,
        %swap3A_529 = vector.shape_cast %swap3A_528 : vector<1x16xf32> to vector<16xf32>
        %swap3A_530 = vector.shape_cast %mul3A_525 : vector<16xf32> to vector<1x16xf32>
        tpu.vector_store %arg16[%swap3A_526, %swap3A_527], %swap3A_530 {strides = array<i32>} : memref<128x64xf32, #tpu.memory_space<vmem>>, vector<1x16xf32>,
        %get3A_531 = arith.index_cast %add3A_495 : i32 to index
        %get3A_532 = arith.constant 48 : index
        %get3A_533 = tpu.vector_load %arg16[%get3A_531, %get3A_532] {strides = array<i32>} : memref<128x64xf32, #tpu.memory_space<vmem>>, vector<1x16xf32>,
        %get3A_534 = vector.shape_cast %get3A_533 : vector<1x16xf32> to vector<16xf32>
        %mul3A_535 = vector.broadcast %squeeze3A_497 : f32 to vector<16xf32>
        %mul3A_536 = arith.mulf %get3A_534, %mul3A_535 : vector<16xf32>
        %swap3A_537 = arith.index_cast %add3A_495 : i32 to index
        %swap3A_538 = arith.constant 48 : index
        %swap3A_539 = tpu.vector_load %arg16[%swap3A_537, %swap3A_538] {strides = array<i32>} : memref<128x64xf32, #tpu.memory_space<vmem>>, vector<1x16xf32>,
        %swap3A_540 = vector.shape_cast %swap3A_539 : vector<1x16xf32> to vector<16xf32>
        %swap3A_541 = vector.shape_cast %mul3A_536 : vector<16xf32> to vector<1x16xf32>
        tpu.vector_store %arg16[%swap3A_537, %swap3A_538], %swap3A_541 {strides = array<i32>} : memref<128x64xf32, #tpu.memory_space<vmem>>, vector<1x16xf32>,
        %mul3A_542 = arith.constant 16 : i32
        %mul3A_543 = arith.muli %scan3A_388, %mul3A_542 : i32
        %add3A_544 = arith.constant 3 : i32
        %add3A_545 = arith.addi %mul3A_543, %add3A_544 : i32
        %slice3A_546 = vector.extract_strided_slice %get3A_393 {offsets = [3], sizes = [1], strides = [1]} : vector<16xf32> to vector<1xf32>
        %squeeze3A_547 = vector.extract %slice3A_546[0] : f32 from vector<1xf32>
        %get3A_548 = arith.index_cast %add3A_545 : i32 to index
        %get3A_549 = arith.constant 0 : index
        %get3A_550 = tpu.vector_load %arg16[%get3A_548, %get3A_549] {strides = array<i32>} : memref<128x64xf32, #tpu.memory_space<vmem>>, vector<1x16xf32>,
        %get3A_551 = vector.shape_cast %get3A_550 : vector<1x16xf32> to vector<16xf32>
        %mul3A_552 = vector.broadcast %squeeze3A_547 : f32 to vector<16xf32>
        %mul3A_553 = arith.mulf %get3A_551, %mul3A_552 : vector<16xf32>
        %swap3A_554 = arith.index_cast %add3A_545 : i32 to index
        %swap3A_555 = arith.constant 0 : index
        %swap3A_556 = tpu.vector_load %arg16[%swap3A_554, %swap3A_555] {strides = array<i32>} : memref<128x64xf32, #tpu.memory_space<vmem>>, vector<1x16xf32>,
        %swap3A_557 = vector.shape_cast %swap3A_556 : vector<1x16xf32> to vector<16xf32>
        %swap3A_558 = vector.shape_cast %mul3A_553 : vector<16xf32> to vector<1x16xf32>
        tpu.vector_store %arg16[%swap3A_554, %swap3A_555], %swap3A_558 {strides = array<i32>} : memref<128x64xf32, #tpu.memory_space<vmem>>, vector<1x16xf32>,
        %get3A_559 = arith.index_cast %add3A_545 : i32 to index
        %get3A_560 = arith.constant 16 : index
        %get3A_561 = tpu.vector_load %arg16[%get3A_559, %get3A_560] {strides = array<i32>} : memref<128x64xf32, #tpu.memory_space<vmem>>, vector<1x16xf32>,
        %get3A_562 = vector.shape_cast %get3A_561 : vector<1x16xf32> to vector<16xf32>
        %mul3A_563 = vector.broadcast %squeeze3A_547 : f32 to vector<16xf32>
        %mul3A_564 = arith.mulf %get3A_562, %mul3A_563 : vector<16xf32>
        %swap3A_565 = arith.index_cast %add3A_545 : i32 to index
        %swap3A_566 = arith.constant 16 : index
        %swap3A_567 = tpu.vector_load %arg16[%swap3A_565, %swap3A_566] {strides = array<i32>} : memref<128x64xf32, #tpu.memory_space<vmem>>, vector<1x16xf32>,
        %swap3A_568 = vector.shape_cast %swap3A_567 : vector<1x16xf32> to vector<16xf32>
        %swap3A_569 = vector.shape_cast %mul3A_564 : vector<16xf32> to vector<1x16xf32>
        tpu.vector_store %arg16[%swap3A_565, %swap3A_566], %swap3A_569 {strides = array<i32>} : memref<128x64xf32, #tpu.memory_space<vmem>>, vector<1x16xf32>,
        %get3A_570 = arith.index_cast %add3A_545 : i32 to index
        %get3A_571 = arith.constant 32 : index
        %get3A_572 = tpu.vector_load %arg16[%get3A_570, %get3A_571] {strides = array<i32>} : memref<128x64xf32, #tpu.memory_space<vmem>>, vector<1x16xf32>,
        %get3A_573 = vector.shape_cast %get3A_572 : vector<1x16xf32> to vector<16xf32>
        %mul3A_574 = vector.broadcast %squeeze3A_547 : f32 to vector<16xf32>
        %mul3A_575 = arith.mulf %get3A_573, %mul3A_574 : vector<16xf32>
        %swap3A_576 = arith.index_cast %add3A_545 : i32 to index
        %swap3A_577 = arith.constant 32 : index
        %swap3A_578 = tpu.vector_load %arg16[%swap3A_576, %swap3A_577] {strides = array<i32>} : memref<128x64xf32, #tpu.memory_space<vmem>>, vector<1x16xf32>,
        %swap3A_579 = vector.shape_cast %swap3A_578 : vector<1x16xf32> to vector<16xf32>
        %swap3A_580 = vector.shape_cast %mul3A_575 : vector<16xf32> to vector<1x16xf32>
        tpu.vector_store %arg16[%swap3A_576, %swap3A_577], %swap3A_580 {strides = array<i32>} : memref<128x64xf32, #tpu.memory_space<vmem>>, vector<1x16xf32>,
        %get3A_581 = arith.index_cast %add3A_545 : i32 to index
        %get3A_582 = arith.constant 48 : index
        %get3A_583 = tpu.vector_load %arg16[%get3A_581, %get3A_582] {strides = array<i32>} : memref<128x64xf32, #tpu.memory_space<vmem>>, vector<1x16xf32>,
        %get3A_584 = vector.shape_cast %get3A_583 : vector<1x16xf32> to vector<16xf32>
        %mul3A_585 = vector.broadcast %squeeze3A_547 : f32 to vector<16xf32>
        %mul3A_586 = arith.mulf %get3A_584, %mul3A_585 : vector<16xf32>
        %swap3A_587 = arith.index_cast %add3A_545 : i32 to index
        %swap3A_588 = arith.constant 48 : index
        %swap3A_589 = tpu.vector_load %arg16[%swap3A_587, %swap3A_588] {strides = array<i32>} : memref<128x64xf32, #tpu.memory_space<vmem>>, vector<1x16xf32>,
        %swap3A_590 = vector.shape_cast %swap3A_589 : vector<1x16xf32> to vector<16xf32>
        %swap3A_591 = vector.shape_cast %mul3A_586 : vector<16xf32> to vector<1x16xf32>
        tpu.vector_store %arg16[%swap3A_587, %swap3A_588], %swap3A_591 {strides = array<i32>} : memref<128x64xf32, #tpu.memory_space<vmem>>, vector<1x16xf32>,
        %mul3A_592 = arith.constant 16 : i32
        %mul3A_593 = arith.muli %scan3A_388, %mul3A_592 : i32
        %add3A_594 = arith.constant 4 : i32
        %add3A_595 = arith.addi %mul3A_593, %add3A_594 : i32
        %slice3A_596 = vector.extract_strided_slice %get3A_393 {offsets = [4], sizes = [1], strides = [1]} : vector<16xf32> to vector<1xf32>
        %squeeze3A_597 = vector.extract %slice3A_596[0] : f32 from vector<1xf32>
        %get3A_598 = arith.index_cast %add3A_595 : i32 to index
        %get3A_599 = arith.constant 0 : index
        %get3A_600 = tpu.vector_load %arg16[%get3A_598, %get3A_599] {strides = array<i32>} : memref<128x64xf32, #tpu.memory_space<vmem>>, vector<1x16xf32>,
        %get3A_601 = vector.shape_cast %get3A_600 : vector<1x16xf32> to vector<16xf32>
        %mul3A_602 = vector.broadcast %squeeze3A_597 : f32 to vector<16xf32>
        %mul3A_603 = arith.mulf %get3A_601, %mul3A_602 : vector<16xf32>
        %swap3A_604 = arith.index_cast %add3A_595 : i32 to index
        %swap3A_605 = arith.constant 0 : index
        %swap3A_606 = tpu.vector_load %arg16[%swap3A_604, %swap3A_605] {strides = array<i32>} : memref<128x64xf32, #tpu.memory_space<vmem>>, vector<1x16xf32>,
        %swap3A_607 = vector.shape_cast %swap3A_606 : vector<1x16xf32> to vector<16xf32>
        %swap3A_608 = vector.shape_cast %mul3A_603 : vector<16xf32> to vector<1x16xf32>
        tpu.vector_store %arg16[%swap3A_604, %swap3A_605], %swap3A_608 {strides = array<i32>} : memref<128x64xf32, #tpu.memory_space<vmem>>, vector<1x16xf32>,
        %get3A_609 = arith.index_cast %add3A_595 : i32 to index
        %get3A_610 = arith.constant 16 : index
        %get3A_611 = tpu.vector_load %arg16[%get3A_609, %get3A_610] {strides = array<i32>} : memref<128x64xf32, #tpu.memory_space<vmem>>, vector<1x16xf32>,
        %get3A_612 = vector.shape_cast %get3A_611 : vector<1x16xf32> to vector<16xf32>
        %mul3A_613 = vector.broadcast %squeeze3A_597 : f32 to vector<16xf32>
        %mul3A_614 = arith.mulf %get3A_612, %mul3A_613 : vector<16xf32>
        %swap3A_615 = arith.index_cast %add3A_595 : i32 to index
        %swap3A_616 = arith.constant 16 : index
        %swap3A_617 = tpu.vector_load %arg16[%swap3A_615, %swap3A_616] {strides = array<i32>} : memref<128x64xf32, #tpu.memory_space<vmem>>, vector<1x16xf32>,
        %swap3A_618 = vector.shape_cast %swap3A_617 : vector<1x16xf32> to vector<16xf32>
        %swap3A_619 = vector.shape_cast %mul3A_614 : vector<16xf32> to vector<1x16xf32>
        tpu.vector_store %arg16[%swap3A_615, %swap3A_616], %swap3A_619 {strides = array<i32>} : memref<128x64xf32, #tpu.memory_space<vmem>>, vector<1x16xf32>,
        %get3A_620 = arith.index_cast %add3A_595 : i32 to index
        %get3A_621 = arith.constant 32 : index
        %get3A_622 = tpu.vector_load %arg16[%get3A_620, %get3A_621] {strides = array<i32>} : memref<128x64xf32, #tpu.memory_space<vmem>>, vector<1x16xf32>,
        %get3A_623 = vector.shape_cast %get3A_622 : vector<1x16xf32> to vector<16xf32>
        %mul3A_624 = vector.broadcast %squeeze3A_597 : f32 to vector<16xf32>
        %mul3A_625 = arith.mulf %get3A_623, %mul3A_624 : vector<16xf32>
        %swap3A_626 = arith.index_cast %add3A_595 : i32 to index
        %swap3A_627 = arith.constant 32 : index
        %swap3A_628 = tpu.vector_load %arg16[%swap3A_626, %swap3A_627] {strides = array<i32>} : memref<128x64xf32, #tpu.memory_space<vmem>>, vector<1x16xf32>,
        %swap3A_629 = vector.shape_cast %swap3A_628 : vector<1x16xf32> to vector<16xf32>
        %swap3A_630 = vector.shape_cast %mul3A_625 : vector<16xf32> to vector<1x16xf32>
        tpu.vector_store %arg16[%swap3A_626, %swap3A_627], %swap3A_630 {strides = array<i32>} : memref<128x64xf32, #tpu.memory_space<vmem>>, vector<1x16xf32>,
        %get3A_631 = arith.index_cast %add3A_595 : i32 to index
        %get3A_632 = arith.constant 48 : index
        %get3A_633 = tpu.vector_load %arg16[%get3A_631, %get3A_632] {strides = array<i32>} : memref<128x64xf32, #tpu.memory_space<vmem>>, vector<1x16xf32>,
        %get3A_634 = vector.shape_cast %get3A_633 : vector<1x16xf32> to vector<16xf32>
        %mul3A_635 = vector.broadcast %squeeze3A_597 : f32 to vector<16xf32>
        %mul3A_636 = arith.mulf %get3A_634, %mul3A_635 : vector<16xf32>
        %swap3A_637 = arith.index_cast %add3A_595 : i32 to index
        %swap3A_638 = arith.constant 48 : index
        %swap3A_639 = tpu.vector_load %arg16[%swap3A_637, %swap3A_638] {strides = array<i32>} : memref<128x64xf32, #tpu.memory_space<vmem>>, vector<1x16xf32>,
        %swap3A_640 = vector.shape_cast %swap3A_639 : vector<1x16xf32> to vector<16xf32>
        %swap3A_641 = vector.shape_cast %mul3A_636 : vector<16xf32> to vector<1x16xf32>
        tpu.vector_store %arg16[%swap3A_637, %swap3A_638], %swap3A_641 {strides = array<i32>} : memref<128x64xf32, #tpu.memory_space<vmem>>, vector<1x16xf32>,
        %mul3A_642 = arith.constant 16 : i32
        %mul3A_643 = arith.muli %scan3A_388, %mul3A_642 : i32
        %add3A_644 = arith.constant 5 : i32
        %add3A_645 = arith.addi %mul3A_643, %add3A_644 : i32
        %slice3A_646 = vector.extract_strided_slice %get3A_393 {offsets = [5], sizes = [1], strides = [1]} : vector<16xf32> to vector<1xf32>
        %squeeze3A_647 = vector.extract %slice3A_646[0] : f32 from vector<1xf32>
        %get3A_648 = arith.index_cast %add3A_645 : i32 to index
        %get3A_649 = arith.constant 0 : index
        %get3A_650 = tpu.vector_load %arg16[%get3A_648, %get3A_649] {strides = array<i32>} : memref<128x64xf32, #tpu.memory_space<vmem>>, vector<1x16xf32>,
        %get3A_651 = vector.shape_cast %get3A_650 : vector<1x16xf32> to vector<16xf32>
        %mul3A_652 = vector.broadcast %squeeze3A_647 : f32 to vector<16xf32>
        %mul3A_653 = arith.mulf %get3A_651, %mul3A_652 : vector<16xf32>
        %swap3A_654 = arith.index_cast %add3A_645 : i32 to index
        %swap3A_655 = arith.constant 0 : index
        %swap3A_656 = tpu.vector_load %arg16[%swap3A_654, %swap3A_655] {strides = array<i32>} : memref<128x64xf32, #tpu.memory_space<vmem>>, vector<1x16xf32>,
        %swap3A_657 = vector.shape_cast %swap3A_656 : vector<1x16xf32> to vector<16xf32>
        %swap3A_658 = vector.shape_cast %mul3A_653 : vector<16xf32> to vector<1x16xf32>
        tpu.vector_store %arg16[%swap3A_654, %swap3A_655], %swap3A_658 {strides = array<i32>} : memref<128x64xf32, #tpu.memory_space<vmem>>, vector<1x16xf32>,
        %get3A_659 = arith.index_cast %add3A_645 : i32 to index
        %get3A_660 = arith.constant 16 : index
        %get3A_661 = tpu.vector_load %arg16[%get3A_659, %get3A_660] {strides = array<i32>} : memref<128x64xf32, #tpu.memory_space<vmem>>, vector<1x16xf32>,
        %get3A_662 = vector.shape_cast %get3A_661 : vector<1x16xf32> to vector<16xf32>
        %mul3A_663 = vector.broadcast %squeeze3A_647 : f32 to vector<16xf32>
        %mul3A_664 = arith.mulf %get3A_662, %mul3A_663 : vector<16xf32>
        %swap3A_665 = arith.index_cast %add3A_645 : i32 to index
        %swap3A_666 = arith.constant 16 : index
        %swap3A_667 = tpu.vector_load %arg16[%swap3A_665, %swap3A_666] {strides = array<i32>} : memref<128x64xf32, #tpu.memory_space<vmem>>, vector<1x16xf32>,
        %swap3A_668 = vector.shape_cast %swap3A_667 : vector<1x16xf32> to vector<16xf32>
        %swap3A_669 = vector.shape_cast %mul3A_664 : vector<16xf32> to vector<1x16xf32>
        tpu.vector_store %arg16[%swap3A_665, %swap3A_666], %swap3A_669 {strides = array<i32>} : memref<128x64xf32, #tpu.memory_space<vmem>>, vector<1x16xf32>,
        %get3A_670 = arith.index_cast %add3A_645 : i32 to index
        %get3A_671 = arith.constant 32 : index
        %get3A_672 = tpu.vector_load %arg16[%get3A_670, %get3A_671] {strides = array<i32>} : memref<128x64xf32, #tpu.memory_space<vmem>>, vector<1x16xf32>,
        %get3A_673 = vector.shape_cast %get3A_672 : vector<1x16xf32> to vector<16xf32>
        %mul3A_674 = vector.broadcast %squeeze3A_647 : f32 to vector<16xf32>
        %mul3A_675 = arith.mulf %get3A_673, %mul3A_674 : vector<16xf32>
        %swap3A_676 = arith.index_cast %add3A_645 : i32 to index
        %swap3A_677 = arith.constant 32 : index
        %swap3A_678 = tpu.vector_load %arg16[%swap3A_676, %swap3A_677] {strides = array<i32>} : memref<128x64xf32, #tpu.memory_space<vmem>>, vector<1x16xf32>,
        %swap3A_679 = vector.shape_cast %swap3A_678 : vector<1x16xf32> to vector<16xf32>
        %swap3A_680 = vector.shape_cast %mul3A_675 : vector<16xf32> to vector<1x16xf32>
        tpu.vector_store %arg16[%swap3A_676, %swap3A_677], %swap3A_680 {strides = array<i32>} : memref<128x64xf32, #tpu.memory_space<vmem>>, vector<1x16xf32>,
        %get3A_681 = arith.index_cast %add3A_645 : i32 to index
        %get3A_682 = arith.constant 48 : index
        %get3A_683 = tpu.vector_load %arg16[%get3A_681, %get3A_682] {strides = array<i32>} : memref<128x64xf32, #tpu.memory_space<vmem>>, vector<1x16xf32>,
        %get3A_684 = vector.shape_cast %get3A_683 : vector<1x16xf32> to vector<16xf32>
        %mul3A_685 = vector.broadcast %squeeze3A_647 : f32 to vector<16xf32>
        %mul3A_686 = arith.mulf %get3A_684, %mul3A_685 : vector<16xf32>
        %swap3A_687 = arith.index_cast %add3A_645 : i32 to index
        %swap3A_688 = arith.constant 48 : index
        %swap3A_689 = tpu.vector_load %arg16[%swap3A_687, %swap3A_688] {strides = array<i32>} : memref<128x64xf32, #tpu.memory_space<vmem>>, vector<1x16xf32>,
        %swap3A_690 = vector.shape_cast %swap3A_689 : vector<1x16xf32> to vector<16xf32>
        %swap3A_691 = vector.shape_cast %mul3A_686 : vector<16xf32> to vector<1x16xf32>
        tpu.vector_store %arg16[%swap3A_687, %swap3A_688], %swap3A_691 {strides = array<i32>} : memref<128x64xf32, #tpu.memory_space<vmem>>, vector<1x16xf32>,
        %mul3A_692 = arith.constant 16 : i32
        %mul3A_693 = arith.muli %scan3A_388, %mul3A_692 : i32
        %add3A_694 = arith.constant 6 : i32
        %add3A_695 = arith.addi %mul3A_693, %add3A_694 : i32
        %slice3A_696 = vector.extract_strided_slice %get3A_393 {offsets = [6], sizes = [1], strides = [1]} : vector<16xf32> to vector<1xf32>
        %squeeze3A_697 = vector.extract %slice3A_696[0] : f32 from vector<1xf32>
        %get3A_698 = arith.index_cast %add3A_695 : i32 to index
        %get3A_699 = arith.constant 0 : index
        %get3A_700 = tpu.vector_load %arg16[%get3A_698, %get3A_699] {strides = array<i32>} : memref<128x64xf32, #tpu.memory_space<vmem>>, vector<1x16xf32>,
        %get3A_701 = vector.shape_cast %get3A_700 : vector<1x16xf32> to vector<16xf32>
        %mul3A_702 = vector.broadcast %squeeze3A_697 : f32 to vector<16xf32>
        %mul3A_703 = arith.mulf %get3A_701, %mul3A_702 : vector<16xf32>
        %swap3A_704 = arith.index_cast %add3A_695 : i32 to index
        %swap3A_705 = arith.constant 0 : index
        %swap3A_706 = tpu.vector_load %arg16[%swap3A_704, %swap3A_705] {strides = array<i32>} : memref<128x64xf32, #tpu.memory_space<vmem>>, vector<1x16xf32>,
        %swap3A_707 = vector.shape_cast %swap3A_706 : vector<1x16xf32> to vector<16xf32>
        %swap3A_708 = vector.shape_cast %mul3A_703 : vector<16xf32> to vector<1x16xf32>
        tpu.vector_store %arg16[%swap3A_704, %swap3A_705], %swap3A_708 {strides = array<i32>} : memref<128x64xf32, #tpu.memory_space<vmem>>, vector<1x16xf32>,
        %get3A_709 = arith.index_cast %add3A_695 : i32 to index
        %get3A_710 = arith.constant 16 : index
        %get3A_711 = tpu.vector_load %arg16[%get3A_709, %get3A_710] {strides = array<i32>} : memref<128x64xf32, #tpu.memory_space<vmem>>, vector<1x16xf32>,
        %get3A_712 = vector.shape_cast %get3A_711 : vector<1x16xf32> to vector<16xf32>
        %mul3A_713 = vector.broadcast %squeeze3A_697 : f32 to vector<16xf32>
        %mul3A_714 = arith.mulf %get3A_712, %mul3A_713 : vector<16xf32>
        %swap3A_715 = arith.index_cast %add3A_695 : i32 to index
        %swap3A_716 = arith.constant 16 : index
        %swap3A_717 = tpu.vector_load %arg16[%swap3A_715, %swap3A_716] {strides = array<i32>} : memref<128x64xf32, #tpu.memory_space<vmem>>, vector<1x16xf32>,
        %swap3A_718 = vector.shape_cast %swap3A_717 : vector<1x16xf32> to vector<16xf32>
        %swap3A_719 = vector.shape_cast %mul3A_714 : vector<16xf32> to vector<1x16xf32>
        tpu.vector_store %arg16[%swap3A_715, %swap3A_716], %swap3A_719 {strides = array<i32>} : memref<128x64xf32, #tpu.memory_space<vmem>>, vector<1x16xf32>,
        %get3A_720 = arith.index_cast %add3A_695 : i32 to index
        %get3A_721 = arith.constant 32 : index
        %get3A_722 = tpu.vector_load %arg16[%get3A_720, %get3A_721] {strides = array<i32>} : memref<128x64xf32, #tpu.memory_space<vmem>>, vector<1x16xf32>,
        %get3A_723 = vector.shape_cast %get3A_722 : vector<1x16xf32> to vector<16xf32>
        %mul3A_724 = vector.broadcast %squeeze3A_697 : f32 to vector<16xf32>
        %mul3A_725 = arith.mulf %get3A_723, %mul3A_724 : vector<16xf32>
        %swap3A_726 = arith.index_cast %add3A_695 : i32 to index
        %swap3A_727 = arith.constant 32 : index
        %swap3A_728 = tpu.vector_load %arg16[%swap3A_726, %swap3A_727] {strides = array<i32>} : memref<128x64xf32, #tpu.memory_space<vmem>>, vector<1x16xf32>,
        %swap3A_729 = vector.shape_cast %swap3A_728 : vector<1x16xf32> to vector<16xf32>
        %swap3A_730 = vector.shape_cast %mul3A_725 : vector<16xf32> to vector<1x16xf32>
        tpu.vector_store %arg16[%swap3A_726, %swap3A_727], %swap3A_730 {strides = array<i32>} : memref<128x64xf32, #tpu.memory_space<vmem>>, vector<1x16xf32>,
        %get3A_731 = arith.index_cast %add3A_695 : i32 to index
        %get3A_732 = arith.constant 48 : index
        %get3A_733 = tpu.vector_load %arg16[%get3A_731, %get3A_732] {strides = array<i32>} : memref<128x64xf32, #tpu.memory_space<vmem>>, vector<1x16xf32>,
        %get3A_734 = vector.shape_cast %get3A_733 : vector<1x16xf32> to vector<16xf32>
        %mul3A_735 = vector.broadcast %squeeze3A_697 : f32 to vector<16xf32>
        %mul3A_736 = arith.mulf %get3A_734, %mul3A_735 : vector<16xf32>
        %swap3A_737 = arith.index_cast %add3A_695 : i32 to index
        %swap3A_738 = arith.constant 48 : index
        %swap3A_739 = tpu.vector_load %arg16[%swap3A_737, %swap3A_738] {strides = array<i32>} : memref<128x64xf32, #tpu.memory_space<vmem>>, vector<1x16xf32>,
        %swap3A_740 = vector.shape_cast %swap3A_739 : vector<1x16xf32> to vector<16xf32>
        %swap3A_741 = vector.shape_cast %mul3A_736 : vector<16xf32> to vector<1x16xf32>
        tpu.vector_store %arg16[%swap3A_737, %swap3A_738], %swap3A_741 {strides = array<i32>} : memref<128x64xf32, #tpu.memory_space<vmem>>, vector<1x16xf32>,
        %mul3A_742 = arith.constant 16 : i32
        %mul3A_743 = arith.muli %scan3A_388, %mul3A_742 : i32
        %add3A_744 = arith.constant 7 : i32
        %add3A_745 = arith.addi %mul3A_743, %add3A_744 : i32
        %slice3A_746 = vector.extract_strided_slice %get3A_393 {offsets = [7], sizes = [1], strides = [1]} : vector<16xf32> to vector<1xf32>
        %squeeze3A_747 = vector.extract %slice3A_746[0] : f32 from vector<1xf32>
        %get3A_748 = arith.index_cast %add3A_745 : i32 to index
        %get3A_749 = arith.constant 0 : index
        %get3A_750 = tpu.vector_load %arg16[%get3A_748, %get3A_749] {strides = array<i32>} : memref<128x64xf32, #tpu.memory_space<vmem>>, vector<1x16xf32>,
        %get3A_751 = vector.shape_cast %get3A_750 : vector<1x16xf32> to vector<16xf32>
        %mul3A_752 = vector.broadcast %squeeze3A_747 : f32 to vector<16xf32>
        %mul3A_753 = arith.mulf %get3A_751, %mul3A_752 : vector<16xf32>
        %swap3A_754 = arith.index_cast %add3A_745 : i32 to index
        %swap3A_755 = arith.constant 0 : index
        %swap3A_756 = tpu.vector_load %arg16[%swap3A_754, %swap3A_755] {strides = array<i32>} : memref<128x64xf32, #tpu.memory_space<vmem>>, vector<1x16xf32>,
        %swap3A_757 = vector.shape_cast %swap3A_756 : vector<1x16xf32> to vector<16xf32>
        %swap3A_758 = vector.shape_cast %mul3A_753 : vector<16xf32> to vector<1x16xf32>
        tpu.vector_store %arg16[%swap3A_754, %swap3A_755], %swap3A_758 {strides = array<i32>} : memref<128x64xf32, #tpu.memory_space<vmem>>, vector<1x16xf32>,
        %get3A_759 = arith.index_cast %add3A_745 : i32 to index
        %get3A_760 = arith.constant 16 : index
        %get3A_761 = tpu.vector_load %arg16[%get3A_759, %get3A_760] {strides = array<i32>} : memref<128x64xf32, #tpu.memory_space<vmem>>, vector<1x16xf32>,
        %get3A_762 = vector.shape_cast %get3A_761 : vector<1x16xf32> to vector<16xf32>
        %mul3A_763 = vector.broadcast %squeeze3A_747 : f32 to vector<16xf32>
        %mul3A_764 = arith.mulf %get3A_762, %mul3A_763 : vector<16xf32>
        %swap3A_765 = arith.index_cast %add3A_745 : i32 to index
        %swap3A_766 = arith.constant 16 : index
        %swap3A_767 = tpu.vector_load %arg16[%swap3A_765, %swap3A_766] {strides = array<i32>} : memref<128x64xf32, #tpu.memory_space<vmem>>, vector<1x16xf32>,
        %swap3A_768 = vector.shape_cast %swap3A_767 : vector<1x16xf32> to vector<16xf32>
        %swap3A_769 = vector.shape_cast %mul3A_764 : vector<16xf32> to vector<1x16xf32>
        tpu.vector_store %arg16[%swap3A_765, %swap3A_766], %swap3A_769 {strides = array<i32>} : memref<128x64xf32, #tpu.memory_space<vmem>>, vector<1x16xf32>,
        %get3A_770 = arith.index_cast %add3A_745 : i32 to index
        %get3A_771 = arith.constant 32 : index
        %get3A_772 = tpu.vector_load %arg16[%get3A_770, %get3A_771] {strides = array<i32>} : memref<128x64xf32, #tpu.memory_space<vmem>>, vector<1x16xf32>,
        %get3A_773 = vector.shape_cast %get3A_772 : vector<1x16xf32> to vector<16xf32>
        %mul3A_774 = vector.broadcast %squeeze3A_747 : f32 to vector<16xf32>
        %mul3A_775 = arith.mulf %get3A_773, %mul3A_774 : vector<16xf32>
        %swap3A_776 = arith.index_cast %add3A_745 : i32 to index
        %swap3A_777 = arith.constant 32 : index
        %swap3A_778 = tpu.vector_load %arg16[%swap3A_776, %swap3A_777] {strides = array<i32>} : memref<128x64xf32, #tpu.memory_space<vmem>>, vector<1x16xf32>,
        %swap3A_779 = vector.shape_cast %swap3A_778 : vector<1x16xf32> to vector<16xf32>
        %swap3A_780 = vector.shape_cast %mul3A_775 : vector<16xf32> to vector<1x16xf32>
        tpu.vector_store %arg16[%swap3A_776, %swap3A_777], %swap3A_780 {strides = array<i32>} : memref<128x64xf32, #tpu.memory_space<vmem>>, vector<1x16xf32>,
        %get3A_781 = arith.index_cast %add3A_745 : i32 to index
        %get3A_782 = arith.constant 48 : index
        %get3A_783 = tpu.vector_load %arg16[%get3A_781, %get3A_782] {strides = array<i32>} : memref<128x64xf32, #tpu.memory_space<vmem>>, vector<1x16xf32>,
        %get3A_784 = vector.shape_cast %get3A_783 : vector<1x16xf32> to vector<16xf32>
        %mul3A_785 = vector.broadcast %squeeze3A_747 : f32 to vector<16xf32>
        %mul3A_786 = arith.mulf %get3A_784, %mul3A_785 : vector<16xf32>
        %swap3A_787 = arith.index_cast %add3A_745 : i32 to index
        %swap3A_788 = arith.constant 48 : index
        %swap3A_789 = tpu.vector_load %arg16[%swap3A_787, %swap3A_788] {strides = array<i32>} : memref<128x64xf32, #tpu.memory_space<vmem>>, vector<1x16xf32>,
        %swap3A_790 = vector.shape_cast %swap3A_789 : vector<1x16xf32> to vector<16xf32>
        %swap3A_791 = vector.shape_cast %mul3A_786 : vector<16xf32> to vector<1x16xf32>
        tpu.vector_store %arg16[%swap3A_787, %swap3A_788], %swap3A_791 {strides = array<i32>} : memref<128x64xf32, #tpu.memory_space<vmem>>, vector<1x16xf32>,
        %mul3A_792 = arith.constant 16 : i32
        %mul3A_793 = arith.muli %scan3A_388, %mul3A_792 : i32
        %add3A_794 = arith.constant 8 : i32
        %add3A_795 = arith.addi %mul3A_793, %add3A_794 : i32
        %slice3A_796 = vector.extract_strided_slice %get3A_393 {offsets = [8], sizes = [1], strides = [1]} : vector<16xf32> to vector<1xf32>
        %squeeze3A_797 = vector.extract %slice3A_796[0] : f32 from vector<1xf32>
        %get3A_798 = arith.index_cast %add3A_795 : i32 to index
        %get3A_799 = arith.constant 0 : index
        %get3A_800 = tpu.vector_load %arg16[%get3A_798, %get3A_799] {strides = array<i32>} : memref<128x64xf32, #tpu.memory_space<vmem>>, vector<1x16xf32>,
        %get3A_801 = vector.shape_cast %get3A_800 : vector<1x16xf32> to vector<16xf32>
        %mul3A_802 = vector.broadcast %squeeze3A_797 : f32 to vector<16xf32>
        %mul3A_803 = arith.mulf %get3A_801, %mul3A_802 : vector<16xf32>
        %swap3A_804 = arith.index_cast %add3A_795 : i32 to index
        %swap3A_805 = arith.constant 0 : index
        %swap3A_806 = tpu.vector_load %arg16[%swap3A_804, %swap3A_805] {strides = array<i32>} : memref<128x64xf32, #tpu.memory_space<vmem>>, vector<1x16xf32>,
        %swap3A_807 = vector.shape_cast %swap3A_806 : vector<1x16xf32> to vector<16xf32>
        %swap3A_808 = vector.shape_cast %mul3A_803 : vector<16xf32> to vector<1x16xf32>
        tpu.vector_store %arg16[%swap3A_804, %swap3A_805], %swap3A_808 {strides = array<i32>} : memref<128x64xf32, #tpu.memory_space<vmem>>, vector<1x16xf32>,
        %get3A_809 = arith.index_cast %add3A_795 : i32 to index
        %get3A_810 = arith.constant 16 : index
        %get3A_811 = tpu.vector_load %arg16[%get3A_809, %get3A_810] {strides = array<i32>} : memref<128x64xf32, #tpu.memory_space<vmem>>, vector<1x16xf32>,
        %get3A_812 = vector.shape_cast %get3A_811 : vector<1x16xf32> to vector<16xf32>
        %mul3A_813 = vector.broadcast %squeeze3A_797 : f32 to vector<16xf32>
        %mul3A_814 = arith.mulf %get3A_812, %mul3A_813 : vector<16xf32>
        %swap3A_815 = arith.index_cast %add3A_795 : i32 to index
        %swap3A_816 = arith.constant 16 : index
        %swap3A_817 = tpu.vector_load %arg16[%swap3A_815, %swap3A_816] {strides = array<i32>} : memref<128x64xf32, #tpu.memory_space<vmem>>, vector<1x16xf32>,
        %swap3A_818 = vector.shape_cast %swap3A_817 : vector<1x16xf32> to vector<16xf32>
        %swap3A_819 = vector.shape_cast %mul3A_814 : vector<16xf32> to vector<1x16xf32>
        tpu.vector_store %arg16[%swap3A_815, %swap3A_816], %swap3A_819 {strides = array<i32>} : memref<128x64xf32, #tpu.memory_space<vmem>>, vector<1x16xf32>,
        %get3A_820 = arith.index_cast %add3A_795 : i32 to index
        %get3A_821 = arith.constant 32 : index
        %get3A_822 = tpu.vector_load %arg16[%get3A_820, %get3A_821] {strides = array<i32>} : memref<128x64xf32, #tpu.memory_space<vmem>>, vector<1x16xf32>,
        %get3A_823 = vector.shape_cast %get3A_822 : vector<1x16xf32> to vector<16xf32>
        %mul3A_824 = vector.broadcast %squeeze3A_797 : f32 to vector<16xf32>
        %mul3A_825 = arith.mulf %get3A_823, %mul3A_824 : vector<16xf32>
        %swap3A_826 = arith.index_cast %add3A_795 : i32 to index
        %swap3A_827 = arith.constant 32 : index
        %swap3A_828 = tpu.vector_load %arg16[%swap3A_826, %swap3A_827] {strides = array<i32>} : memref<128x64xf32, #tpu.memory_space<vmem>>, vector<1x16xf32>,
        %swap3A_829 = vector.shape_cast %swap3A_828 : vector<1x16xf32> to vector<16xf32>
        %swap3A_830 = vector.shape_cast %mul3A_825 : vector<16xf32> to vector<1x16xf32>
        tpu.vector_store %arg16[%swap3A_826, %swap3A_827], %swap3A_830 {strides = array<i32>} : memref<128x64xf32, #tpu.memory_space<vmem>>, vector<1x16xf32>,
        %get3A_831 = arith.index_cast %add3A_795 : i32 to index
        %get3A_832 = arith.constant 48 : index
        %get3A_833 = tpu.vector_load %arg16[%get3A_831, %get3A_832] {strides = array<i32>} : memref<128x64xf32, #tpu.memory_space<vmem>>, vector<1x16xf32>,
        %get3A_834 = vector.shape_cast %get3A_833 : vector<1x16xf32> to vector<16xf32>
        %mul3A_835 = vector.broadcast %squeeze3A_797 : f32 to vector<16xf32>
        %mul3A_836 = arith.mulf %get3A_834, %mul3A_835 : vector<16xf32>
        %swap3A_837 = arith.index_cast %add3A_795 : i32 to index
        %swap3A_838 = arith.constant 48 : index
        %swap3A_839 = tpu.vector_load %arg16[%swap3A_837, %swap3A_838] {strides = array<i32>} : memref<128x64xf32, #tpu.memory_space<vmem>>, vector<1x16xf32>,
        %swap3A_840 = vector.shape_cast %swap3A_839 : vector<1x16xf32> to vector<16xf32>
        %swap3A_841 = vector.shape_cast %mul3A_836 : vector<16xf32> to vector<1x16xf32>
        tpu.vector_store %arg16[%swap3A_837, %swap3A_838], %swap3A_841 {strides = array<i32>} : memref<128x64xf32, #tpu.memory_space<vmem>>, vector<1x16xf32>,
        %mul3A_842 = arith.constant 16 : i32
        %mul3A_843 = arith.muli %scan3A_388, %mul3A_842 : i32
        %add3A_844 = arith.constant 9 : i32
        %add3A_845 = arith.addi %mul3A_843, %add3A_844 : i32
        %slice3A_846 = vector.extract_strided_slice %get3A_393 {offsets = [9], sizes = [1], strides = [1]} : vector<16xf32> to vector<1xf32>
        %squeeze3A_847 = vector.extract %slice3A_846[0] : f32 from vector<1xf32>
        %get3A_848 = arith.index_cast %add3A_845 : i32 to index
        %get3A_849 = arith.constant 0 : index
        %get3A_850 = tpu.vector_load %arg16[%get3A_848, %get3A_849] {strides = array<i32>} : memref<128x64xf32, #tpu.memory_space<vmem>>, vector<1x16xf32>,
        %get3A_851 = vector.shape_cast %get3A_850 : vector<1x16xf32> to vector<16xf32>
        %mul3A_852 = vector.broadcast %squeeze3A_847 : f32 to vector<16xf32>
        %mul3A_853 = arith.mulf %get3A_851, %mul3A_852 : vector<16xf32>
        %swap3A_854 = arith.index_cast %add3A_845 : i32 to index
        %swap3A_855 = arith.constant 0 : index
        %swap3A_856 = tpu.vector_load %arg16[%swap3A_854, %swap3A_855] {strides = array<i32>} : memref<128x64xf32, #tpu.memory_space<vmem>>, vector<1x16xf32>,
        %swap3A_857 = vector.shape_cast %swap3A_856 : vector<1x16xf32> to vector<16xf32>
        %swap3A_858 = vector.shape_cast %mul3A_853 : vector<16xf32> to vector<1x16xf32>
        tpu.vector_store %arg16[%swap3A_854, %swap3A_855], %swap3A_858 {strides = array<i32>} : memref<128x64xf32, #tpu.memory_space<vmem>>, vector<1x16xf32>,
        %get3A_859 = arith.index_cast %add3A_845 : i32 to index
        %get3A_860 = arith.constant 16 : index
        %get3A_861 = tpu.vector_load %arg16[%get3A_859, %get3A_860] {strides = array<i32>} : memref<128x64xf32, #tpu.memory_space<vmem>>, vector<1x16xf32>,
        %get3A_862 = vector.shape_cast %get3A_861 : vector<1x16xf32> to vector<16xf32>
        %mul3A_863 = vector.broadcast %squeeze3A_847 : f32 to vector<16xf32>
        %mul3A_864 = arith.mulf %get3A_862, %mul3A_863 : vector<16xf32>
        %swap3A_865 = arith.index_cast %add3A_845 : i32 to index
        %swap3A_866 = arith.constant 16 : index
        %swap3A_867 = tpu.vector_load %arg16[%swap3A_865, %swap3A_866] {strides = array<i32>} : memref<128x64xf32, #tpu.memory_space<vmem>>, vector<1x16xf32>,
        %swap3A_868 = vector.shape_cast %swap3A_867 : vector<1x16xf32> to vector<16xf32>
        %swap3A_869 = vector.shape_cast %mul3A_864 : vector<16xf32> to vector<1x16xf32>
        tpu.vector_store %arg16[%swap3A_865, %swap3A_866], %swap3A_869 {strides = array<i32>} : memref<128x64xf32, #tpu.memory_space<vmem>>, vector<1x16xf32>,
        %get3A_870 = arith.index_cast %add3A_845 : i32 to index
        %get3A_871 = arith.constant 32 : index
        %get3A_872 = tpu.vector_load %arg16[%get3A_870, %get3A_871] {strides = array<i32>} : memref<128x64xf32, #tpu.memory_space<vmem>>, vector<1x16xf32>,
        %get3A_873 = vector.shape_cast %get3A_872 : vector<1x16xf32> to vector<16xf32>
        %mul3A_874 = vector.broadcast %squeeze3A_847 : f32 to vector<16xf32>
        %mul3A_875 = arith.mulf %get3A_873, %mul3A_874 : vector<16xf32>
        %swap3A_876 = arith.index_cast %add3A_845 : i32 to index
        %swap3A_877 = arith.constant 32 : index
        %swap3A_878 = tpu.vector_load %arg16[%swap3A_876, %swap3A_877] {strides = array<i32>} : memref<128x64xf32, #tpu.memory_space<vmem>>, vector<1x16xf32>,
        %swap3A_879 = vector.shape_cast %swap3A_878 : vector<1x16xf32> to vector<16xf32>
        %swap3A_880 = vector.shape_cast %mul3A_875 : vector<16xf32> to vector<1x16xf32>
        tpu.vector_store %arg16[%swap3A_876, %swap3A_877], %swap3A_880 {strides = array<i32>} : memref<128x64xf32, #tpu.memory_space<vmem>>, vector<1x16xf32>,
        %get3A_881 = arith.index_cast %add3A_845 : i32 to index
        %get3A_882 = arith.constant 48 : index
        %get3A_883 = tpu.vector_load %arg16[%get3A_881, %get3A_882] {strides = array<i32>} : memref<128x64xf32, #tpu.memory_space<vmem>>, vector<1x16xf32>,
        %get3A_884 = vector.shape_cast %get3A_883 : vector<1x16xf32> to vector<16xf32>
        %mul3A_885 = vector.broadcast %squeeze3A_847 : f32 to vector<16xf32>
        %mul3A_886 = arith.mulf %get3A_884, %mul3A_885 : vector<16xf32>
        %swap3A_887 = arith.index_cast %add3A_845 : i32 to index
        %swap3A_888 = arith.constant 48 : index
        %swap3A_889 = tpu.vector_load %arg16[%swap3A_887, %swap3A_888] {strides = array<i32>} : memref<128x64xf32, #tpu.memory_space<vmem>>, vector<1x16xf32>,
        %swap3A_890 = vector.shape_cast %swap3A_889 : vector<1x16xf32> to vector<16xf32>
        %swap3A_891 = vector.shape_cast %mul3A_886 : vector<16xf32> to vector<1x16xf32>
        tpu.vector_store %arg16[%swap3A_887, %swap3A_888], %swap3A_891 {strides = array<i32>} : memref<128x64xf32, #tpu.memory_space<vmem>>, vector<1x16xf32>,
        %mul3A_892 = arith.constant 16 : i32
        %mul3A_893 = arith.muli %scan3A_388, %mul3A_892 : i32
        %add3A_894 = arith.constant 10 : i32
        %add3A_895 = arith.addi %mul3A_893, %add3A_894 : i32
        %slice3A_896 = vector.extract_strided_slice %get3A_393 {offsets = [10], sizes = [1], strides = [1]} : vector<16xf32> to vector<1xf32>
        %squeeze3A_897 = vector.extract %slice3A_896[0] : f32 from vector<1xf32>
        %get3A_898 = arith.index_cast %add3A_895 : i32 to index
        %get3A_899 = arith.constant 0 : index
        %get3A_900 = tpu.vector_load %arg16[%get3A_898, %get3A_899] {strides = array<i32>} : memref<128x64xf32, #tpu.memory_space<vmem>>, vector<1x16xf32>,
        %get3A_901 = vector.shape_cast %get3A_900 : vector<1x16xf32> to vector<16xf32>
        %mul3A_902 = vector.broadcast %squeeze3A_897 : f32 to vector<16xf32>
        %mul3A_903 = arith.mulf %get3A_901, %mul3A_902 : vector<16xf32>
        %swap3A_904 = arith.index_cast %add3A_895 : i32 to index
        %swap3A_905 = arith.constant 0 : index
        %swap3A_906 = tpu.vector_load %arg16[%swap3A_904, %swap3A_905] {strides = array<i32>} : memref<128x64xf32, #tpu.memory_space<vmem>>, vector<1x16xf32>,
        %swap3A_907 = vector.shape_cast %swap3A_906 : vector<1x16xf32> to vector<16xf32>
        %swap3A_908 = vector.shape_cast %mul3A_903 : vector<16xf32> to vector<1x16xf32>
        tpu.vector_store %arg16[%swap3A_904, %swap3A_905], %swap3A_908 {strides = array<i32>} : memref<128x64xf32, #tpu.memory_space<vmem>>, vector<1x16xf32>,
        %get3A_909 = arith.index_cast %add3A_895 : i32 to index
        %get3A_910 = arith.constant 16 : index
        %get3A_911 = tpu.vector_load %arg16[%get3A_909, %get3A_910] {strides = array<i32>} : memref<128x64xf32, #tpu.memory_space<vmem>>, vector<1x16xf32>,
        %get3A_912 = vector.shape_cast %get3A_911 : vector<1x16xf32> to vector<16xf32>
        %mul3A_913 = vector.broadcast %squeeze3A_897 : f32 to vector<16xf32>
        %mul3A_914 = arith.mulf %get3A_912, %mul3A_913 : vector<16xf32>
        %swap3A_915 = arith.index_cast %add3A_895 : i32 to index
        %swap3A_916 = arith.constant 16 : index
        %swap3A_917 = tpu.vector_load %arg16[%swap3A_915, %swap3A_916] {strides = array<i32>} : memref<128x64xf32, #tpu.memory_space<vmem>>, vector<1x16xf32>,
        %swap3A_918 = vector.shape_cast %swap3A_917 : vector<1x16xf32> to vector<16xf32>
        %swap3A_919 = vector.shape_cast %mul3A_914 : vector<16xf32> to vector<1x16xf32>
        tpu.vector_store %arg16[%swap3A_915, %swap3A_916], %swap3A_919 {strides = array<i32>} : memref<128x64xf32, #tpu.memory_space<vmem>>, vector<1x16xf32>,
        %get3A_920 = arith.index_cast %add3A_895 : i32 to index
        %get3A_921 = arith.constant 32 : index
        %get3A_922 = tpu.vector_load %arg16[%get3A_920, %get3A_921] {strides = array<i32>} : memref<128x64xf32, #tpu.memory_space<vmem>>, vector<1x16xf32>,
        %get3A_923 = vector.shape_cast %get3A_922 : vector<1x16xf32> to vector<16xf32>
        %mul3A_924 = vector.broadcast %squeeze3A_897 : f32 to vector<16xf32>
        %mul3A_925 = arith.mulf %get3A_923, %mul3A_924 : vector<16xf32>
        %swap3A_926 = arith.index_cast %add3A_895 : i32 to index
        %swap3A_927 = arith.constant 32 : index
        %swap3A_928 = tpu.vector_load %arg16[%swap3A_926, %swap3A_927] {strides = array<i32>} : memref<128x64xf32, #tpu.memory_space<vmem>>, vector<1x16xf32>,
        %swap3A_929 = vector.shape_cast %swap3A_928 : vector<1x16xf32> to vector<16xf32>
        %swap3A_930 = vector.shape_cast %mul3A_925 : vector<16xf32> to vector<1x16xf32>
        tpu.vector_store %arg16[%swap3A_926, %swap3A_927], %swap3A_930 {strides = array<i32>} : memref<128x64xf32, #tpu.memory_space<vmem>>, vector<1x16xf32>,
        %get3A_931 = arith.index_cast %add3A_895 : i32 to index
        %get3A_932 = arith.constant 48 : index
        %get3A_933 = tpu.vector_load %arg16[%get3A_931, %get3A_932] {strides = array<i32>} : memref<128x64xf32, #tpu.memory_space<vmem>>, vector<1x16xf32>,
        %get3A_934 = vector.shape_cast %get3A_933 : vector<1x16xf32> to vector<16xf32>
        %mul3A_935 = vector.broadcast %squeeze3A_897 : f32 to vector<16xf32>
        %mul3A_936 = arith.mulf %get3A_934, %mul3A_935 : vector<16xf32>
        %swap3A_937 = arith.index_cast %add3A_895 : i32 to index
        %swap3A_938 = arith.constant 48 : index
        %swap3A_939 = tpu.vector_load %arg16[%swap3A_937, %swap3A_938] {strides = array<i32>} : memref<128x64xf32, #tpu.memory_space<vmem>>, vector<1x16xf32>,
        %swap3A_940 = vector.shape_cast %swap3A_939 : vector<1x16xf32> to vector<16xf32>
        %swap3A_941 = vector.shape_cast %mul3A_936 : vector<16xf32> to vector<1x16xf32>
        tpu.vector_store %arg16[%swap3A_937, %swap3A_938], %swap3A_941 {strides = array<i32>} : memref<128x64xf32, #tpu.memory_space<vmem>>, vector<1x16xf32>,
        %mul3A_942 = arith.constant 16 : i32
        %mul3A_943 = arith.muli %scan3A_388, %mul3A_942 : i32
        %add3A_944 = arith.constant 11 : i32
        %add3A_945 = arith.addi %mul3A_943, %add3A_944 : i32
        %slice3A_946 = vector.extract_strided_slice %get3A_393 {offsets = [11], sizes = [1], strides = [1]} : vector<16xf32> to vector<1xf32>
        %squeeze3A_947 = vector.extract %slice3A_946[0] : f32 from vector<1xf32>
        %get3A_948 = arith.index_cast %add3A_945 : i32 to index
        %get3A_949 = arith.constant 0 : index
        %get3A_950 = tpu.vector_load %arg16[%get3A_948, %get3A_949] {strides = array<i32>} : memref<128x64xf32, #tpu.memory_space<vmem>>, vector<1x16xf32>,
        %get3A_951 = vector.shape_cast %get3A_950 : vector<1x16xf32> to vector<16xf32>
        %mul3A_952 = vector.broadcast %squeeze3A_947 : f32 to vector<16xf32>
        %mul3A_953 = arith.mulf %get3A_951, %mul3A_952 : vector<16xf32>
        %swap3A_954 = arith.index_cast %add3A_945 : i32 to index
        %swap3A_955 = arith.constant 0 : index
        %swap3A_956 = tpu.vector_load %arg16[%swap3A_954, %swap3A_955] {strides = array<i32>} : memref<128x64xf32, #tpu.memory_space<vmem>>, vector<1x16xf32>,
        %swap3A_957 = vector.shape_cast %swap3A_956 : vector<1x16xf32> to vector<16xf32>
        %swap3A_958 = vector.shape_cast %mul3A_953 : vector<16xf32> to vector<1x16xf32>
        tpu.vector_store %arg16[%swap3A_954, %swap3A_955], %swap3A_958 {strides = array<i32>} : memref<128x64xf32, #tpu.memory_space<vmem>>, vector<1x16xf32>,
        %get3A_959 = arith.index_cast %add3A_945 : i32 to index
        %get3A_960 = arith.constant 16 : index
        %get3A_961 = tpu.vector_load %arg16[%get3A_959, %get3A_960] {strides = array<i32>} : memref<128x64xf32, #tpu.memory_space<vmem>>, vector<1x16xf32>,
        %get3A_962 = vector.shape_cast %get3A_961 : vector<1x16xf32> to vector<16xf32>
        %mul3A_963 = vector.broadcast %squeeze3A_947 : f32 to vector<16xf32>
        %mul3A_964 = arith.mulf %get3A_962, %mul3A_963 : vector<16xf32>
        %swap3A_965 = arith.index_cast %add3A_945 : i32 to index
        %swap3A_966 = arith.constant 16 : index
        %swap3A_967 = tpu.vector_load %arg16[%swap3A_965, %swap3A_966] {strides = array<i32>} : memref<128x64xf32, #tpu.memory_space<vmem>>, vector<1x16xf32>,
        %swap3A_968 = vector.shape_cast %swap3A_967 : vector<1x16xf32> to vector<16xf32>
        %swap3A_969 = vector.shape_cast %mul3A_964 : vector<16xf32> to vector<1x16xf32>
        tpu.vector_store %arg16[%swap3A_965, %swap3A_966], %swap3A_969 {strides = array<i32>} : memref<128x64xf32, #tpu.memory_space<vmem>>, vector<1x16xf32>,
        %get3A_970 = arith.index_cast %add3A_945 : i32 to index
        %get3A_971 = arith.constant 32 : index
        %get3A_972 = tpu.vector_load %arg16[%get3A_970, %get3A_971] {strides = array<i32>} : memref<128x64xf32, #tpu.memory_space<vmem>>, vector<1x16xf32>,
        %get3A_973 = vector.shape_cast %get3A_972 : vector<1x16xf32> to vector<16xf32>
        %mul3A_974 = vector.broadcast %squeeze3A_947 : f32 to vector<16xf32>
        %mul3A_975 = arith.mulf %get3A_973, %mul3A_974 : vector<16xf32>
        %swap3A_976 = arith.index_cast %add3A_945 : i32 to index
        %swap3A_977 = arith.constant 32 : index
        %swap3A_978 = tpu.vector_load %arg16[%swap3A_976, %swap3A_977] {strides = array<i32>} : memref<128x64xf32, #tpu.memory_space<vmem>>, vector<1x16xf32>,
        %swap3A_979 = vector.shape_cast %swap3A_978 : vector<1x16xf32> to vector<16xf32>
        %swap3A_980 = vector.shape_cast %mul3A_975 : vector<16xf32> to vector<1x16xf32>
        tpu.vector_store %arg16[%swap3A_976, %swap3A_977], %swap3A_980 {strides = array<i32>} : memref<128x64xf32, #tpu.memory_space<vmem>>, vector<1x16xf32>,
        %get3A_981 = arith.index_cast %add3A_945 : i32 to index
        %get3A_982 = arith.constant 48 : index
        %get3A_983 = tpu.vector_load %arg16[%get3A_981, %get3A_982] {strides = array<i32>} : memref<128x64xf32, #tpu.memory_space<vmem>>, vector<1x16xf32>,
        %get3A_984 = vector.shape_cast %get3A_983 : vector<1x16xf32> to vector<16xf32>
        %mul3A_985 = vector.broadcast %squeeze3A_947 : f32 to vector<16xf32>
        %mul3A_986 = arith.mulf %get3A_984, %mul3A_985 : vector<16xf32>
        %swap3A_987 = arith.index_cast %add3A_945 : i32 to index
        %swap3A_988 = arith.constant 48 : index
        %swap3A_989 = tpu.vector_load %arg16[%swap3A_987, %swap3A_988] {strides = array<i32>} : memref<128x64xf32, #tpu.memory_space<vmem>>, vector<1x16xf32>,
        %swap3A_990 = vector.shape_cast %swap3A_989 : vector<1x16xf32> to vector<16xf32>
        %swap3A_991 = vector.shape_cast %mul3A_986 : vector<16xf32> to vector<1x16xf32>
        tpu.vector_store %arg16[%swap3A_987, %swap3A_988], %swap3A_991 {strides = array<i32>} : memref<128x64xf32, #tpu.memory_space<vmem>>, vector<1x16xf32>,
        %mul3A_992 = arith.constant 16 : i32
        %mul3A_993 = arith.muli %scan3A_388, %mul3A_992 : i32
        %add3A_994 = arith.constant 12 : i32
        %add3A_995 = arith.addi %mul3A_993, %add3A_994 : i32
        %slice3A_996 = vector.extract_strided_slice %get3A_393 {offsets = [12], sizes = [1], strides = [1]} : vector<16xf32> to vector<1xf32>
        %squeeze3A_997 = vector.extract %slice3A_996[0] : f32 from vector<1xf32>
        %get3A_998 = arith.index_cast %add3A_995 : i32 to index
        %get3A_999 = arith.constant 0 : index
        %get3A_1000 = tpu.vector_load %arg16[%get3A_998, %get3A_999] {strides = array<i32>} : memref<128x64xf32, #tpu.memory_space<vmem>>, vector<1x16xf32>,
        %get3A_1001 = vector.shape_cast %get3A_1000 : vector<1x16xf32> to vector<16xf32>
        %mul3A_1002 = vector.broadcast %squeeze3A_997 : f32 to vector<16xf32>
        %mul3A_1003 = arith.mulf %get3A_1001, %mul3A_1002 : vector<16xf32>
        %swap3A_1004 = arith.index_cast %add3A_995 : i32 to index
        %swap3A_1005 = arith.constant 0 : index
        %swap3A_1006 = tpu.vector_load %arg16[%swap3A_1004, %swap3A_1005] {strides = array<i32>} : memref<128x64xf32, #tpu.memory_space<vmem>>, vector<1x16xf32>,
        %swap3A_1007 = vector.shape_cast %swap3A_1006 : vector<1x16xf32> to vector<16xf32>
        %swap3A_1008 = vector.shape_cast %mul3A_1003 : vector<16xf32> to vector<1x16xf32>
        tpu.vector_store %arg16[%swap3A_1004, %swap3A_1005], %swap3A_1008 {strides = array<i32>} : memref<128x64xf32, #tpu.memory_space<vmem>>, vector<1x16xf32>,
        %get3A_1009 = arith.index_cast %add3A_995 : i32 to index
        %get3A_1010 = arith.constant 16 : index
        %get3A_1011 = tpu.vector_load %arg16[%get3A_1009, %get3A_1010] {strides = array<i32>} : memref<128x64xf32, #tpu.memory_space<vmem>>, vector<1x16xf32>,
        %get3A_1012 = vector.shape_cast %get3A_1011 : vector<1x16xf32> to vector<16xf32>
        %mul3A_1013 = vector.broadcast %squeeze3A_997 : f32 to vector<16xf32>
        %mul3A_1014 = arith.mulf %get3A_1012, %mul3A_1013 : vector<16xf32>
        %swap3A_1015 = arith.index_cast %add3A_995 : i32 to index
        %swap3A_1016 = arith.constant 16 : index
        %swap3A_1017 = tpu.vector_load %arg16[%swap3A_1015, %swap3A_1016] {strides = array<i32>} : memref<128x64xf32, #tpu.memory_space<vmem>>, vector<1x16xf32>,
        %swap3A_1018 = vector.shape_cast %swap3A_1017 : vector<1x16xf32> to vector<16xf32>
        %swap3A_1019 = vector.shape_cast %mul3A_1014 : vector<16xf32> to vector<1x16xf32>
        tpu.vector_store %arg16[%swap3A_1015, %swap3A_1016], %swap3A_1019 {strides = array<i32>} : memref<128x64xf32, #tpu.memory_space<vmem>>, vector<1x16xf32>,
        %get3A_1020 = arith.index_cast %add3A_995 : i32 to index
        %get3A_1021 = arith.constant 32 : index
        %get3A_1022 = tpu.vector_load %arg16[%get3A_1020, %get3A_1021] {strides = array<i32>} : memref<128x64xf32, #tpu.memory_space<vmem>>, vector<1x16xf32>,
        %get3A_1023 = vector.shape_cast %get3A_1022 : vector<1x16xf32> to vector<16xf32>
        %mul3A_1024 = vector.broadcast %squeeze3A_997 : f32 to vector<16xf32>
        %mul3A_1025 = arith.mulf %get3A_1023, %mul3A_1024 : vector<16xf32>
        %swap3A_1026 = arith.index_cast %add3A_995 : i32 to index
        %swap3A_1027 = arith.constant 32 : index
        %swap3A_1028 = tpu.vector_load %arg16[%swap3A_1026, %swap3A_1027] {strides = array<i32>} : memref<128x64xf32, #tpu.memory_space<vmem>>, vector<1x16xf32>,
        %swap3A_1029 = vector.shape_cast %swap3A_1028 : vector<1x16xf32> to vector<16xf32>
        %swap3A_1030 = vector.shape_cast %mul3A_1025 : vector<16xf32> to vector<1x16xf32>
        tpu.vector_store %arg16[%swap3A_1026, %swap3A_1027], %swap3A_1030 {strides = array<i32>} : memref<128x64xf32, #tpu.memory_space<vmem>>, vector<1x16xf32>,
        %get3A_1031 = arith.index_cast %add3A_995 : i32 to index
        %get3A_1032 = arith.constant 48 : index
        %get3A_1033 = tpu.vector_load %arg16[%get3A_1031, %get3A_1032] {strides = array<i32>} : memref<128x64xf32, #tpu.memory_space<vmem>>, vector<1x16xf32>,
        %get3A_1034 = vector.shape_cast %get3A_1033 : vector<1x16xf32> to vector<16xf32>
        %mul3A_1035 = vector.broadcast %squeeze3A_997 : f32 to vector<16xf32>
        %mul3A_1036 = arith.mulf %get3A_1034, %mul3A_1035 : vector<16xf32>
        %swap3A_1037 = arith.index_cast %add3A_995 : i32 to index
        %swap3A_1038 = arith.constant 48 : index
        %swap3A_1039 = tpu.vector_load %arg16[%swap3A_1037, %swap3A_1038] {strides = array<i32>} : memref<128x64xf32, #tpu.memory_space<vmem>>, vector<1x16xf32>,
        %swap3A_1040 = vector.shape_cast %swap3A_1039 : vector<1x16xf32> to vector<16xf32>
        %swap3A_1041 = vector.shape_cast %mul3A_1036 : vector<16xf32> to vector<1x16xf32>
        tpu.vector_store %arg16[%swap3A_1037, %swap3A_1038], %swap3A_1041 {strides = array<i32>} : memref<128x64xf32, #tpu.memory_space<vmem>>, vector<1x16xf32>,
        %mul3A_1042 = arith.constant 16 : i32
        %mul3A_1043 = arith.muli %scan3A_388, %mul3A_1042 : i32
        %add3A_1044 = arith.constant 13 : i32
        %add3A_1045 = arith.addi %mul3A_1043, %add3A_1044 : i32
        %slice3A_1046 = vector.extract_strided_slice %get3A_393 {offsets = [13], sizes = [1], strides = [1]} : vector<16xf32> to vector<1xf32>
        %squeeze3A_1047 = vector.extract %slice3A_1046[0] : f32 from vector<1xf32>
        %get3A_1048 = arith.index_cast %add3A_1045 : i32 to index
        %get3A_1049 = arith.constant 0 : index
        %get3A_1050 = tpu.vector_load %arg16[%get3A_1048, %get3A_1049] {strides = array<i32>} : memref<128x64xf32, #tpu.memory_space<vmem>>, vector<1x16xf32>,
        %get3A_1051 = vector.shape_cast %get3A_1050 : vector<1x16xf32> to vector<16xf32>
        %mul3A_1052 = vector.broadcast %squeeze3A_1047 : f32 to vector<16xf32>
        %mul3A_1053 = arith.mulf %get3A_1051, %mul3A_1052 : vector<16xf32>
        %swap3A_1054 = arith.index_cast %add3A_1045 : i32 to index
        %swap3A_1055 = arith.constant 0 : index
        %swap3A_1056 = tpu.vector_load %arg16[%swap3A_1054, %swap3A_1055] {strides = array<i32>} : memref<128x64xf32, #tpu.memory_space<vmem>>, vector<1x16xf32>,
        %swap3A_1057 = vector.shape_cast %swap3A_1056 : vector<1x16xf32> to vector<16xf32>
        %swap3A_1058 = vector.shape_cast %mul3A_1053 : vector<16xf32> to vector<1x16xf32>
        tpu.vector_store %arg16[%swap3A_1054, %swap3A_1055], %swap3A_1058 {strides = array<i32>} : memref<128x64xf32, #tpu.memory_space<vmem>>, vector<1x16xf32>,
        %get3A_1059 = arith.index_cast %add3A_1045 : i32 to index
        %get3A_1060 = arith.constant 16 : index
        %get3A_1061 = tpu.vector_load %arg16[%get3A_1059, %get3A_1060] {strides = array<i32>} : memref<128x64xf32, #tpu.memory_space<vmem>>, vector<1x16xf32>,
        %get3A_1062 = vector.shape_cast %get3A_1061 : vector<1x16xf32> to vector<16xf32>
        %mul3A_1063 = vector.broadcast %squeeze3A_1047 : f32 to vector<16xf32>
        %mul3A_1064 = arith.mulf %get3A_1062, %mul3A_1063 : vector<16xf32>
        %swap3A_1065 = arith.index_cast %add3A_1045 : i32 to index
        %swap3A_1066 = arith.constant 16 : index
        %swap3A_1067 = tpu.vector_load %arg16[%swap3A_1065, %swap3A_1066] {strides = array<i32>} : memref<128x64xf32, #tpu.memory_space<vmem>>, vector<1x16xf32>,
        %swap3A_1068 = vector.shape_cast %swap3A_1067 : vector<1x16xf32> to vector<16xf32>
        %swap3A_1069 = vector.shape_cast %mul3A_1064 : vector<16xf32> to vector<1x16xf32>
        tpu.vector_store %arg16[%swap3A_1065, %swap3A_1066], %swap3A_1069 {strides = array<i32>} : memref<128x64xf32, #tpu.memory_space<vmem>>, vector<1x16xf32>,
        %get3A_1070 = arith.index_cast %add3A_1045 : i32 to index
        %get3A_1071 = arith.constant 32 : index
        %get3A_1072 = tpu.vector_load %arg16[%get3A_1070, %get3A_1071] {strides = array<i32>} : memref<128x64xf32, #tpu.memory_space<vmem>>, vector<1x16xf32>,
        %get3A_1073 = vector.shape_cast %get3A_1072 : vector<1x16xf32> to vector<16xf32>
        %mul3A_1074 = vector.broadcast %squeeze3A_1047 : f32 to vector<16xf32>
        %mul3A_1075 = arith.mulf %get3A_1073, %mul3A_1074 : vector<16xf32>
        %swap3A_1076 = arith.index_cast %add3A_1045 : i32 to index
        %swap3A_1077 = arith.constant 32 : index
        %swap3A_1078 = tpu.vector_load %arg16[%swap3A_1076, %swap3A_1077] {strides = array<i32>} : memref<128x64xf32, #tpu.memory_space<vmem>>, vector<1x16xf32>,
        %swap3A_1079 = vector.shape_cast %swap3A_1078 : vector<1x16xf32> to vector<16xf32>
        %swap3A_1080 = vector.shape_cast %mul3A_1075 : vector<16xf32> to vector<1x16xf32>
        tpu.vector_store %arg16[%swap3A_1076, %swap3A_1077], %swap3A_1080 {strides = array<i32>} : memref<128x64xf32, #tpu.memory_space<vmem>>, vector<1x16xf32>,
        %get3A_1081 = arith.index_cast %add3A_1045 : i32 to index
        %get3A_1082 = arith.constant 48 : index
        %get3A_1083 = tpu.vector_load %arg16[%get3A_1081, %get3A_1082] {strides = array<i32>} : memref<128x64xf32, #tpu.memory_space<vmem>>, vector<1x16xf32>,
        %get3A_1084 = vector.shape_cast %get3A_1083 : vector<1x16xf32> to vector<16xf32>
        %mul3A_1085 = vector.broadcast %squeeze3A_1047 : f32 to vector<16xf32>
        %mul3A_1086 = arith.mulf %get3A_1084, %mul3A_1085 : vector<16xf32>
        %swap3A_1087 = arith.index_cast %add3A_1045 : i32 to index
        %swap3A_1088 = arith.constant 48 : index
        %swap3A_1089 = tpu.vector_load %arg16[%swap3A_1087, %swap3A_1088] {strides = array<i32>} : memref<128x64xf32, #tpu.memory_space<vmem>>, vector<1x16xf32>,
        %swap3A_1090 = vector.shape_cast %swap3A_1089 : vector<1x16xf32> to vector<16xf32>
        %swap3A_1091 = vector.shape_cast %mul3A_1086 : vector<16xf32> to vector<1x16xf32>
        tpu.vector_store %arg16[%swap3A_1087, %swap3A_1088], %swap3A_1091 {strides = array<i32>} : memref<128x64xf32, #tpu.memory_space<vmem>>, vector<1x16xf32>,
        %mul3A_1092 = arith.constant 16 : i32
        %mul3A_1093 = arith.muli %scan3A_388, %mul3A_1092 : i32
        %add3A_1094 = arith.constant 14 : i32
        %add3A_1095 = arith.addi %mul3A_1093, %add3A_1094 : i32
        %slice3A_1096 = vector.extract_strided_slice %get3A_393 {offsets = [14], sizes = [1], strides = [1]} : vector<16xf32> to vector<1xf32>
        %squeeze3A_1097 = vector.extract %slice3A_1096[0] : f32 from vector<1xf32>
        %get3A_1098 = arith.index_cast %add3A_1095 : i32 to index
        %get3A_1099 = arith.constant 0 : index
        %get3A_1100 = tpu.vector_load %arg16[%get3A_1098, %get3A_1099] {strides = array<i32>} : memref<128x64xf32, #tpu.memory_space<vmem>>, vector<1x16xf32>,
        %get3A_1101 = vector.shape_cast %get3A_1100 : vector<1x16xf32> to vector<16xf32>
        %mul3A_1102 = vector.broadcast %squeeze3A_1097 : f32 to vector<16xf32>
        %mul3A_1103 = arith.mulf %get3A_1101, %mul3A_1102 : vector<16xf32>
        %swap3A_1104 = arith.index_cast %add3A_1095 : i32 to index
        %swap3A_1105 = arith.constant 0 : index
        %swap3A_1106 = tpu.vector_load %arg16[%swap3A_1104, %swap3A_1105] {strides = array<i32>} : memref<128x64xf32, #tpu.memory_space<vmem>>, vector<1x16xf32>,
        %swap3A_1107 = vector.shape_cast %swap3A_1106 : vector<1x16xf32> to vector<16xf32>
        %swap3A_1108 = vector.shape_cast %mul3A_1103 : vector<16xf32> to vector<1x16xf32>
        tpu.vector_store %arg16[%swap3A_1104, %swap3A_1105], %swap3A_1108 {strides = array<i32>} : memref<128x64xf32, #tpu.memory_space<vmem>>, vector<1x16xf32>,
        %get3A_1109 = arith.index_cast %add3A_1095 : i32 to index
        %get3A_1110 = arith.constant 16 : index
        %get3A_1111 = tpu.vector_load %arg16[%get3A_1109, %get3A_1110] {strides = array<i32>} : memref<128x64xf32, #tpu.memory_space<vmem>>, vector<1x16xf32>,
        %get3A_1112 = vector.shape_cast %get3A_1111 : vector<1x16xf32> to vector<16xf32>
        %mul3A_1113 = vector.broadcast %squeeze3A_1097 : f32 to vector<16xf32>
        %mul3A_1114 = arith.mulf %get3A_1112, %mul3A_1113 : vector<16xf32>
        %swap3A_1115 = arith.index_cast %add3A_1095 : i32 to index
        %swap3A_1116 = arith.constant 16 : index
        %swap3A_1117 = tpu.vector_load %arg16[%swap3A_1115, %swap3A_1116] {strides = array<i32>} : memref<128x64xf32, #tpu.memory_space<vmem>>, vector<1x16xf32>,
        %swap3A_1118 = vector.shape_cast %swap3A_1117 : vector<1x16xf32> to vector<16xf32>
        %swap3A_1119 = vector.shape_cast %mul3A_1114 : vector<16xf32> to vector<1x16xf32>
        tpu.vector_store %arg16[%swap3A_1115, %swap3A_1116], %swap3A_1119 {strides = array<i32>} : memref<128x64xf32, #tpu.memory_space<vmem>>, vector<1x16xf32>,
        %get3A_1120 = arith.index_cast %add3A_1095 : i32 to index
        %get3A_1121 = arith.constant 32 : index
        %get3A_1122 = tpu.vector_load %arg16[%get3A_1120, %get3A_1121] {strides = array<i32>} : memref<128x64xf32, #tpu.memory_space<vmem>>, vector<1x16xf32>,
        %get3A_1123 = vector.shape_cast %get3A_1122 : vector<1x16xf32> to vector<16xf32>
        %mul3A_1124 = vector.broadcast %squeeze3A_1097 : f32 to vector<16xf32>
        %mul3A_1125 = arith.mulf %get3A_1123, %mul3A_1124 : vector<16xf32>
        %swap3A_1126 = arith.index_cast %add3A_1095 : i32 to index
        %swap3A_1127 = arith.constant 32 : index
        %swap3A_1128 = tpu.vector_load %arg16[%swap3A_1126, %swap3A_1127] {strides = array<i32>} : memref<128x64xf32, #tpu.memory_space<vmem>>, vector<1x16xf32>,
        %swap3A_1129 = vector.shape_cast %swap3A_1128 : vector<1x16xf32> to vector<16xf32>
        %swap3A_1130 = vector.shape_cast %mul3A_1125 : vector<16xf32> to vector<1x16xf32>
        tpu.vector_store %arg16[%swap3A_1126, %swap3A_1127], %swap3A_1130 {strides = array<i32>} : memref<128x64xf32, #tpu.memory_space<vmem>>, vector<1x16xf32>,
        %get3A_1131 = arith.index_cast %add3A_1095 : i32 to index
        %get3A_1132 = arith.constant 48 : index
        %get3A_1133 = tpu.vector_load %arg16[%get3A_1131, %get3A_1132] {strides = array<i32>} : memref<128x64xf32, #tpu.memory_space<vmem>>, vector<1x16xf32>,
        %get3A_1134 = vector.shape_cast %get3A_1133 : vector<1x16xf32> to vector<16xf32>
        %mul3A_1135 = vector.broadcast %squeeze3A_1097 : f32 to vector<16xf32>
        %mul3A_1136 = arith.mulf %get3A_1134, %mul3A_1135 : vector<16xf32>
        %swap3A_1137 = arith.index_cast %add3A_1095 : i32 to index
        %swap3A_1138 = arith.constant 48 : index
        %swap3A_1139 = tpu.vector_load %arg16[%swap3A_1137, %swap3A_1138] {strides = array<i32>} : memref<128x64xf32, #tpu.memory_space<vmem>>, vector<1x16xf32>,
        %swap3A_1140 = vector.shape_cast %swap3A_1139 : vector<1x16xf32> to vector<16xf32>
        %swap3A_1141 = vector.shape_cast %mul3A_1136 : vector<16xf32> to vector<1x16xf32>
        tpu.vector_store %arg16[%swap3A_1137, %swap3A_1138], %swap3A_1141 {strides = array<i32>} : memref<128x64xf32, #tpu.memory_space<vmem>>, vector<1x16xf32>,
        %mul3A_1142 = arith.constant 16 : i32
        %mul3A_1143 = arith.muli %scan3A_388, %mul3A_1142 : i32
        %add3A_1144 = arith.constant 15 : i32
        %add3A_1145 = arith.addi %mul3A_1143, %add3A_1144 : i32
        %slice3A_1146 = vector.extract_strided_slice %get3A_393 {offsets = [15], sizes = [1], strides = [1]} : vector<16xf32> to vector<1xf32>
        %squeeze3A_1147 = vector.extract %slice3A_1146[0] : f32 from vector<1xf32>
        %get3A_1148 = arith.index_cast %add3A_1145 : i32 to index
        %get3A_1149 = arith.constant 0 : index
        %get3A_1150 = tpu.vector_load %arg16[%get3A_1148, %get3A_1149] {strides = array<i32>} : memref<128x64xf32, #tpu.memory_space<vmem>>, vector<1x16xf32>,
        %get3A_1151 = vector.shape_cast %get3A_1150 : vector<1x16xf32> to vector<16xf32>
        %mul3A_1152 = vector.broadcast %squeeze3A_1147 : f32 to vector<16xf32>
        %mul3A_1153 = arith.mulf %get3A_1151, %mul3A_1152 : vector<16xf32>
        %swap3A_1154 = arith.index_cast %add3A_1145 : i32 to index
        %swap3A_1155 = arith.constant 0 : index
        %swap3A_1156 = tpu.vector_load %arg16[%swap3A_1154, %swap3A_1155] {strides = array<i32>} : memref<128x64xf32, #tpu.memory_space<vmem>>, vector<1x16xf32>,
        %swap3A_1157 = vector.shape_cast %swap3A_1156 : vector<1x16xf32> to vector<16xf32>
        %swap3A_1158 = vector.shape_cast %mul3A_1153 : vector<16xf32> to vector<1x16xf32>
        tpu.vector_store %arg16[%swap3A_1154, %swap3A_1155], %swap3A_1158 {strides = array<i32>} : memref<128x64xf32, #tpu.memory_space<vmem>>, vector<1x16xf32>,
        %get3A_1159 = arith.index_cast %add3A_1145 : i32 to index
        %get3A_1160 = arith.constant 16 : index
        %get3A_1161 = tpu.vector_load %arg16[%get3A_1159, %get3A_1160] {strides = array<i32>} : memref<128x64xf32, #tpu.memory_space<vmem>>, vector<1x16xf32>,
        %get3A_1162 = vector.shape_cast %get3A_1161 : vector<1x16xf32> to vector<16xf32>
        %mul3A_1163 = vector.broadcast %squeeze3A_1147 : f32 to vector<16xf32>
        %mul3A_1164 = arith.mulf %get3A_1162, %mul3A_1163 : vector<16xf32>
        %swap3A_1165 = arith.index_cast %add3A_1145 : i32 to index
        %swap3A_1166 = arith.constant 16 : index
        %swap3A_1167 = tpu.vector_load %arg16[%swap3A_1165, %swap3A_1166] {strides = array<i32>} : memref<128x64xf32, #tpu.memory_space<vmem>>, vector<1x16xf32>,
        %swap3A_1168 = vector.shape_cast %swap3A_1167 : vector<1x16xf32> to vector<16xf32>
        %swap3A_1169 = vector.shape_cast %mul3A_1164 : vector<16xf32> to vector<1x16xf32>
        tpu.vector_store %arg16[%swap3A_1165, %swap3A_1166], %swap3A_1169 {strides = array<i32>} : memref<128x64xf32, #tpu.memory_space<vmem>>, vector<1x16xf32>,
        %get3A_1170 = arith.index_cast %add3A_1145 : i32 to index
        %get3A_1171 = arith.constant 32 : index
        %get3A_1172 = tpu.vector_load %arg16[%get3A_1170, %get3A_1171] {strides = array<i32>} : memref<128x64xf32, #tpu.memory_space<vmem>>, vector<1x16xf32>,
        %get3A_1173 = vector.shape_cast %get3A_1172 : vector<1x16xf32> to vector<16xf32>
        %mul3A_1174 = vector.broadcast %squeeze3A_1147 : f32 to vector<16xf32>
        %mul3A_1175 = arith.mulf %get3A_1173, %mul3A_1174 : vector<16xf32>
        %swap3A_1176 = arith.index_cast %add3A_1145 : i32 to index
        %swap3A_1177 = arith.constant 32 : index
        %swap3A_1178 = tpu.vector_load %arg16[%swap3A_1176, %swap3A_1177] {strides = array<i32>} : memref<128x64xf32, #tpu.memory_space<vmem>>, vector<1x16xf32>,
        %swap3A_1179 = vector.shape_cast %swap3A_1178 : vector<1x16xf32> to vector<16xf32>
        %swap3A_1180 = vector.shape_cast %mul3A_1175 : vector<16xf32> to vector<1x16xf32>
        tpu.vector_store %arg16[%swap3A_1176, %swap3A_1177], %swap3A_1180 {strides = array<i32>} : memref<128x64xf32, #tpu.memory_space<vmem>>, vector<1x16xf32>,
        %get3A_1181 = arith.index_cast %add3A_1145 : i32 to index
        %get3A_1182 = arith.constant 48 : index
        %get3A_1183 = tpu.vector_load %arg16[%get3A_1181, %get3A_1182] {strides = array<i32>} : memref<128x64xf32, #tpu.memory_space<vmem>>, vector<1x16xf32>,
        %get3A_1184 = vector.shape_cast %get3A_1183 : vector<1x16xf32> to vector<16xf32>
        %mul3A_1185 = vector.broadcast %squeeze3A_1147 : f32 to vector<16xf32>
        %mul3A_1186 = arith.mulf %get3A_1184, %mul3A_1185 : vector<16xf32>
        %swap3A_1187 = arith.index_cast %add3A_1145 : i32 to index
        %swap3A_1188 = arith.constant 48 : index
        %swap3A_1189 = tpu.vector_load %arg16[%swap3A_1187, %swap3A_1188] {strides = array<i32>} : memref<128x64xf32, #tpu.memory_space<vmem>>, vector<1x16xf32>,
        %swap3A_1190 = vector.shape_cast %swap3A_1189 : vector<1x16xf32> to vector<16xf32>
        %swap3A_1191 = vector.shape_cast %mul3A_1186 : vector<16xf32> to vector<1x16xf32>
        tpu.vector_store %arg16[%swap3A_1187, %swap3A_1188], %swap3A_1191 {strides = array<i32>} : memref<128x64xf32, #tpu.memory_space<vmem>>, vector<1x16xf32>,
      }
      %scan3A_350 = arith.constant 8 : i32
      %dma_start3A_351 = arith.constant 0 : i32
      %dma_start3A_352 = arith.constant 0 : i32
      %dma_start3A_353 = tpu.memref_slice %arg8[%dma_start3A_351, %dma_start3A_352] : memref<10240x64xf32, #tpu.memory_space<vmem_shared>> -> memref<10240x64xf32, #tpu.memory_space<vmem_shared>>
      tpu.enqueue_indirect_dma source(%arg16 : memref<128x64xf32, #tpu.memory_space<vmem>>) target(%dma_start3A_353 : memref<10240x64xf32, #tpu.memory_space<vmem_shared>>) offsets(%arg12 : memref<128xi32, #tpu.memory_space<vmem>>) semaphore(%arg20 : memref<!tpu.dma_semaphore, #tpu.memory_space<semaphore_mem>>) {add = true}
      %add3A_354 = arith.constant 2 : i32
      %add3A_355 = arith.addi %add3A_334, %add3A_354 : i32
      %lt3A = arith.constant 160 : i32
      %lt3A_356 = arith.cmpi slt, %add3A_355, %lt3A : i32
      %convert_element_type3A = arith.extui %lt3A_356 : i1 to i32
      %cond3A = arith.constant 0 : i32
      %cond3A_357 = arith.cmpi ne, %convert_element_type3A, %cond3A : i32
      scf.if %cond3A_357 {
        %dma_wait3A_388 = arith.constant 0 : i32
        %dma_wait3A_389 = arith.constant 0 : i32
        %dma_wait3A_390 = tpu.memref_slice %arg8[%dma_wait3A_388, %dma_wait3A_389] : memref<10240x64xf32, #tpu.memory_space<vmem_shared>> -> memref<10240x64xf32, #tpu.memory_space<vmem_shared>>
        tpu.wait_indirect_dma semaphore(%arg20 : memref<!tpu.dma_semaphore, #tpu.memory_space<semaphore_mem>>) src(%arg16 : memref<128x64xf32, #tpu.memory_space<vmem>>) dst(%dma_wait3A_390 : memref<10240x64xf32, #tpu.memory_space<vmem_shared>>)
        %add3A_391 = arith.constant 2 : i32
        %add3A_392 = arith.addi %add3A_334, %add3A_391 : i32
        %get3A_393 = arith.index_cast %add3A_392 : i32 to index
        %get3A_394 = arith.constant 0 : index
        %get3A_395 = tpu.vector_load %arg9[%get3A_393, %get3A_394] {strides = array<i32>} : memref<160x128xi32, #tpu.memory_space<vmem>>, vector<1x16xi32>,
        %get3A_396 = vector.shape_cast %get3A_395 : vector<1x16xi32> to vector<16xi32>
        %and3A_397 = arith.constant 32767 : i32
        %and3A_398 = vector.broadcast %and3A_397 : i32 to vector<16xi32>
        %and3A_399 = arith.andi %get3A_396, %and3A_398 : vector<16xi32>
        %swap3A_400 = arith.constant 0 : index
        %swap3A_401 = tpu.vector_load %arg10[%swap3A_400] {strides = array<i32>} : memref<128xi32, #tpu.memory_space<vmem>>, vector<16xi32>,
        %swap3A_402 = vector.shape_cast %swap3A_401 : vector<16xi32> to vector<16xi32>
        %swap3A_403 = vector.shape_cast %and3A_399 : vector<16xi32> to vector<16xi32>
        tpu.vector_store %arg10[%swap3A_400], %swap3A_403 {strides = array<i32>} : memref<128xi32, #tpu.memory_space<vmem>>, vector<16xi32>,
        %shift_right_arithmetic3A_404 = arith.constant 15 : i32
        %shift_right_arithmetic3A_405 = vector.broadcast %shift_right_arithmetic3A_404 : i32 to vector<16xi32>
        %shift_right_arithmetic3A_406 = arith.shrsi %get3A_396, %shift_right_arithmetic3A_405 : vector<16xi32>
        %swap3A_407 = arith.constant 0 : index
        %swap3A_408 = tpu.vector_load %arg12[%swap3A_407] {strides = array<i32>} : memref<128xi32, #tpu.memory_space<vmem>>, vector<16xi32>,
        %swap3A_409 = vector.shape_cast %swap3A_408 : vector<16xi32> to vector<16xi32>
        %swap3A_410 = vector.shape_cast %shift_right_arithmetic3A_406 : vector<16xi32> to vector<16xi32>
        tpu.vector_store %arg12[%swap3A_407], %swap3A_410 {strides = array<i32>} : memref<128xi32, #tpu.memory_space<vmem>>, vector<16xi32>,
        %get3A_411 = arith.index_cast %add3A_392 : i32 to index
        %get3A_412 = arith.constant 16 : index
        %get3A_413 = tpu.vector_load %arg9[%get3A_411, %get3A_412] {strides = array<i32>} : memref<160x128xi32, #tpu.memory_space<vmem>>, vector<1x16xi32>,
        %get3A_414 = vector.shape_cast %get3A_413 : vector<1x16xi32> to vector<16xi32>
        %and3A_415 = arith.constant 32767 : i32
        %and3A_416 = vector.broadcast %and3A_415 : i32 to vector<16xi32>
        %and3A_417 = arith.andi %get3A_414, %and3A_416 : vector<16xi32>
        %swap3A_418 = arith.constant 16 : index
        %swap3A_419 = tpu.vector_load %arg10[%swap3A_418] {strides = array<i32>} : memref<128xi32, #tpu.memory_space<vmem>>, vector<16xi32>,
        %swap3A_420 = vector.shape_cast %swap3A_419 : vector<16xi32> to vector<16xi32>
        %swap3A_421 = vector.shape_cast %and3A_417 : vector<16xi32> to vector<16xi32>
        tpu.vector_store %arg10[%swap3A_418], %swap3A_421 {strides = array<i32>} : memref<128xi32, #tpu.memory_space<vmem>>, vector<16xi32>,
        %shift_right_arithmetic3A_422 = arith.constant 15 : i32
        %shift_right_arithmetic3A_423 = vector.broadcast %shift_right_arithmetic3A_422 : i32 to vector<16xi32>
        %shift_right_arithmetic3A_424 = arith.shrsi %get3A_414, %shift_right_arithmetic3A_423 : vector<16xi32>
        %swap3A_425 = arith.constant 16 : index
        %swap3A_426 = tpu.vector_load %arg12[%swap3A_425] {strides = array<i32>} : memref<128xi32, #tpu.memory_space<vmem>>, vector<16xi32>,
        %swap3A_427 = vector.shape_cast %swap3A_426 : vector<16xi32> to vector<16xi32>
        %swap3A_428 = vector.shape_cast %shift_right_arithmetic3A_424 : vector<16xi32> to vector<16xi32>
        tpu.vector_store %arg12[%swap3A_425], %swap3A_428 {strides = array<i32>} : memref<128xi32, #tpu.memory_space<vmem>>, vector<16xi32>,
        %get3A_429 = arith.index_cast %add3A_392 : i32 to index
        %get3A_430 = arith.constant 32 : index
        %get3A_431 = tpu.vector_load %arg9[%get3A_429, %get3A_430] {strides = array<i32>} : memref<160x128xi32, #tpu.memory_space<vmem>>, vector<1x16xi32>,
        %get3A_432 = vector.shape_cast %get3A_431 : vector<1x16xi32> to vector<16xi32>
        %and3A_433 = arith.constant 32767 : i32
        %and3A_434 = vector.broadcast %and3A_433 : i32 to vector<16xi32>
        %and3A_435 = arith.andi %get3A_432, %and3A_434 : vector<16xi32>
        %swap3A_436 = arith.constant 32 : index
        %swap3A_437 = tpu.vector_load %arg10[%swap3A_436] {strides = array<i32>} : memref<128xi32, #tpu.memory_space<vmem>>, vector<16xi32>,
        %swap3A_438 = vector.shape_cast %swap3A_437 : vector<16xi32> to vector<16xi32>
        %swap3A_439 = vector.shape_cast %and3A_435 : vector<16xi32> to vector<16xi32>
        tpu.vector_store %arg10[%swap3A_436], %swap3A_439 {strides = array<i32>} : memref<128xi32, #tpu.memory_space<vmem>>, vector<16xi32>,
        %shift_right_arithmetic3A_440 = arith.constant 15 : i32
        %shift_right_arithmetic3A_441 = vector.broadcast %shift_right_arithmetic3A_440 : i32 to vector<16xi32>
        %shift_right_arithmetic3A_442 = arith.shrsi %get3A_432, %shift_right_arithmetic3A_441 : vector<16xi32>
        %swap3A_443 = arith.constant 32 : index
        %swap3A_444 = tpu.vector_load %arg12[%swap3A_443] {strides = array<i32>} : memref<128xi32, #tpu.memory_space<vmem>>, vector<16xi32>,
        %swap3A_445 = vector.shape_cast %swap3A_444 : vector<16xi32> to vector<16xi32>
        %swap3A_446 = vector.shape_cast %shift_right_arithmetic3A_442 : vector<16xi32> to vector<16xi32>
        tpu.vector_store %arg12[%swap3A_443], %swap3A_446 {strides = array<i32>} : memref<128xi32, #tpu.memory_space<vmem>>, vector<16xi32>,
        %get3A_447 = arith.index_cast %add3A_392 : i32 to index
        %get3A_448 = arith.constant 48 : index
        %get3A_449 = tpu.vector_load %arg9[%get3A_447, %get3A_448] {strides = array<i32>} : memref<160x128xi32, #tpu.memory_space<vmem>>, vector<1x16xi32>,
        %get3A_450 = vector.shape_cast %get3A_449 : vector<1x16xi32> to vector<16xi32>
        %and3A_451 = arith.constant 32767 : i32
        %and3A_452 = vector.broadcast %and3A_451 : i32 to vector<16xi32>
        %and3A_453 = arith.andi %get3A_450, %and3A_452 : vector<16xi32>
        %swap3A_454 = arith.constant 48 : index
        %swap3A_455 = tpu.vector_load %arg10[%swap3A_454] {strides = array<i32>} : memref<128xi32, #tpu.memory_space<vmem>>, vector<16xi32>,
        %swap3A_456 = vector.shape_cast %swap3A_455 : vector<16xi32> to vector<16xi32>
        %swap3A_457 = vector.shape_cast %and3A_453 : vector<16xi32> to vector<16xi32>
        tpu.vector_store %arg10[%swap3A_454], %swap3A_457 {strides = array<i32>} : memref<128xi32, #tpu.memory_space<vmem>>, vector<16xi32>,
        %shift_right_arithmetic3A_458 = arith.constant 15 : i32
        %shift_right_arithmetic3A_459 = vector.broadcast %shift_right_arithmetic3A_458 : i32 to vector<16xi32>
        %shift_right_arithmetic3A_460 = arith.shrsi %get3A_450, %shift_right_arithmetic3A_459 : vector<16xi32>
        %swap3A_461 = arith.constant 48 : index
        %swap3A_462 = tpu.vector_load %arg12[%swap3A_461] {strides = array<i32>} : memref<128xi32, #tpu.memory_space<vmem>>, vector<16xi32>,
        %swap3A_463 = vector.shape_cast %swap3A_462 : vector<16xi32> to vector<16xi32>
        %swap3A_464 = vector.shape_cast %shift_right_arithmetic3A_460 : vector<16xi32> to vector<16xi32>
        tpu.vector_store %arg12[%swap3A_461], %swap3A_464 {strides = array<i32>} : memref<128xi32, #tpu.memory_space<vmem>>, vector<16xi32>,
        %get3A_465 = arith.index_cast %add3A_392 : i32 to index
        %get3A_466 = arith.constant 64 : index
        %get3A_467 = tpu.vector_load %arg9[%get3A_465, %get3A_466] {strides = array<i32>} : memref<160x128xi32, #tpu.memory_space<vmem>>, vector<1x16xi32>,
        %get3A_468 = vector.shape_cast %get3A_467 : vector<1x16xi32> to vector<16xi32>
        %and3A_469 = arith.constant 32767 : i32
        %and3A_470 = vector.broadcast %and3A_469 : i32 to vector<16xi32>
        %and3A_471 = arith.andi %get3A_468, %and3A_470 : vector<16xi32>
        %swap3A_472 = arith.constant 64 : index
        %swap3A_473 = tpu.vector_load %arg10[%swap3A_472] {strides = array<i32>} : memref<128xi32, #tpu.memory_space<vmem>>, vector<16xi32>,
        %swap3A_474 = vector.shape_cast %swap3A_473 : vector<16xi32> to vector<16xi32>
        %swap3A_475 = vector.shape_cast %and3A_471 : vector<16xi32> to vector<16xi32>
        tpu.vector_store %arg10[%swap3A_472], %swap3A_475 {strides = array<i32>} : memref<128xi32, #tpu.memory_space<vmem>>, vector<16xi32>,
        %shift_right_arithmetic3A_476 = arith.constant 15 : i32
        %shift_right_arithmetic3A_477 = vector.broadcast %shift_right_arithmetic3A_476 : i32 to vector<16xi32>
        %shift_right_arithmetic3A_478 = arith.shrsi %get3A_468, %shift_right_arithmetic3A_477 : vector<16xi32>
        %swap3A_479 = arith.constant 64 : index
        %swap3A_480 = tpu.vector_load %arg12[%swap3A_479] {strides = array<i32>} : memref<128xi32, #tpu.memory_space<vmem>>, vector<16xi32>,
        %swap3A_481 = vector.shape_cast %swap3A_480 : vector<16xi32> to vector<16xi32>
        %swap3A_482 = vector.shape_cast %shift_right_arithmetic3A_478 : vector<16xi32> to vector<16xi32>
        tpu.vector_store %arg12[%swap3A_479], %swap3A_482 {strides = array<i32>} : memref<128xi32, #tpu.memory_space<vmem>>, vector<16xi32>,
        %get3A_483 = arith.index_cast %add3A_392 : i32 to index
        %get3A_484 = arith.constant 80 : index
        %get3A_485 = tpu.vector_load %arg9[%get3A_483, %get3A_484] {strides = array<i32>} : memref<160x128xi32, #tpu.memory_space<vmem>>, vector<1x16xi32>,
        %get3A_486 = vector.shape_cast %get3A_485 : vector<1x16xi32> to vector<16xi32>
        %and3A_487 = arith.constant 32767 : i32
        %and3A_488 = vector.broadcast %and3A_487 : i32 to vector<16xi32>
        %and3A_489 = arith.andi %get3A_486, %and3A_488 : vector<16xi32>
        %swap3A_490 = arith.constant 80 : index
        %swap3A_491 = tpu.vector_load %arg10[%swap3A_490] {strides = array<i32>} : memref<128xi32, #tpu.memory_space<vmem>>, vector<16xi32>,
        %swap3A_492 = vector.shape_cast %swap3A_491 : vector<16xi32> to vector<16xi32>
        %swap3A_493 = vector.shape_cast %and3A_489 : vector<16xi32> to vector<16xi32>
        tpu.vector_store %arg10[%swap3A_490], %swap3A_493 {strides = array<i32>} : memref<128xi32, #tpu.memory_space<vmem>>, vector<16xi32>,
        %shift_right_arithmetic3A_494 = arith.constant 15 : i32
        %shift_right_arithmetic3A_495 = vector.broadcast %shift_right_arithmetic3A_494 : i32 to vector<16xi32>
        %shift_right_arithmetic3A_496 = arith.shrsi %get3A_486, %shift_right_arithmetic3A_495 : vector<16xi32>
        %swap3A_497 = arith.constant 80 : index
        %swap3A_498 = tpu.vector_load %arg12[%swap3A_497] {strides = array<i32>} : memref<128xi32, #tpu.memory_space<vmem>>, vector<16xi32>,
        %swap3A_499 = vector.shape_cast %swap3A_498 : vector<16xi32> to vector<16xi32>
        %swap3A_500 = vector.shape_cast %shift_right_arithmetic3A_496 : vector<16xi32> to vector<16xi32>
        tpu.vector_store %arg12[%swap3A_497], %swap3A_500 {strides = array<i32>} : memref<128xi32, #tpu.memory_space<vmem>>, vector<16xi32>,
        %get3A_501 = arith.index_cast %add3A_392 : i32 to index
        %get3A_502 = arith.constant 96 : index
        %get3A_503 = tpu.vector_load %arg9[%get3A_501, %get3A_502] {strides = array<i32>} : memref<160x128xi32, #tpu.memory_space<vmem>>, vector<1x16xi32>,
        %get3A_504 = vector.shape_cast %get3A_503 : vector<1x16xi32> to vector<16xi32>
        %and3A_505 = arith.constant 32767 : i32
        %and3A_506 = vector.broadcast %and3A_505 : i32 to vector<16xi32>
        %and3A_507 = arith.andi %get3A_504, %and3A_506 : vector<16xi32>
        %swap3A_508 = arith.constant 96 : index
        %swap3A_509 = tpu.vector_load %arg10[%swap3A_508] {strides = array<i32>} : memref<128xi32, #tpu.memory_space<vmem>>, vector<16xi32>,
        %swap3A_510 = vector.shape_cast %swap3A_509 : vector<16xi32> to vector<16xi32>
        %swap3A_511 = vector.shape_cast %and3A_507 : vector<16xi32> to vector<16xi32>
        tpu.vector_store %arg10[%swap3A_508], %swap3A_511 {strides = array<i32>} : memref<128xi32, #tpu.memory_space<vmem>>, vector<16xi32>,
        %shift_right_arithmetic3A_512 = arith.constant 15 : i32
        %shift_right_arithmetic3A_513 = vector.broadcast %shift_right_arithmetic3A_512 : i32 to vector<16xi32>
        %shift_right_arithmetic3A_514 = arith.shrsi %get3A_504, %shift_right_arithmetic3A_513 : vector<16xi32>
        %swap3A_515 = arith.constant 96 : index
        %swap3A_516 = tpu.vector_load %arg12[%swap3A_515] {strides = array<i32>} : memref<128xi32, #tpu.memory_space<vmem>>, vector<16xi32>,
        %swap3A_517 = vector.shape_cast %swap3A_516 : vector<16xi32> to vector<16xi32>
        %swap3A_518 = vector.shape_cast %shift_right_arithmetic3A_514 : vector<16xi32> to vector<16xi32>
        tpu.vector_store %arg12[%swap3A_515], %swap3A_518 {strides = array<i32>} : memref<128xi32, #tpu.memory_space<vmem>>, vector<16xi32>,
        %get3A_519 = arith.index_cast %add3A_392 : i32 to index
        %get3A_520 = arith.constant 112 : index
        %get3A_521 = tpu.vector_load %arg9[%get3A_519, %get3A_520] {strides = array<i32>} : memref<160x128xi32, #tpu.memory_space<vmem>>, vector<1x16xi32>,
        %get3A_522 = vector.shape_cast %get3A_521 : vector<1x16xi32> to vector<16xi32>
        %and3A_523 = arith.constant 32767 : i32
        %and3A_524 = vector.broadcast %and3A_523 : i32 to vector<16xi32>
        %and3A_525 = arith.andi %get3A_522, %and3A_524 : vector<16xi32>
        %swap3A_526 = arith.constant 112 : index
        %swap3A_527 = tpu.vector_load %arg10[%swap3A_526] {strides = array<i32>} : memref<128xi32, #tpu.memory_space<vmem>>, vector<16xi32>,
        %swap3A_528 = vector.shape_cast %swap3A_527 : vector<16xi32> to vector<16xi32>
        %swap3A_529 = vector.shape_cast %and3A_525 : vector<16xi32> to vector<16xi32>
        tpu.vector_store %arg10[%swap3A_526], %swap3A_529 {strides = array<i32>} : memref<128xi32, #tpu.memory_space<vmem>>, vector<16xi32>,
        %shift_right_arithmetic3A_530 = arith.constant 15 : i32
        %shift_right_arithmetic3A_531 = vector.broadcast %shift_right_arithmetic3A_530 : i32 to vector<16xi32>
        %shift_right_arithmetic3A_532 = arith.shrsi %get3A_522, %shift_right_arithmetic3A_531 : vector<16xi32>
        %swap3A_533 = arith.constant 112 : index
        %swap3A_534 = tpu.vector_load %arg12[%swap3A_533] {strides = array<i32>} : memref<128xi32, #tpu.memory_space<vmem>>, vector<16xi32>,
        %swap3A_535 = vector.shape_cast %swap3A_534 : vector<16xi32> to vector<16xi32>
        %swap3A_536 = vector.shape_cast %shift_right_arithmetic3A_532 : vector<16xi32> to vector<16xi32>
        tpu.vector_store %arg12[%swap3A_533], %swap3A_536 {strides = array<i32>} : memref<128xi32, #tpu.memory_space<vmem>>, vector<16xi32>,
        %add3A_537 = arith.constant 2 : i32
        %add3A_538 = arith.addi %add3A_334, %add3A_537 : i32
        %dma_start3A_539 = arith.constant 0 : i32
        %dma_start3A_540 = tpu.memref_slice %arg4[%arg1, %add3A_538, %dma_start3A_539] : memref<16x160x128xf32, #tpu.memory_space<hbm>> -> memref<1x1x128xf32, #tpu.memory_space<hbm>>
        %dma_start3A_541 = tpu.memref_squeeze %dma_start3A_540 : memref<1x1x128xf32, #tpu.memory_space<hbm>> -> memref<128xf32, #tpu.memory_space<hbm>>
        %dma_start3A_542 = arith.constant 0 : i32
        %dma_start3A_543 = tpu.memref_slice %arg4[%arg1, %add3A_538, %dma_start3A_542] : memref<16x160x128xf32, #tpu.memory_space<hbm>> -> memref<1x1x128xf32, #tpu.memory_space<hbm>>
        %dma_start3A_544 = tpu.memref_squeeze %dma_start3A_543 : memref<1x1x128xf32, #tpu.memory_space<hbm>> -> memref<128xf32, #tpu.memory_space<hbm>>
        tpu.enqueue_dma source(%dma_start3A_544 : memref<128xf32, #tpu.memory_space<hbm>>) target(%arg14 : memref<128xf32, #tpu.memory_space<vmem>>) target_semaphore(%arg22 : memref<!tpu.dma_semaphore, #tpu.memory_space<semaphore_mem>>)
        %dma_start3A_545 = arith.constant 0 : i32
        %dma_start3A_546 = arith.constant 0 : i32
        %dma_start3A_547 = tpu.memref_slice %arg7[%dma_start3A_545, %dma_start3A_546] : memref<10240x64xf32, #tpu.memory_space<vmem_shared>> -> memref<10240x64xf32, #tpu.memory_space<vmem_shared>>
        tpu.enqueue_indirect_dma source(%dma_start3A_547 : memref<10240x64xf32, #tpu.memory_space<vmem_shared>>) target(%arg16 : memref<128x64xf32, #tpu.memory_space<vmem>>) offsets(%arg10 : memref<128xi32, #tpu.memory_space<vmem>>) semaphore(%arg18 : memref<!tpu.dma_semaphore, #tpu.memory_space<semaphore_mem>>)
      } else {
      }
      %mul3A_358 = arith.constant 2 : i32
      %mul3A_359 = arith.muli %scan3A_331, %mul3A_358 : i32
      %add3A_360 = arith.constant 1 : i32
      %add3A_361 = arith.addi %mul3A_359, %add3A_360 : i32
      %dma_wait3A_362 = arith.constant 0 : i32
      %dma_wait3A_363 = arith.constant 0 : i32
      %dma_wait3A_364 = tpu.memref_slice %arg7[%dma_wait3A_362, %dma_wait3A_363] : memref<10240x64xf32, #tpu.memory_space<vmem_shared>> -> memref<10240x64xf32, #tpu.memory_space<vmem_shared>>
      tpu.wait_indirect_dma semaphore(%arg19 : memref<!tpu.dma_semaphore, #tpu.memory_space<semaphore_mem>>) src(%dma_wait3A_364 : memref<10240x64xf32, #tpu.memory_space<vmem_shared>>) dst(%arg17 : memref<128x64xf32, #tpu.memory_space<vmem>>)
      %dma_wait3A_365 = arith.constant 0 : i32
      %dma_wait3A_366 = arith.constant 0 : i32
      %dma_wait3A_367 = tpu.memref_slice %arg4[%arg1, %dma_wait3A_365, %dma_wait3A_366] : memref<16x160x128xf32, #tpu.memory_space<hbm>> -> memref<1x1x128xf32, #tpu.memory_space<hbm>>
      %dma_wait3A_368 = tpu.memref_squeeze %dma_wait3A_367 : memref<1x1x128xf32, #tpu.memory_space<hbm>> -> memref<128xf32, #tpu.memory_space<hbm>>
      %dma_wait3A_369 = arith.constant 0 : i32
      %dma_wait3A_370 = tpu.memref_slice %arg4[%arg1, %dma_wait3A_365, %dma_wait3A_369] : memref<16x160x128xf32, #tpu.memory_space<hbm>> -> memref<1x1x128xf32, #tpu.memory_space<hbm>>
      %dma_wait3A_371 = tpu.memref_squeeze %dma_wait3A_370 : memref<1x1x128xf32, #tpu.memory_space<hbm>> -> memref<128xf32, #tpu.memory_space<hbm>>
      tpu.wait_dma2 semaphore(%arg23 : memref<!tpu.dma_semaphore, #tpu.memory_space<semaphore_mem>>) src(%dma_wait3A_371 : memref<128xf32, #tpu.memory_space<hbm>>) dst(%arg15 : memref<128xf32, #tpu.memory_space<vmem>>)
      %scan3A_372 = arith.constant 0 : i32
      %scan3A_373 = arith.constant 0 : i32
      %scan3A_374 = arith.constant 8 : i32
      %scan3A_375 = arith.addi %scan3A_373, %scan3A_374 : i32
      %scan3A_376 = arith.constant 1 : i32
      scf.for %scan3A_388 = %scan3A_373 to %scan3A_375 step %scan3A_376  : i32 {
        %mul3A_389 = arith.constant 16 : i32
        %mul3A_390 = arith.muli %scan3A_388, %mul3A_389 : i32
        %get3A_391 = arith.index_cast %mul3A_390 : i32 to index
        %get3A_392 = tpu.vector_load %arg15[%get3A_391] {strides = array<i32>} : memref<128xf32, #tpu.memory_space<vmem>>, vector<16xf32>,
        %get3A_393 = vector.shape_cast %get3A_392 : vector<16xf32> to vector<16xf32>
        %mul3A_394 = arith.constant 16 : i32
        %mul3A_395 = arith.muli %scan3A_388, %mul3A_394 : i32
        %add3A_396 = arith.constant 0 : i32
        %add3A_397 = arith.addi %mul3A_395, %add3A_396 : i32
        %slice3A = vector.extract_strided_slice %get3A_393 {offsets = [0], sizes = [1], strides = [1]} : vector<16xf32> to vector<1xf32>
        %squeeze3A = vector.extract %slice3A[0] : f32 from vector<1xf32>
        %get3A_398 = arith.index_cast %add3A_397 : i32 to index
        %get3A_399 = arith.constant 0 : index
        %get3A_400 = tpu.vector_load %arg17[%get3A_398, %get3A_399] {strides = array<i32>} : memref<128x64xf32, #tpu.memory_space<vmem>>, vector<1x16xf32>,
        %get3A_401 = vector.shape_cast %get3A_400 : vector<1x16xf32> to vector<16xf32>
        %mul3A_402 = vector.broadcast %squeeze3A : f32 to vector<16xf32>
        %mul3A_403 = arith.mulf %get3A_401, %mul3A_402 : vector<16xf32>
        %swap3A_404 = arith.index_cast %add3A_397 : i32 to index
        %swap3A_405 = arith.constant 0 : index
        %swap3A_406 = tpu.vector_load %arg17[%swap3A_404, %swap3A_405] {strides = array<i32>} : memref<128x64xf32, #tpu.memory_space<vmem>>, vector<1x16xf32>,
        %swap3A_407 = vector.shape_cast %swap3A_406 : vector<1x16xf32> to vector<16xf32>
        %swap3A_408 = vector.shape_cast %mul3A_403 : vector<16xf32> to vector<1x16xf32>
        tpu.vector_store %arg17[%swap3A_404, %swap3A_405], %swap3A_408 {strides = array<i32>} : memref<128x64xf32, #tpu.memory_space<vmem>>, vector<1x16xf32>,
        %get3A_409 = arith.index_cast %add3A_397 : i32 to index
        %get3A_410 = arith.constant 16 : index
        %get3A_411 = tpu.vector_load %arg17[%get3A_409, %get3A_410] {strides = array<i32>} : memref<128x64xf32, #tpu.memory_space<vmem>>, vector<1x16xf32>,
        %get3A_412 = vector.shape_cast %get3A_411 : vector<1x16xf32> to vector<16xf32>
        %mul3A_413 = vector.broadcast %squeeze3A : f32 to vector<16xf32>
        %mul3A_414 = arith.mulf %get3A_412, %mul3A_413 : vector<16xf32>
        %swap3A_415 = arith.index_cast %add3A_397 : i32 to index
        %swap3A_416 = arith.constant 16 : index
        %swap3A_417 = tpu.vector_load %arg17[%swap3A_415, %swap3A_416] {strides = array<i32>} : memref<128x64xf32, #tpu.memory_space<vmem>>, vector<1x16xf32>,
        %swap3A_418 = vector.shape_cast %swap3A_417 : vector<1x16xf32> to vector<16xf32>
        %swap3A_419 = vector.shape_cast %mul3A_414 : vector<16xf32> to vector<1x16xf32>
        tpu.vector_store %arg17[%swap3A_415, %swap3A_416], %swap3A_419 {strides = array<i32>} : memref<128x64xf32, #tpu.memory_space<vmem>>, vector<1x16xf32>,
        %get3A_420 = arith.index_cast %add3A_397 : i32 to index
        %get3A_421 = arith.constant 32 : index
        %get3A_422 = tpu.vector_load %arg17[%get3A_420, %get3A_421] {strides = array<i32>} : memref<128x64xf32, #tpu.memory_space<vmem>>, vector<1x16xf32>,
        %get3A_423 = vector.shape_cast %get3A_422 : vector<1x16xf32> to vector<16xf32>
        %mul3A_424 = vector.broadcast %squeeze3A : f32 to vector<16xf32>
        %mul3A_425 = arith.mulf %get3A_423, %mul3A_424 : vector<16xf32>
        %swap3A_426 = arith.index_cast %add3A_397 : i32 to index
        %swap3A_427 = arith.constant 32 : index
        %swap3A_428 = tpu.vector_load %arg17[%swap3A_426, %swap3A_427] {strides = array<i32>} : memref<128x64xf32, #tpu.memory_space<vmem>>, vector<1x16xf32>,
        %swap3A_429 = vector.shape_cast %swap3A_428 : vector<1x16xf32> to vector<16xf32>
        %swap3A_430 = vector.shape_cast %mul3A_425 : vector<16xf32> to vector<1x16xf32>
        tpu.vector_store %arg17[%swap3A_426, %swap3A_427], %swap3A_430 {strides = array<i32>} : memref<128x64xf32, #tpu.memory_space<vmem>>, vector<1x16xf32>,
        %get3A_431 = arith.index_cast %add3A_397 : i32 to index
        %get3A_432 = arith.constant 48 : index
        %get3A_433 = tpu.vector_load %arg17[%get3A_431, %get3A_432] {strides = array<i32>} : memref<128x64xf32, #tpu.memory_space<vmem>>, vector<1x16xf32>,
        %get3A_434 = vector.shape_cast %get3A_433 : vector<1x16xf32> to vector<16xf32>
        %mul3A_435 = vector.broadcast %squeeze3A : f32 to vector<16xf32>
        %mul3A_436 = arith.mulf %get3A_434, %mul3A_435 : vector<16xf32>
        %swap3A_437 = arith.index_cast %add3A_397 : i32 to index
        %swap3A_438 = arith.constant 48 : index
        %swap3A_439 = tpu.vector_load %arg17[%swap3A_437, %swap3A_438] {strides = array<i32>} : memref<128x64xf32, #tpu.memory_space<vmem>>, vector<1x16xf32>,
        %swap3A_440 = vector.shape_cast %swap3A_439 : vector<1x16xf32> to vector<16xf32>
        %swap3A_441 = vector.shape_cast %mul3A_436 : vector<16xf32> to vector<1x16xf32>
        tpu.vector_store %arg17[%swap3A_437, %swap3A_438], %swap3A_441 {strides = array<i32>} : memref<128x64xf32, #tpu.memory_space<vmem>>, vector<1x16xf32>,
        %mul3A_442 = arith.constant 16 : i32
        %mul3A_443 = arith.muli %scan3A_388, %mul3A_442 : i32
        %add3A_444 = arith.constant 1 : i32
        %add3A_445 = arith.addi %mul3A_443, %add3A_444 : i32
        %slice3A_446 = vector.extract_strided_slice %get3A_393 {offsets = [1], sizes = [1], strides = [1]} : vector<16xf32> to vector<1xf32>
        %squeeze3A_447 = vector.extract %slice3A_446[0] : f32 from vector<1xf32>
        %get3A_448 = arith.index_cast %add3A_445 : i32 to index
        %get3A_449 = arith.constant 0 : index
        %get3A_450 = tpu.vector_load %arg17[%get3A_448, %get3A_449] {strides = array<i32>} : memref<128x64xf32, #tpu.memory_space<vmem>>, vector<1x16xf32>,
        %get3A_451 = vector.shape_cast %get3A_450 : vector<1x16xf32> to vector<16xf32>
        %mul3A_452 = vector.broadcast %squeeze3A_447 : f32 to vector<16xf32>
        %mul3A_453 = arith.mulf %get3A_451, %mul3A_452 : vector<16xf32>
        %swap3A_454 = arith.index_cast %add3A_445 : i32 to index
        %swap3A_455 = arith.constant 0 : index
        %swap3A_456 = tpu.vector_load %arg17[%swap3A_454, %swap3A_455] {strides = array<i32>} : memref<128x64xf32, #tpu.memory_space<vmem>>, vector<1x16xf32>,
        %swap3A_457 = vector.shape_cast %swap3A_456 : vector<1x16xf32> to vector<16xf32>
        %swap3A_458 = vector.shape_cast %mul3A_453 : vector<16xf32> to vector<1x16xf32>
        tpu.vector_store %arg17[%swap3A_454, %swap3A_455], %swap3A_458 {strides = array<i32>} : memref<128x64xf32, #tpu.memory_space<vmem>>, vector<1x16xf32>,
        %get3A_459 = arith.index_cast %add3A_445 : i32 to index
        %get3A_460 = arith.constant 16 : index
        %get3A_461 = tpu.vector_load %arg17[%get3A_459, %get3A_460] {strides = array<i32>} : memref<128x64xf32, #tpu.memory_space<vmem>>, vector<1x16xf32>,
        %get3A_462 = vector.shape_cast %get3A_461 : vector<1x16xf32> to vector<16xf32>
        %mul3A_463 = vector.broadcast %squeeze3A_447 : f32 to vector<16xf32>
        %mul3A_464 = arith.mulf %get3A_462, %mul3A_463 : vector<16xf32>
        %swap3A_465 = arith.index_cast %add3A_445 : i32 to index
        %swap3A_466 = arith.constant 16 : index
        %swap3A_467 = tpu.vector_load %arg17[%swap3A_465, %swap3A_466] {strides = array<i32>} : memref<128x64xf32, #tpu.memory_space<vmem>>, vector<1x16xf32>,
        %swap3A_468 = vector.shape_cast %swap3A_467 : vector<1x16xf32> to vector<16xf32>
        %swap3A_469 = vector.shape_cast %mul3A_464 : vector<16xf32> to vector<1x16xf32>
        tpu.vector_store %arg17[%swap3A_465, %swap3A_466], %swap3A_469 {strides = array<i32>} : memref<128x64xf32, #tpu.memory_space<vmem>>, vector<1x16xf32>,
        %get3A_470 = arith.index_cast %add3A_445 : i32 to index
        %get3A_471 = arith.constant 32 : index
        %get3A_472 = tpu.vector_load %arg17[%get3A_470, %get3A_471] {strides = array<i32>} : memref<128x64xf32, #tpu.memory_space<vmem>>, vector<1x16xf32>,
        %get3A_473 = vector.shape_cast %get3A_472 : vector<1x16xf32> to vector<16xf32>
        %mul3A_474 = vector.broadcast %squeeze3A_447 : f32 to vector<16xf32>
        %mul3A_475 = arith.mulf %get3A_473, %mul3A_474 : vector<16xf32>
        %swap3A_476 = arith.index_cast %add3A_445 : i32 to index
        %swap3A_477 = arith.constant 32 : index
        %swap3A_478 = tpu.vector_load %arg17[%swap3A_476, %swap3A_477] {strides = array<i32>} : memref<128x64xf32, #tpu.memory_space<vmem>>, vector<1x16xf32>,
        %swap3A_479 = vector.shape_cast %swap3A_478 : vector<1x16xf32> to vector<16xf32>
        %swap3A_480 = vector.shape_cast %mul3A_475 : vector<16xf32> to vector<1x16xf32>
        tpu.vector_store %arg17[%swap3A_476, %swap3A_477], %swap3A_480 {strides = array<i32>} : memref<128x64xf32, #tpu.memory_space<vmem>>, vector<1x16xf32>,
        %get3A_481 = arith.index_cast %add3A_445 : i32 to index
        %get3A_482 = arith.constant 48 : index
        %get3A_483 = tpu.vector_load %arg17[%get3A_481, %get3A_482] {strides = array<i32>} : memref<128x64xf32, #tpu.memory_space<vmem>>, vector<1x16xf32>,
        %get3A_484 = vector.shape_cast %get3A_483 : vector<1x16xf32> to vector<16xf32>
        %mul3A_485 = vector.broadcast %squeeze3A_447 : f32 to vector<16xf32>
        %mul3A_486 = arith.mulf %get3A_484, %mul3A_485 : vector<16xf32>
        %swap3A_487 = arith.index_cast %add3A_445 : i32 to index
        %swap3A_488 = arith.constant 48 : index
        %swap3A_489 = tpu.vector_load %arg17[%swap3A_487, %swap3A_488] {strides = array<i32>} : memref<128x64xf32, #tpu.memory_space<vmem>>, vector<1x16xf32>,
        %swap3A_490 = vector.shape_cast %swap3A_489 : vector<1x16xf32> to vector<16xf32>
        %swap3A_491 = vector.shape_cast %mul3A_486 : vector<16xf32> to vector<1x16xf32>
        tpu.vector_store %arg17[%swap3A_487, %swap3A_488], %swap3A_491 {strides = array<i32>} : memref<128x64xf32, #tpu.memory_space<vmem>>, vector<1x16xf32>,
        %mul3A_492 = arith.constant 16 : i32
        %mul3A_493 = arith.muli %scan3A_388, %mul3A_492 : i32
        %add3A_494 = arith.constant 2 : i32
        %add3A_495 = arith.addi %mul3A_493, %add3A_494 : i32
        %slice3A_496 = vector.extract_strided_slice %get3A_393 {offsets = [2], sizes = [1], strides = [1]} : vector<16xf32> to vector<1xf32>
        %squeeze3A_497 = vector.extract %slice3A_496[0] : f32 from vector<1xf32>
        %get3A_498 = arith.index_cast %add3A_495 : i32 to index
        %get3A_499 = arith.constant 0 : index
        %get3A_500 = tpu.vector_load %arg17[%get3A_498, %get3A_499] {strides = array<i32>} : memref<128x64xf32, #tpu.memory_space<vmem>>, vector<1x16xf32>,
        %get3A_501 = vector.shape_cast %get3A_500 : vector<1x16xf32> to vector<16xf32>
        %mul3A_502 = vector.broadcast %squeeze3A_497 : f32 to vector<16xf32>
        %mul3A_503 = arith.mulf %get3A_501, %mul3A_502 : vector<16xf32>
        %swap3A_504 = arith.index_cast %add3A_495 : i32 to index
        %swap3A_505 = arith.constant 0 : index
        %swap3A_506 = tpu.vector_load %arg17[%swap3A_504, %swap3A_505] {strides = array<i32>} : memref<128x64xf32, #tpu.memory_space<vmem>>, vector<1x16xf32>,
        %swap3A_507 = vector.shape_cast %swap3A_506 : vector<1x16xf32> to vector<16xf32>
        %swap3A_508 = vector.shape_cast %mul3A_503 : vector<16xf32> to vector<1x16xf32>
        tpu.vector_store %arg17[%swap3A_504, %swap3A_505], %swap3A_508 {strides = array<i32>} : memref<128x64xf32, #tpu.memory_space<vmem>>, vector<1x16xf32>,
        %get3A_509 = arith.index_cast %add3A_495 : i32 to index
        %get3A_510 = arith.constant 16 : index
        %get3A_511 = tpu.vector_load %arg17[%get3A_509, %get3A_510] {strides = array<i32>} : memref<128x64xf32, #tpu.memory_space<vmem>>, vector<1x16xf32>,
        %get3A_512 = vector.shape_cast %get3A_511 : vector<1x16xf32> to vector<16xf32>
        %mul3A_513 = vector.broadcast %squeeze3A_497 : f32 to vector<16xf32>
        %mul3A_514 = arith.mulf %get3A_512, %mul3A_513 : vector<16xf32>
        %swap3A_515 = arith.index_cast %add3A_495 : i32 to index
        %swap3A_516 = arith.constant 16 : index
        %swap3A_517 = tpu.vector_load %arg17[%swap3A_515, %swap3A_516] {strides = array<i32>} : memref<128x64xf32, #tpu.memory_space<vmem>>, vector<1x16xf32>,
        %swap3A_518 = vector.shape_cast %swap3A_517 : vector<1x16xf32> to vector<16xf32>
        %swap3A_519 = vector.shape_cast %mul3A_514 : vector<16xf32> to vector<1x16xf32>
        tpu.vector_store %arg17[%swap3A_515, %swap3A_516], %swap3A_519 {strides = array<i32>} : memref<128x64xf32, #tpu.memory_space<vmem>>, vector<1x16xf32>,
        %get3A_520 = arith.index_cast %add3A_495 : i32 to index
        %get3A_521 = arith.constant 32 : index
        %get3A_522 = tpu.vector_load %arg17[%get3A_520, %get3A_521] {strides = array<i32>} : memref<128x64xf32, #tpu.memory_space<vmem>>, vector<1x16xf32>,
        %get3A_523 = vector.shape_cast %get3A_522 : vector<1x16xf32> to vector<16xf32>
        %mul3A_524 = vector.broadcast %squeeze3A_497 : f32 to vector<16xf32>
        %mul3A_525 = arith.mulf %get3A_523, %mul3A_524 : vector<16xf32>
        %swap3A_526 = arith.index_cast %add3A_495 : i32 to index
        %swap3A_527 = arith.constant 32 : index
        %swap3A_528 = tpu.vector_load %arg17[%swap3A_526, %swap3A_527] {strides = array<i32>} : memref<128x64xf32, #tpu.memory_space<vmem>>, vector<1x16xf32>,
        %swap3A_529 = vector.shape_cast %swap3A_528 : vector<1x16xf32> to vector<16xf32>
        %swap3A_530 = vector.shape_cast %mul3A_525 : vector<16xf32> to vector<1x16xf32>
        tpu.vector_store %arg17[%swap3A_526, %swap3A_527], %swap3A_530 {strides = array<i32>} : memref<128x64xf32, #tpu.memory_space<vmem>>, vector<1x16xf32>,
        %get3A_531 = arith.index_cast %add3A_495 : i32 to index
        %get3A_532 = arith.constant 48 : index
        %get3A_533 = tpu.vector_load %arg17[%get3A_531, %get3A_532] {strides = array<i32>} : memref<128x64xf32, #tpu.memory_space<vmem>>, vector<1x16xf32>,
        %get3A_534 = vector.shape_cast %get3A_533 : vector<1x16xf32> to vector<16xf32>
        %mul3A_535 = vector.broadcast %squeeze3A_497 : f32 to vector<16xf32>
        %mul3A_536 = arith.mulf %get3A_534, %mul3A_535 : vector<16xf32>
        %swap3A_537 = arith.index_cast %add3A_495 : i32 to index
        %swap3A_538 = arith.constant 48 : index
        %swap3A_539 = tpu.vector_load %arg17[%swap3A_537, %swap3A_538] {strides = array<i32>} : memref<128x64xf32, #tpu.memory_space<vmem>>, vector<1x16xf32>,
        %swap3A_540 = vector.shape_cast %swap3A_539 : vector<1x16xf32> to vector<16xf32>
        %swap3A_541 = vector.shape_cast %mul3A_536 : vector<16xf32> to vector<1x16xf32>
        tpu.vector_store %arg17[%swap3A_537, %swap3A_538], %swap3A_541 {strides = array<i32>} : memref<128x64xf32, #tpu.memory_space<vmem>>, vector<1x16xf32>,
        %mul3A_542 = arith.constant 16 : i32
        %mul3A_543 = arith.muli %scan3A_388, %mul3A_542 : i32
        %add3A_544 = arith.constant 3 : i32
        %add3A_545 = arith.addi %mul3A_543, %add3A_544 : i32
        %slice3A_546 = vector.extract_strided_slice %get3A_393 {offsets = [3], sizes = [1], strides = [1]} : vector<16xf32> to vector<1xf32>
        %squeeze3A_547 = vector.extract %slice3A_546[0] : f32 from vector<1xf32>
        %get3A_548 = arith.index_cast %add3A_545 : i32 to index
        %get3A_549 = arith.constant 0 : index
        %get3A_550 = tpu.vector_load %arg17[%get3A_548, %get3A_549] {strides = array<i32>} : memref<128x64xf32, #tpu.memory_space<vmem>>, vector<1x16xf32>,
        %get3A_551 = vector.shape_cast %get3A_550 : vector<1x16xf32> to vector<16xf32>
        %mul3A_552 = vector.broadcast %squeeze3A_547 : f32 to vector<16xf32>
        %mul3A_553 = arith.mulf %get3A_551, %mul3A_552 : vector<16xf32>
        %swap3A_554 = arith.index_cast %add3A_545 : i32 to index
        %swap3A_555 = arith.constant 0 : index
        %swap3A_556 = tpu.vector_load %arg17[%swap3A_554, %swap3A_555] {strides = array<i32>} : memref<128x64xf32, #tpu.memory_space<vmem>>, vector<1x16xf32>,
        %swap3A_557 = vector.shape_cast %swap3A_556 : vector<1x16xf32> to vector<16xf32>
        %swap3A_558 = vector.shape_cast %mul3A_553 : vector<16xf32> to vector<1x16xf32>
        tpu.vector_store %arg17[%swap3A_554, %swap3A_555], %swap3A_558 {strides = array<i32>} : memref<128x64xf32, #tpu.memory_space<vmem>>, vector<1x16xf32>,
        %get3A_559 = arith.index_cast %add3A_545 : i32 to index
        %get3A_560 = arith.constant 16 : index
        %get3A_561 = tpu.vector_load %arg17[%get3A_559, %get3A_560] {strides = array<i32>} : memref<128x64xf32, #tpu.memory_space<vmem>>, vector<1x16xf32>,
        %get3A_562 = vector.shape_cast %get3A_561 : vector<1x16xf32> to vector<16xf32>
        %mul3A_563 = vector.broadcast %squeeze3A_547 : f32 to vector<16xf32>
        %mul3A_564 = arith.mulf %get3A_562, %mul3A_563 : vector<16xf32>
        %swap3A_565 = arith.index_cast %add3A_545 : i32 to index
        %swap3A_566 = arith.constant 16 : index
        %swap3A_567 = tpu.vector_load %arg17[%swap3A_565, %swap3A_566] {strides = array<i32>} : memref<128x64xf32, #tpu.memory_space<vmem>>, vector<1x16xf32>,
        %swap3A_568 = vector.shape_cast %swap3A_567 : vector<1x16xf32> to vector<16xf32>
        %swap3A_569 = vector.shape_cast %mul3A_564 : vector<16xf32> to vector<1x16xf32>
        tpu.vector_store %arg17[%swap3A_565, %swap3A_566], %swap3A_569 {strides = array<i32>} : memref<128x64xf32, #tpu.memory_space<vmem>>, vector<1x16xf32>,
        %get3A_570 = arith.index_cast %add3A_545 : i32 to index
        %get3A_571 = arith.constant 32 : index
        %get3A_572 = tpu.vector_load %arg17[%get3A_570, %get3A_571] {strides = array<i32>} : memref<128x64xf32, #tpu.memory_space<vmem>>, vector<1x16xf32>,
        %get3A_573 = vector.shape_cast %get3A_572 : vector<1x16xf32> to vector<16xf32>
        %mul3A_574 = vector.broadcast %squeeze3A_547 : f32 to vector<16xf32>
        %mul3A_575 = arith.mulf %get3A_573, %mul3A_574 : vector<16xf32>
        %swap3A_576 = arith.index_cast %add3A_545 : i32 to index
        %swap3A_577 = arith.constant 32 : index
        %swap3A_578 = tpu.vector_load %arg17[%swap3A_576, %swap3A_577] {strides = array<i32>} : memref<128x64xf32, #tpu.memory_space<vmem>>, vector<1x16xf32>,
        %swap3A_579 = vector.shape_cast %swap3A_578 : vector<1x16xf32> to vector<16xf32>
        %swap3A_580 = vector.shape_cast %mul3A_575 : vector<16xf32> to vector<1x16xf32>
        tpu.vector_store %arg17[%swap3A_576, %swap3A_577], %swap3A_580 {strides = array<i32>} : memref<128x64xf32, #tpu.memory_space<vmem>>, vector<1x16xf32>,
        %get3A_581 = arith.index_cast %add3A_545 : i32 to index
        %get3A_582 = arith.constant 48 : index
        %get3A_583 = tpu.vector_load %arg17[%get3A_581, %get3A_582] {strides = array<i32>} : memref<128x64xf32, #tpu.memory_space<vmem>>, vector<1x16xf32>,
        %get3A_584 = vector.shape_cast %get3A_583 : vector<1x16xf32> to vector<16xf32>
        %mul3A_585 = vector.broadcast %squeeze3A_547 : f32 to vector<16xf32>
        %mul3A_586 = arith.mulf %get3A_584, %mul3A_585 : vector<16xf32>
        %swap3A_587 = arith.index_cast %add3A_545 : i32 to index
        %swap3A_588 = arith.constant 48 : index
        %swap3A_589 = tpu.vector_load %arg17[%swap3A_587, %swap3A_588] {strides = array<i32>} : memref<128x64xf32, #tpu.memory_space<vmem>>, vector<1x16xf32>,
        %swap3A_590 = vector.shape_cast %swap3A_589 : vector<1x16xf32> to vector<16xf32>
        %swap3A_591 = vector.shape_cast %mul3A_586 : vector<16xf32> to vector<1x16xf32>
        tpu.vector_store %arg17[%swap3A_587, %swap3A_588], %swap3A_591 {strides = array<i32>} : memref<128x64xf32, #tpu.memory_space<vmem>>, vector<1x16xf32>,
        %mul3A_592 = arith.constant 16 : i32
        %mul3A_593 = arith.muli %scan3A_388, %mul3A_592 : i32
        %add3A_594 = arith.constant 4 : i32
        %add3A_595 = arith.addi %mul3A_593, %add3A_594 : i32
        %slice3A_596 = vector.extract_strided_slice %get3A_393 {offsets = [4], sizes = [1], strides = [1]} : vector<16xf32> to vector<1xf32>
        %squeeze3A_597 = vector.extract %slice3A_596[0] : f32 from vector<1xf32>
        %get3A_598 = arith.index_cast %add3A_595 : i32 to index
        %get3A_599 = arith.constant 0 : index
        %get3A_600 = tpu.vector_load %arg17[%get3A_598, %get3A_599] {strides = array<i32>} : memref<128x64xf32, #tpu.memory_space<vmem>>, vector<1x16xf32>,
        %get3A_601 = vector.shape_cast %get3A_600 : vector<1x16xf32> to vector<16xf32>
        %mul3A_602 = vector.broadcast %squeeze3A_597 : f32 to vector<16xf32>
        %mul3A_603 = arith.mulf %get3A_601, %mul3A_602 : vector<16xf32>
        %swap3A_604 = arith.index_cast %add3A_595 : i32 to index
        %swap3A_605 = arith.constant 0 : index
        %swap3A_606 = tpu.vector_load %arg17[%swap3A_604, %swap3A_605] {strides = array<i32>} : memref<128x64xf32, #tpu.memory_space<vmem>>, vector<1x16xf32>,
        %swap3A_607 = vector.shape_cast %swap3A_606 : vector<1x16xf32> to vector<16xf32>
        %swap3A_608 = vector.shape_cast %mul3A_603 : vector<16xf32> to vector<1x16xf32>
        tpu.vector_store %arg17[%swap3A_604, %swap3A_605], %swap3A_608 {strides = array<i32>} : memref<128x64xf32, #tpu.memory_space<vmem>>, vector<1x16xf32>,
        %get3A_609 = arith.index_cast %add3A_595 : i32 to index
        %get3A_610 = arith.constant 16 : index
        %get3A_611 = tpu.vector_load %arg17[%get3A_609, %get3A_610] {strides = array<i32>} : memref<128x64xf32, #tpu.memory_space<vmem>>, vector<1x16xf32>,
        %get3A_612 = vector.shape_cast %get3A_611 : vector<1x16xf32> to vector<16xf32>
        %mul3A_613 = vector.broadcast %squeeze3A_597 : f32 to vector<16xf32>
        %mul3A_614 = arith.mulf %get3A_612, %mul3A_613 : vector<16xf32>
        %swap3A_615 = arith.index_cast %add3A_595 : i32 to index
        %swap3A_616 = arith.constant 16 : index
        %swap3A_617 = tpu.vector_load %arg17[%swap3A_615, %swap3A_616] {strides = array<i32>} : memref<128x64xf32, #tpu.memory_space<vmem>>, vector<1x16xf32>,
        %swap3A_618 = vector.shape_cast %swap3A_617 : vector<1x16xf32> to vector<16xf32>
        %swap3A_619 = vector.shape_cast %mul3A_614 : vector<16xf32> to vector<1x16xf32>
        tpu.vector_store %arg17[%swap3A_615, %swap3A_616], %swap3A_619 {strides = array<i32>} : memref<128x64xf32, #tpu.memory_space<vmem>>, vector<1x16xf32>,
        %get3A_620 = arith.index_cast %add3A_595 : i32 to index
        %get3A_621 = arith.constant 32 : index
        %get3A_622 = tpu.vector_load %arg17[%get3A_620, %get3A_621] {strides = array<i32>} : memref<128x64xf32, #tpu.memory_space<vmem>>, vector<1x16xf32>,
        %get3A_623 = vector.shape_cast %get3A_622 : vector<1x16xf32> to vector<16xf32>
        %mul3A_624 = vector.broadcast %squeeze3A_597 : f32 to vector<16xf32>
        %mul3A_625 = arith.mulf %get3A_623, %mul3A_624 : vector<16xf32>
        %swap3A_626 = arith.index_cast %add3A_595 : i32 to index
        %swap3A_627 = arith.constant 32 : index
        %swap3A_628 = tpu.vector_load %arg17[%swap3A_626, %swap3A_627] {strides = array<i32>} : memref<128x64xf32, #tpu.memory_space<vmem>>, vector<1x16xf32>,
        %swap3A_629 = vector.shape_cast %swap3A_628 : vector<1x16xf32> to vector<16xf32>
        %swap3A_630 = vector.shape_cast %mul3A_625 : vector<16xf32> to vector<1x16xf32>
        tpu.vector_store %arg17[%swap3A_626, %swap3A_627], %swap3A_630 {strides = array<i32>} : memref<128x64xf32, #tpu.memory_space<vmem>>, vector<1x16xf32>,
        %get3A_631 = arith.index_cast %add3A_595 : i32 to index
        %get3A_632 = arith.constant 48 : index
        %get3A_633 = tpu.vector_load %arg17[%get3A_631, %get3A_632] {strides = array<i32>} : memref<128x64xf32, #tpu.memory_space<vmem>>, vector<1x16xf32>,
        %get3A_634 = vector.shape_cast %get3A_633 : vector<1x16xf32> to vector<16xf32>
        %mul3A_635 = vector.broadcast %squeeze3A_597 : f32 to vector<16xf32>
        %mul3A_636 = arith.mulf %get3A_634, %mul3A_635 : vector<16xf32>
        %swap3A_637 = arith.index_cast %add3A_595 : i32 to index
        %swap3A_638 = arith.constant 48 : index
        %swap3A_639 = tpu.vector_load %arg17[%swap3A_637, %swap3A_638] {strides = array<i32>} : memref<128x64xf32, #tpu.memory_space<vmem>>, vector<1x16xf32>,
        %swap3A_640 = vector.shape_cast %swap3A_639 : vector<1x16xf32> to vector<16xf32>
        %swap3A_641 = vector.shape_cast %mul3A_636 : vector<16xf32> to vector<1x16xf32>
        tpu.vector_store %arg17[%swap3A_637, %swap3A_638], %swap3A_641 {strides = array<i32>} : memref<128x64xf32, #tpu.memory_space<vmem>>, vector<1x16xf32>,
        %mul3A_642 = arith.constant 16 : i32
        %mul3A_643 = arith.muli %scan3A_388, %mul3A_642 : i32
        %add3A_644 = arith.constant 5 : i32
        %add3A_645 = arith.addi %mul3A_643, %add3A_644 : i32
        %slice3A_646 = vector.extract_strided_slice %get3A_393 {offsets = [5], sizes = [1], strides = [1]} : vector<16xf32> to vector<1xf32>
        %squeeze3A_647 = vector.extract %slice3A_646[0] : f32 from vector<1xf32>
        %get3A_648 = arith.index_cast %add3A_645 : i32 to index
        %get3A_649 = arith.constant 0 : index
        %get3A_650 = tpu.vector_load %arg17[%get3A_648, %get3A_649] {strides = array<i32>} : memref<128x64xf32, #tpu.memory_space<vmem>>, vector<1x16xf32>,
        %get3A_651 = vector.shape_cast %get3A_650 : vector<1x16xf32> to vector<16xf32>
        %mul3A_652 = vector.broadcast %squeeze3A_647 : f32 to vector<16xf32>
        %mul3A_653 = arith.mulf %get3A_651, %mul3A_652 : vector<16xf32>
        %swap3A_654 = arith.index_cast %add3A_645 : i32 to index
        %swap3A_655 = arith.constant 0 : index
        %swap3A_656 = tpu.vector_load %arg17[%swap3A_654, %swap3A_655] {strides = array<i32>} : memref<128x64xf32, #tpu.memory_space<vmem>>, vector<1x16xf32>,
        %swap3A_657 = vector.shape_cast %swap3A_656 : vector<1x16xf32> to vector<16xf32>
        %swap3A_658 = vector.shape_cast %mul3A_653 : vector<16xf32> to vector<1x16xf32>
        tpu.vector_store %arg17[%swap3A_654, %swap3A_655], %swap3A_658 {strides = array<i32>} : memref<128x64xf32, #tpu.memory_space<vmem>>, vector<1x16xf32>,
        %get3A_659 = arith.index_cast %add3A_645 : i32 to index
        %get3A_660 = arith.constant 16 : index
        %get3A_661 = tpu.vector_load %arg17[%get3A_659, %get3A_660] {strides = array<i32>} : memref<128x64xf32, #tpu.memory_space<vmem>>, vector<1x16xf32>,
        %get3A_662 = vector.shape_cast %get3A_661 : vector<1x16xf32> to vector<16xf32>
        %mul3A_663 = vector.broadcast %squeeze3A_647 : f32 to vector<16xf32>
        %mul3A_664 = arith.mulf %get3A_662, %mul3A_663 : vector<16xf32>
        %swap3A_665 = arith.index_cast %add3A_645 : i32 to index
        %swap3A_666 = arith.constant 16 : index
        %swap3A_667 = tpu.vector_load %arg17[%swap3A_665, %swap3A_666] {strides = array<i32>} : memref<128x64xf32, #tpu.memory_space<vmem>>, vector<1x16xf32>,
        %swap3A_668 = vector.shape_cast %swap3A_667 : vector<1x16xf32> to vector<16xf32>
        %swap3A_669 = vector.shape_cast %mul3A_664 : vector<16xf32> to vector<1x16xf32>
        tpu.vector_store %arg17[%swap3A_665, %swap3A_666], %swap3A_669 {strides = array<i32>} : memref<128x64xf32, #tpu.memory_space<vmem>>, vector<1x16xf32>,
        %get3A_670 = arith.index_cast %add3A_645 : i32 to index
        %get3A_671 = arith.constant 32 : index
        %get3A_672 = tpu.vector_load %arg17[%get3A_670, %get3A_671] {strides = array<i32>} : memref<128x64xf32, #tpu.memory_space<vmem>>, vector<1x16xf32>,
        %get3A_673 = vector.shape_cast %get3A_672 : vector<1x16xf32> to vector<16xf32>
        %mul3A_674 = vector.broadcast %squeeze3A_647 : f32 to vector<16xf32>
        %mul3A_675 = arith.mulf %get3A_673, %mul3A_674 : vector<16xf32>
        %swap3A_676 = arith.index_cast %add3A_645 : i32 to index
        %swap3A_677 = arith.constant 32 : index
        %swap3A_678 = tpu.vector_load %arg17[%swap3A_676, %swap3A_677] {strides = array<i32>} : memref<128x64xf32, #tpu.memory_space<vmem>>, vector<1x16xf32>,
        %swap3A_679 = vector.shape_cast %swap3A_678 : vector<1x16xf32> to vector<16xf32>
        %swap3A_680 = vector.shape_cast %mul3A_675 : vector<16xf32> to vector<1x16xf32>
        tpu.vector_store %arg17[%swap3A_676, %swap3A_677], %swap3A_680 {strides = array<i32>} : memref<128x64xf32, #tpu.memory_space<vmem>>, vector<1x16xf32>,
        %get3A_681 = arith.index_cast %add3A_645 : i32 to index
        %get3A_682 = arith.constant 48 : index
        %get3A_683 = tpu.vector_load %arg17[%get3A_681, %get3A_682] {strides = array<i32>} : memref<128x64xf32, #tpu.memory_space<vmem>>, vector<1x16xf32>,
        %get3A_684 = vector.shape_cast %get3A_683 : vector<1x16xf32> to vector<16xf32>
        %mul3A_685 = vector.broadcast %squeeze3A_647 : f32 to vector<16xf32>
        %mul3A_686 = arith.mulf %get3A_684, %mul3A_685 : vector<16xf32>
        %swap3A_687 = arith.index_cast %add3A_645 : i32 to index
        %swap3A_688 = arith.constant 48 : index
        %swap3A_689 = tpu.vector_load %arg17[%swap3A_687, %swap3A_688] {strides = array<i32>} : memref<128x64xf32, #tpu.memory_space<vmem>>, vector<1x16xf32>,
        %swap3A_690 = vector.shape_cast %swap3A_689 : vector<1x16xf32> to vector<16xf32>
        %swap3A_691 = vector.shape_cast %mul3A_686 : vector<16xf32> to vector<1x16xf32>
        tpu.vector_store %arg17[%swap3A_687, %swap3A_688], %swap3A_691 {strides = array<i32>} : memref<128x64xf32, #tpu.memory_space<vmem>>, vector<1x16xf32>,
        %mul3A_692 = arith.constant 16 : i32
        %mul3A_693 = arith.muli %scan3A_388, %mul3A_692 : i32
        %add3A_694 = arith.constant 6 : i32
        %add3A_695 = arith.addi %mul3A_693, %add3A_694 : i32
        %slice3A_696 = vector.extract_strided_slice %get3A_393 {offsets = [6], sizes = [1], strides = [1]} : vector<16xf32> to vector<1xf32>
        %squeeze3A_697 = vector.extract %slice3A_696[0] : f32 from vector<1xf32>
        %get3A_698 = arith.index_cast %add3A_695 : i32 to index
        %get3A_699 = arith.constant 0 : index
        %get3A_700 = tpu.vector_load %arg17[%get3A_698, %get3A_699] {strides = array<i32>} : memref<128x64xf32, #tpu.memory_space<vmem>>, vector<1x16xf32>,
        %get3A_701 = vector.shape_cast %get3A_700 : vector<1x16xf32> to vector<16xf32>
        %mul3A_702 = vector.broadcast %squeeze3A_697 : f32 to vector<16xf32>
        %mul3A_703 = arith.mulf %get3A_701, %mul3A_702 : vector<16xf32>
        %swap3A_704 = arith.index_cast %add3A_695 : i32 to index
        %swap3A_705 = arith.constant 0 : index
        %swap3A_706 = tpu.vector_load %arg17[%swap3A_704, %swap3A_705] {strides = array<i32>} : memref<128x64xf32, #tpu.memory_space<vmem>>, vector<1x16xf32>,
        %swap3A_707 = vector.shape_cast %swap3A_706 : vector<1x16xf32> to vector<16xf32>
        %swap3A_708 = vector.shape_cast %mul3A_703 : vector<16xf32> to vector<1x16xf32>
        tpu.vector_store %arg17[%swap3A_704, %swap3A_705], %swap3A_708 {strides = array<i32>} : memref<128x64xf32, #tpu.memory_space<vmem>>, vector<1x16xf32>,
        %get3A_709 = arith.index_cast %add3A_695 : i32 to index
        %get3A_710 = arith.constant 16 : index
        %get3A_711 = tpu.vector_load %arg17[%get3A_709, %get3A_710] {strides = array<i32>} : memref<128x64xf32, #tpu.memory_space<vmem>>, vector<1x16xf32>,
        %get3A_712 = vector.shape_cast %get3A_711 : vector<1x16xf32> to vector<16xf32>
        %mul3A_713 = vector.broadcast %squeeze3A_697 : f32 to vector<16xf32>
        %mul3A_714 = arith.mulf %get3A_712, %mul3A_713 : vector<16xf32>
        %swap3A_715 = arith.index_cast %add3A_695 : i32 to index
        %swap3A_716 = arith.constant 16 : index
        %swap3A_717 = tpu.vector_load %arg17[%swap3A_715, %swap3A_716] {strides = array<i32>} : memref<128x64xf32, #tpu.memory_space<vmem>>, vector<1x16xf32>,
        %swap3A_718 = vector.shape_cast %swap3A_717 : vector<1x16xf32> to vector<16xf32>
        %swap3A_719 = vector.shape_cast %mul3A_714 : vector<16xf32> to vector<1x16xf32>
        tpu.vector_store %arg17[%swap3A_715, %swap3A_716], %swap3A_719 {strides = array<i32>} : memref<128x64xf32, #tpu.memory_space<vmem>>, vector<1x16xf32>,
        %get3A_720 = arith.index_cast %add3A_695 : i32 to index
        %get3A_721 = arith.constant 32 : index
        %get3A_722 = tpu.vector_load %arg17[%get3A_720, %get3A_721] {strides = array<i32>} : memref<128x64xf32, #tpu.memory_space<vmem>>, vector<1x16xf32>,
        %get3A_723 = vector.shape_cast %get3A_722 : vector<1x16xf32> to vector<16xf32>
        %mul3A_724 = vector.broadcast %squeeze3A_697 : f32 to vector<16xf32>
        %mul3A_725 = arith.mulf %get3A_723, %mul3A_724 : vector<16xf32>
        %swap3A_726 = arith.index_cast %add3A_695 : i32 to index
        %swap3A_727 = arith.constant 32 : index
        %swap3A_728 = tpu.vector_load %arg17[%swap3A_726, %swap3A_727] {strides = array<i32>} : memref<128x64xf32, #tpu.memory_space<vmem>>, vector<1x16xf32>,
        %swap3A_729 = vector.shape_cast %swap3A_728 : vector<1x16xf32> to vector<16xf32>
        %swap3A_730 = vector.shape_cast %mul3A_725 : vector<16xf32> to vector<1x16xf32>
        tpu.vector_store %arg17[%swap3A_726, %swap3A_727], %swap3A_730 {strides = array<i32>} : memref<128x64xf32, #tpu.memory_space<vmem>>, vector<1x16xf32>,
        %get3A_731 = arith.index_cast %add3A_695 : i32 to index
        %get3A_732 = arith.constant 48 : index
        %get3A_733 = tpu.vector_load %arg17[%get3A_731, %get3A_732] {strides = array<i32>} : memref<128x64xf32, #tpu.memory_space<vmem>>, vector<1x16xf32>,
        %get3A_734 = vector.shape_cast %get3A_733 : vector<1x16xf32> to vector<16xf32>
        %mul3A_735 = vector.broadcast %squeeze3A_697 : f32 to vector<16xf32>
        %mul3A_736 = arith.mulf %get3A_734, %mul3A_735 : vector<16xf32>
        %swap3A_737 = arith.index_cast %add3A_695 : i32 to index
        %swap3A_738 = arith.constant 48 : index
        %swap3A_739 = tpu.vector_load %arg17[%swap3A_737, %swap3A_738] {strides = array<i32>} : memref<128x64xf32, #tpu.memory_space<vmem>>, vector<1x16xf32>,
        %swap3A_740 = vector.shape_cast %swap3A_739 : vector<1x16xf32> to vector<16xf32>
        %swap3A_741 = vector.shape_cast %mul3A_736 : vector<16xf32> to vector<1x16xf32>
        tpu.vector_store %arg17[%swap3A_737, %swap3A_738], %swap3A_741 {strides = array<i32>} : memref<128x64xf32, #tpu.memory_space<vmem>>, vector<1x16xf32>,
        %mul3A_742 = arith.constant 16 : i32
        %mul3A_743 = arith.muli %scan3A_388, %mul3A_742 : i32
        %add3A_744 = arith.constant 7 : i32
        %add3A_745 = arith.addi %mul3A_743, %add3A_744 : i32
        %slice3A_746 = vector.extract_strided_slice %get3A_393 {offsets = [7], sizes = [1], strides = [1]} : vector<16xf32> to vector<1xf32>
        %squeeze3A_747 = vector.extract %slice3A_746[0] : f32 from vector<1xf32>
        %get3A_748 = arith.index_cast %add3A_745 : i32 to index
        %get3A_749 = arith.constant 0 : index
        %get3A_750 = tpu.vector_load %arg17[%get3A_748, %get3A_749] {strides = array<i32>} : memref<128x64xf32, #tpu.memory_space<vmem>>, vector<1x16xf32>,
        %get3A_751 = vector.shape_cast %get3A_750 : vector<1x16xf32> to vector<16xf32>
        %mul3A_752 = vector.broadcast %squeeze3A_747 : f32 to vector<16xf32>
        %mul3A_753 = arith.mulf %get3A_751, %mul3A_752 : vector<16xf32>
        %swap3A_754 = arith.index_cast %add3A_745 : i32 to index
        %swap3A_755 = arith.constant 0 : index
        %swap3A_756 = tpu.vector_load %arg17[%swap3A_754, %swap3A_755] {strides = array<i32>} : memref<128x64xf32, #tpu.memory_space<vmem>>, vector<1x16xf32>,
        %swap3A_757 = vector.shape_cast %swap3A_756 : vector<1x16xf32> to vector<16xf32>
        %swap3A_758 = vector.shape_cast %mul3A_753 : vector<16xf32> to vector<1x16xf32>
        tpu.vector_store %arg17[%swap3A_754, %swap3A_755], %swap3A_758 {strides = array<i32>} : memref<128x64xf32, #tpu.memory_space<vmem>>, vector<1x16xf32>,
        %get3A_759 = arith.index_cast %add3A_745 : i32 to index
        %get3A_760 = arith.constant 16 : index
        %get3A_761 = tpu.vector_load %arg17[%get3A_759, %get3A_760] {strides = array<i32>} : memref<128x64xf32, #tpu.memory_space<vmem>>, vector<1x16xf32>,
        %get3A_762 = vector.shape_cast %get3A_761 : vector<1x16xf32> to vector<16xf32>
        %mul3A_763 = vector.broadcast %squeeze3A_747 : f32 to vector<16xf32>
        %mul3A_764 = arith.mulf %get3A_762, %mul3A_763 : vector<16xf32>
        %swap3A_765 = arith.index_cast %add3A_745 : i32 to index
        %swap3A_766 = arith.constant 16 : index
        %swap3A_767 = tpu.vector_load %arg17[%swap3A_765, %swap3A_766] {strides = array<i32>} : memref<128x64xf32, #tpu.memory_space<vmem>>, vector<1x16xf32>,
        %swap3A_768 = vector.shape_cast %swap3A_767 : vector<1x16xf32> to vector<16xf32>
        %swap3A_769 = vector.shape_cast %mul3A_764 : vector<16xf32> to vector<1x16xf32>
        tpu.vector_store %arg17[%swap3A_765, %swap3A_766], %swap3A_769 {strides = array<i32>} : memref<128x64xf32, #tpu.memory_space<vmem>>, vector<1x16xf32>,
        %get3A_770 = arith.index_cast %add3A_745 : i32 to index
        %get3A_771 = arith.constant 32 : index
        %get3A_772 = tpu.vector_load %arg17[%get3A_770, %get3A_771] {strides = array<i32>} : memref<128x64xf32, #tpu.memory_space<vmem>>, vector<1x16xf32>,
        %get3A_773 = vector.shape_cast %get3A_772 : vector<1x16xf32> to vector<16xf32>
        %mul3A_774 = vector.broadcast %squeeze3A_747 : f32 to vector<16xf32>
        %mul3A_775 = arith.mulf %get3A_773, %mul3A_774 : vector<16xf32>
        %swap3A_776 = arith.index_cast %add3A_745 : i32 to index
        %swap3A_777 = arith.constant 32 : index
        %swap3A_778 = tpu.vector_load %arg17[%swap3A_776, %swap3A_777] {strides = array<i32>} : memref<128x64xf32, #tpu.memory_space<vmem>>, vector<1x16xf32>,
        %swap3A_779 = vector.shape_cast %swap3A_778 : vector<1x16xf32> to vector<16xf32>
        %swap3A_780 = vector.shape_cast %mul3A_775 : vector<16xf32> to vector<1x16xf32>
        tpu.vector_store %arg17[%swap3A_776, %swap3A_777], %swap3A_780 {strides = array<i32>} : memref<128x64xf32, #tpu.memory_space<vmem>>, vector<1x16xf32>,
        %get3A_781 = arith.index_cast %add3A_745 : i32 to index
        %get3A_782 = arith.constant 48 : index
        %get3A_783 = tpu.vector_load %arg17[%get3A_781, %get3A_782] {strides = array<i32>} : memref<128x64xf32, #tpu.memory_space<vmem>>, vector<1x16xf32>,
        %get3A_784 = vector.shape_cast %get3A_783 : vector<1x16xf32> to vector<16xf32>
        %mul3A_785 = vector.broadcast %squeeze3A_747 : f32 to vector<16xf32>
        %mul3A_786 = arith.mulf %get3A_784, %mul3A_785 : vector<16xf32>
        %swap3A_787 = arith.index_cast %add3A_745 : i32 to index
        %swap3A_788 = arith.constant 48 : index
        %swap3A_789 = tpu.vector_load %arg17[%swap3A_787, %swap3A_788] {strides = array<i32>} : memref<128x64xf32, #tpu.memory_space<vmem>>, vector<1x16xf32>,
        %swap3A_790 = vector.shape_cast %swap3A_789 : vector<1x16xf32> to vector<16xf32>
        %swap3A_791 = vector.shape_cast %mul3A_786 : vector<16xf32> to vector<1x16xf32>
        tpu.vector_store %arg17[%swap3A_787, %swap3A_788], %swap3A_791 {strides = array<i32>} : memref<128x64xf32, #tpu.memory_space<vmem>>, vector<1x16xf32>,
        %mul3A_792 = arith.constant 16 : i32
        %mul3A_793 = arith.muli %scan3A_388, %mul3A_792 : i32
        %add3A_794 = arith.constant 8 : i32
        %add3A_795 = arith.addi %mul3A_793, %add3A_794 : i32
        %slice3A_796 = vector.extract_strided_slice %get3A_393 {offsets = [8], sizes = [1], strides = [1]} : vector<16xf32> to vector<1xf32>
        %squeeze3A_797 = vector.extract %slice3A_796[0] : f32 from vector<1xf32>
        %get3A_798 = arith.index_cast %add3A_795 : i32 to index
        %get3A_799 = arith.constant 0 : index
        %get3A_800 = tpu.vector_load %arg17[%get3A_798, %get3A_799] {strides = array<i32>} : memref<128x64xf32, #tpu.memory_space<vmem>>, vector<1x16xf32>,
        %get3A_801 = vector.shape_cast %get3A_800 : vector<1x16xf32> to vector<16xf32>
        %mul3A_802 = vector.broadcast %squeeze3A_797 : f32 to vector<16xf32>
        %mul3A_803 = arith.mulf %get3A_801, %mul3A_802 : vector<16xf32>
        %swap3A_804 = arith.index_cast %add3A_795 : i32 to index
        %swap3A_805 = arith.constant 0 : index
        %swap3A_806 = tpu.vector_load %arg17[%swap3A_804, %swap3A_805] {strides = array<i32>} : memref<128x64xf32, #tpu.memory_space<vmem>>, vector<1x16xf32>,
        %swap3A_807 = vector.shape_cast %swap3A_806 : vector<1x16xf32> to vector<16xf32>
        %swap3A_808 = vector.shape_cast %mul3A_803 : vector<16xf32> to vector<1x16xf32>
        tpu.vector_store %arg17[%swap3A_804, %swap3A_805], %swap3A_808 {strides = array<i32>} : memref<128x64xf32, #tpu.memory_space<vmem>>, vector<1x16xf32>,
        %get3A_809 = arith.index_cast %add3A_795 : i32 to index
        %get3A_810 = arith.constant 16 : index
        %get3A_811 = tpu.vector_load %arg17[%get3A_809, %get3A_810] {strides = array<i32>} : memref<128x64xf32, #tpu.memory_space<vmem>>, vector<1x16xf32>,
        %get3A_812 = vector.shape_cast %get3A_811 : vector<1x16xf32> to vector<16xf32>
        %mul3A_813 = vector.broadcast %squeeze3A_797 : f32 to vector<16xf32>
        %mul3A_814 = arith.mulf %get3A_812, %mul3A_813 : vector<16xf32>
        %swap3A_815 = arith.index_cast %add3A_795 : i32 to index
        %swap3A_816 = arith.constant 16 : index
        %swap3A_817 = tpu.vector_load %arg17[%swap3A_815, %swap3A_816] {strides = array<i32>} : memref<128x64xf32, #tpu.memory_space<vmem>>, vector<1x16xf32>,
        %swap3A_818 = vector.shape_cast %swap3A_817 : vector<1x16xf32> to vector<16xf32>
        %swap3A_819 = vector.shape_cast %mul3A_814 : vector<16xf32> to vector<1x16xf32>
        tpu.vector_store %arg17[%swap3A_815, %swap3A_816], %swap3A_819 {strides = array<i32>} : memref<128x64xf32, #tpu.memory_space<vmem>>, vector<1x16xf32>,
        %get3A_820 = arith.index_cast %add3A_795 : i32 to index
        %get3A_821 = arith.constant 32 : index
        %get3A_822 = tpu.vector_load %arg17[%get3A_820, %get3A_821] {strides = array<i32>} : memref<128x64xf32, #tpu.memory_space<vmem>>, vector<1x16xf32>,
        %get3A_823 = vector.shape_cast %get3A_822 : vector<1x16xf32> to vector<16xf32>
        %mul3A_824 = vector.broadcast %squeeze3A_797 : f32 to vector<16xf32>
        %mul3A_825 = arith.mulf %get3A_823, %mul3A_824 : vector<16xf32>
        %swap3A_826 = arith.index_cast %add3A_795 : i32 to index
        %swap3A_827 = arith.constant 32 : index
        %swap3A_828 = tpu.vector_load %arg17[%swap3A_826, %swap3A_827] {strides = array<i32>} : memref<128x64xf32, #tpu.memory_space<vmem>>, vector<1x16xf32>,
        %swap3A_829 = vector.shape_cast %swap3A_828 : vector<1x16xf32> to vector<16xf32>
        %swap3A_830 = vector.shape_cast %mul3A_825 : vector<16xf32> to vector<1x16xf32>
        tpu.vector_store %arg17[%swap3A_826, %swap3A_827], %swap3A_830 {strides = array<i32>} : memref<128x64xf32, #tpu.memory_space<vmem>>, vector<1x16xf32>,
        %get3A_831 = arith.index_cast %add3A_795 : i32 to index
        %get3A_832 = arith.constant 48 : index
        %get3A_833 = tpu.vector_load %arg17[%get3A_831, %get3A_832] {strides = array<i32>} : memref<128x64xf32, #tpu.memory_space<vmem>>, vector<1x16xf32>,
        %get3A_834 = vector.shape_cast %get3A_833 : vector<1x16xf32> to vector<16xf32>
        %mul3A_835 = vector.broadcast %squeeze3A_797 : f32 to vector<16xf32>
        %mul3A_836 = arith.mulf %get3A_834, %mul3A_835 : vector<16xf32>
        %swap3A_837 = arith.index_cast %add3A_795 : i32 to index
        %swap3A_838 = arith.constant 48 : index
        %swap3A_839 = tpu.vector_load %arg17[%swap3A_837, %swap3A_838] {strides = array<i32>} : memref<128x64xf32, #tpu.memory_space<vmem>>, vector<1x16xf32>,
        %swap3A_840 = vector.shape_cast %swap3A_839 : vector<1x16xf32> to vector<16xf32>
        %swap3A_841 = vector.shape_cast %mul3A_836 : vector<16xf32> to vector<1x16xf32>
        tpu.vector_store %arg17[%swap3A_837, %swap3A_838], %swap3A_841 {strides = array<i32>} : memref<128x64xf32, #tpu.memory_space<vmem>>, vector<1x16xf32>,
        %mul3A_842 = arith.constant 16 : i32
        %mul3A_843 = arith.muli %scan3A_388, %mul3A_842 : i32
        %add3A_844 = arith.constant 9 : i32
        %add3A_845 = arith.addi %mul3A_843, %add3A_844 : i32
        %slice3A_846 = vector.extract_strided_slice %get3A_393 {offsets = [9], sizes = [1], strides = [1]} : vector<16xf32> to vector<1xf32>
        %squeeze3A_847 = vector.extract %slice3A_846[0] : f32 from vector<1xf32>
        %get3A_848 = arith.index_cast %add3A_845 : i32 to index
        %get3A_849 = arith.constant 0 : index
        %get3A_850 = tpu.vector_load %arg17[%get3A_848, %get3A_849] {strides = array<i32>} : memref<128x64xf32, #tpu.memory_space<vmem>>, vector<1x16xf32>,
        %get3A_851 = vector.shape_cast %get3A_850 : vector<1x16xf32> to vector<16xf32>
        %mul3A_852 = vector.broadcast %squeeze3A_847 : f32 to vector<16xf32>
        %mul3A_853 = arith.mulf %get3A_851, %mul3A_852 : vector<16xf32>
        %swap3A_854 = arith.index_cast %add3A_845 : i32 to index
        %swap3A_855 = arith.constant 0 : index
        %swap3A_856 = tpu.vector_load %arg17[%swap3A_854, %swap3A_855] {strides = array<i32>} : memref<128x64xf32, #tpu.memory_space<vmem>>, vector<1x16xf32>,
        %swap3A_857 = vector.shape_cast %swap3A_856 : vector<1x16xf32> to vector<16xf32>
        %swap3A_858 = vector.shape_cast %mul3A_853 : vector<16xf32> to vector<1x16xf32>
        tpu.vector_store %arg17[%swap3A_854, %swap3A_855], %swap3A_858 {strides = array<i32>} : memref<128x64xf32, #tpu.memory_space<vmem>>, vector<1x16xf32>,
        %get3A_859 = arith.index_cast %add3A_845 : i32 to index
        %get3A_860 = arith.constant 16 : index
        %get3A_861 = tpu.vector_load %arg17[%get3A_859, %get3A_860] {strides = array<i32>} : memref<128x64xf32, #tpu.memory_space<vmem>>, vector<1x16xf32>,
        %get3A_862 = vector.shape_cast %get3A_861 : vector<1x16xf32> to vector<16xf32>
        %mul3A_863 = vector.broadcast %squeeze3A_847 : f32 to vector<16xf32>
        %mul3A_864 = arith.mulf %get3A_862, %mul3A_863 : vector<16xf32>
        %swap3A_865 = arith.index_cast %add3A_845 : i32 to index
        %swap3A_866 = arith.constant 16 : index
        %swap3A_867 = tpu.vector_load %arg17[%swap3A_865, %swap3A_866] {strides = array<i32>} : memref<128x64xf32, #tpu.memory_space<vmem>>, vector<1x16xf32>,
        %swap3A_868 = vector.shape_cast %swap3A_867 : vector<1x16xf32> to vector<16xf32>
        %swap3A_869 = vector.shape_cast %mul3A_864 : vector<16xf32> to vector<1x16xf32>
        tpu.vector_store %arg17[%swap3A_865, %swap3A_866], %swap3A_869 {strides = array<i32>} : memref<128x64xf32, #tpu.memory_space<vmem>>, vector<1x16xf32>,
        %get3A_870 = arith.index_cast %add3A_845 : i32 to index
        %get3A_871 = arith.constant 32 : index
        %get3A_872 = tpu.vector_load %arg17[%get3A_870, %get3A_871] {strides = array<i32>} : memref<128x64xf32, #tpu.memory_space<vmem>>, vector<1x16xf32>,
        %get3A_873 = vector.shape_cast %get3A_872 : vector<1x16xf32> to vector<16xf32>
        %mul3A_874 = vector.broadcast %squeeze3A_847 : f32 to vector<16xf32>
        %mul3A_875 = arith.mulf %get3A_873, %mul3A_874 : vector<16xf32>
        %swap3A_876 = arith.index_cast %add3A_845 : i32 to index
        %swap3A_877 = arith.constant 32 : index
        %swap3A_878 = tpu.vector_load %arg17[%swap3A_876, %swap3A_877] {strides = array<i32>} : memref<128x64xf32, #tpu.memory_space<vmem>>, vector<1x16xf32>,
        %swap3A_879 = vector.shape_cast %swap3A_878 : vector<1x16xf32> to vector<16xf32>
        %swap3A_880 = vector.shape_cast %mul3A_875 : vector<16xf32> to vector<1x16xf32>
        tpu.vector_store %arg17[%swap3A_876, %swap3A_877], %swap3A_880 {strides = array<i32>} : memref<128x64xf32, #tpu.memory_space<vmem>>, vector<1x16xf32>,
        %get3A_881 = arith.index_cast %add3A_845 : i32 to index
        %get3A_882 = arith.constant 48 : index
        %get3A_883 = tpu.vector_load %arg17[%get3A_881, %get3A_882] {strides = array<i32>} : memref<128x64xf32, #tpu.memory_space<vmem>>, vector<1x16xf32>,
        %get3A_884 = vector.shape_cast %get3A_883 : vector<1x16xf32> to vector<16xf32>
        %mul3A_885 = vector.broadcast %squeeze3A_847 : f32 to vector<16xf32>
        %mul3A_886 = arith.mulf %get3A_884, %mul3A_885 : vector<16xf32>
        %swap3A_887 = arith.index_cast %add3A_845 : i32 to index
        %swap3A_888 = arith.constant 48 : index
        %swap3A_889 = tpu.vector_load %arg17[%swap3A_887, %swap3A_888] {strides = array<i32>} : memref<128x64xf32, #tpu.memory_space<vmem>>, vector<1x16xf32>,
        %swap3A_890 = vector.shape_cast %swap3A_889 : vector<1x16xf32> to vector<16xf32>
        %swap3A_891 = vector.shape_cast %mul3A_886 : vector<16xf32> to vector<1x16xf32>
        tpu.vector_store %arg17[%swap3A_887, %swap3A_888], %swap3A_891 {strides = array<i32>} : memref<128x64xf32, #tpu.memory_space<vmem>>, vector<1x16xf32>,
        %mul3A_892 = arith.constant 16 : i32
        %mul3A_893 = arith.muli %scan3A_388, %mul3A_892 : i32
        %add3A_894 = arith.constant 10 : i32
        %add3A_895 = arith.addi %mul3A_893, %add3A_894 : i32
        %slice3A_896 = vector.extract_strided_slice %get3A_393 {offsets = [10], sizes = [1], strides = [1]} : vector<16xf32> to vector<1xf32>
        %squeeze3A_897 = vector.extract %slice3A_896[0] : f32 from vector<1xf32>
        %get3A_898 = arith.index_cast %add3A_895 : i32 to index
        %get3A_899 = arith.constant 0 : index
        %get3A_900 = tpu.vector_load %arg17[%get3A_898, %get3A_899] {strides = array<i32>} : memref<128x64xf32, #tpu.memory_space<vmem>>, vector<1x16xf32>,
        %get3A_901 = vector.shape_cast %get3A_900 : vector<1x16xf32> to vector<16xf32>
        %mul3A_902 = vector.broadcast %squeeze3A_897 : f32 to vector<16xf32>
        %mul3A_903 = arith.mulf %get3A_901, %mul3A_902 : vector<16xf32>
        %swap3A_904 = arith.index_cast %add3A_895 : i32 to index
        %swap3A_905 = arith.constant 0 : index
        %swap3A_906 = tpu.vector_load %arg17[%swap3A_904, %swap3A_905] {strides = array<i32>} : memref<128x64xf32, #tpu.memory_space<vmem>>, vector<1x16xf32>,
        %swap3A_907 = vector.shape_cast %swap3A_906 : vector<1x16xf32> to vector<16xf32>
        %swap3A_908 = vector.shape_cast %mul3A_903 : vector<16xf32> to vector<1x16xf32>
        tpu.vector_store %arg17[%swap3A_904, %swap3A_905], %swap3A_908 {strides = array<i32>} : memref<128x64xf32, #tpu.memory_space<vmem>>, vector<1x16xf32>,
        %get3A_909 = arith.index_cast %add3A_895 : i32 to index
        %get3A_910 = arith.constant 16 : index
        %get3A_911 = tpu.vector_load %arg17[%get3A_909, %get3A_910] {strides = array<i32>} : memref<128x64xf32, #tpu.memory_space<vmem>>, vector<1x16xf32>,
        %get3A_912 = vector.shape_cast %get3A_911 : vector<1x16xf32> to vector<16xf32>
        %mul3A_913 = vector.broadcast %squeeze3A_897 : f32 to vector<16xf32>
        %mul3A_914 = arith.mulf %get3A_912, %mul3A_913 : vector<16xf32>
        %swap3A_915 = arith.index_cast %add3A_895 : i32 to index
        %swap3A_916 = arith.constant 16 : index
        %swap3A_917 = tpu.vector_load %arg17[%swap3A_915, %swap3A_916] {strides = array<i32>} : memref<128x64xf32, #tpu.memory_space<vmem>>, vector<1x16xf32>,
        %swap3A_918 = vector.shape_cast %swap3A_917 : vector<1x16xf32> to vector<16xf32>
        %swap3A_919 = vector.shape_cast %mul3A_914 : vector<16xf32> to vector<1x16xf32>
        tpu.vector_store %arg17[%swap3A_915, %swap3A_916], %swap3A_919 {strides = array<i32>} : memref<128x64xf32, #tpu.memory_space<vmem>>, vector<1x16xf32>,
        %get3A_920 = arith.index_cast %add3A_895 : i32 to index
        %get3A_921 = arith.constant 32 : index
        %get3A_922 = tpu.vector_load %arg17[%get3A_920, %get3A_921] {strides = array<i32>} : memref<128x64xf32, #tpu.memory_space<vmem>>, vector<1x16xf32>,
        %get3A_923 = vector.shape_cast %get3A_922 : vector<1x16xf32> to vector<16xf32>
        %mul3A_924 = vector.broadcast %squeeze3A_897 : f32 to vector<16xf32>
        %mul3A_925 = arith.mulf %get3A_923, %mul3A_924 : vector<16xf32>
        %swap3A_926 = arith.index_cast %add3A_895 : i32 to index
        %swap3A_927 = arith.constant 32 : index
        %swap3A_928 = tpu.vector_load %arg17[%swap3A_926, %swap3A_927] {strides = array<i32>} : memref<128x64xf32, #tpu.memory_space<vmem>>, vector<1x16xf32>,
        %swap3A_929 = vector.shape_cast %swap3A_928 : vector<1x16xf32> to vector<16xf32>
        %swap3A_930 = vector.shape_cast %mul3A_925 : vector<16xf32> to vector<1x16xf32>
        tpu.vector_store %arg17[%swap3A_926, %swap3A_927], %swap3A_930 {strides = array<i32>} : memref<128x64xf32, #tpu.memory_space<vmem>>, vector<1x16xf32>,
        %get3A_931 = arith.index_cast %add3A_895 : i32 to index
        %get3A_932 = arith.constant 48 : index
        %get3A_933 = tpu.vector_load %arg17[%get3A_931, %get3A_932] {strides = array<i32>} : memref<128x64xf32, #tpu.memory_space<vmem>>, vector<1x16xf32>,
        %get3A_934 = vector.shape_cast %get3A_933 : vector<1x16xf32> to vector<16xf32>
        %mul3A_935 = vector.broadcast %squeeze3A_897 : f32 to vector<16xf32>
        %mul3A_936 = arith.mulf %get3A_934, %mul3A_935 : vector<16xf32>
        %swap3A_937 = arith.index_cast %add3A_895 : i32 to index
        %swap3A_938 = arith.constant 48 : index
        %swap3A_939 = tpu.vector_load %arg17[%swap3A_937, %swap3A_938] {strides = array<i32>} : memref<128x64xf32, #tpu.memory_space<vmem>>, vector<1x16xf32>,
        %swap3A_940 = vector.shape_cast %swap3A_939 : vector<1x16xf32> to vector<16xf32>
        %swap3A_941 = vector.shape_cast %mul3A_936 : vector<16xf32> to vector<1x16xf32>
        tpu.vector_store %arg17[%swap3A_937, %swap3A_938], %swap3A_941 {strides = array<i32>} : memref<128x64xf32, #tpu.memory_space<vmem>>, vector<1x16xf32>,
        %mul3A_942 = arith.constant 16 : i32
        %mul3A_943 = arith.muli %scan3A_388, %mul3A_942 : i32
        %add3A_944 = arith.constant 11 : i32
        %add3A_945 = arith.addi %mul3A_943, %add3A_944 : i32
        %slice3A_946 = vector.extract_strided_slice %get3A_393 {offsets = [11], sizes = [1], strides = [1]} : vector<16xf32> to vector<1xf32>
        %squeeze3A_947 = vector.extract %slice3A_946[0] : f32 from vector<1xf32>
        %get3A_948 = arith.index_cast %add3A_945 : i32 to index
        %get3A_949 = arith.constant 0 : index
        %get3A_950 = tpu.vector_load %arg17[%get3A_948, %get3A_949] {strides = array<i32>} : memref<128x64xf32, #tpu.memory_space<vmem>>, vector<1x16xf32>,
        %get3A_951 = vector.shape_cast %get3A_950 : vector<1x16xf32> to vector<16xf32>
        %mul3A_952 = vector.broadcast %squeeze3A_947 : f32 to vector<16xf32>
        %mul3A_953 = arith.mulf %get3A_951, %mul3A_952 : vector<16xf32>
        %swap3A_954 = arith.index_cast %add3A_945 : i32 to index
        %swap3A_955 = arith.constant 0 : index
        %swap3A_956 = tpu.vector_load %arg17[%swap3A_954, %swap3A_955] {strides = array<i32>} : memref<128x64xf32, #tpu.memory_space<vmem>>, vector<1x16xf32>,
        %swap3A_957 = vector.shape_cast %swap3A_956 : vector<1x16xf32> to vector<16xf32>
        %swap3A_958 = vector.shape_cast %mul3A_953 : vector<16xf32> to vector<1x16xf32>
        tpu.vector_store %arg17[%swap3A_954, %swap3A_955], %swap3A_958 {strides = array<i32>} : memref<128x64xf32, #tpu.memory_space<vmem>>, vector<1x16xf32>,
        %get3A_959 = arith.index_cast %add3A_945 : i32 to index
        %get3A_960 = arith.constant 16 : index
        %get3A_961 = tpu.vector_load %arg17[%get3A_959, %get3A_960] {strides = array<i32>} : memref<128x64xf32, #tpu.memory_space<vmem>>, vector<1x16xf32>,
        %get3A_962 = vector.shape_cast %get3A_961 : vector<1x16xf32> to vector<16xf32>
        %mul3A_963 = vector.broadcast %squeeze3A_947 : f32 to vector<16xf32>
        %mul3A_964 = arith.mulf %get3A_962, %mul3A_963 : vector<16xf32>
        %swap3A_965 = arith.index_cast %add3A_945 : i32 to index
        %swap3A_966 = arith.constant 16 : index
        %swap3A_967 = tpu.vector_load %arg17[%swap3A_965, %swap3A_966] {strides = array<i32>} : memref<128x64xf32, #tpu.memory_space<vmem>>, vector<1x16xf32>,
        %swap3A_968 = vector.shape_cast %swap3A_967 : vector<1x16xf32> to vector<16xf32>
        %swap3A_969 = vector.shape_cast %mul3A_964 : vector<16xf32> to vector<1x16xf32>
        tpu.vector_store %arg17[%swap3A_965, %swap3A_966], %swap3A_969 {strides = array<i32>} : memref<128x64xf32, #tpu.memory_space<vmem>>, vector<1x16xf32>,
        %get3A_970 = arith.index_cast %add3A_945 : i32 to index
        %get3A_971 = arith.constant 32 : index
        %get3A_972 = tpu.vector_load %arg17[%get3A_970, %get3A_971] {strides = array<i32>} : memref<128x64xf32, #tpu.memory_space<vmem>>, vector<1x16xf32>,
        %get3A_973 = vector.shape_cast %get3A_972 : vector<1x16xf32> to vector<16xf32>
        %mul3A_974 = vector.broadcast %squeeze3A_947 : f32 to vector<16xf32>
        %mul3A_975 = arith.mulf %get3A_973, %mul3A_974 : vector<16xf32>
        %swap3A_976 = arith.index_cast %add3A_945 : i32 to index
        %swap3A_977 = arith.constant 32 : index
        %swap3A_978 = tpu.vector_load %arg17[%swap3A_976, %swap3A_977] {strides = array<i32>} : memref<128x64xf32, #tpu.memory_space<vmem>>, vector<1x16xf32>,
        %swap3A_979 = vector.shape_cast %swap3A_978 : vector<1x16xf32> to vector<16xf32>
        %swap3A_980 = vector.shape_cast %mul3A_975 : vector<16xf32> to vector<1x16xf32>
        tpu.vector_store %arg17[%swap3A_976, %swap3A_977], %swap3A_980 {strides = array<i32>} : memref<128x64xf32, #tpu.memory_space<vmem>>, vector<1x16xf32>,
        %get3A_981 = arith.index_cast %add3A_945 : i32 to index
        %get3A_982 = arith.constant 48 : index
        %get3A_983 = tpu.vector_load %arg17[%get3A_981, %get3A_982] {strides = array<i32>} : memref<128x64xf32, #tpu.memory_space<vmem>>, vector<1x16xf32>,
        %get3A_984 = vector.shape_cast %get3A_983 : vector<1x16xf32> to vector<16xf32>
        %mul3A_985 = vector.broadcast %squeeze3A_947 : f32 to vector<16xf32>
        %mul3A_986 = arith.mulf %get3A_984, %mul3A_985 : vector<16xf32>
        %swap3A_987 = arith.index_cast %add3A_945 : i32 to index
        %swap3A_988 = arith.constant 48 : index
        %swap3A_989 = tpu.vector_load %arg17[%swap3A_987, %swap3A_988] {strides = array<i32>} : memref<128x64xf32, #tpu.memory_space<vmem>>, vector<1x16xf32>,
        %swap3A_990 = vector.shape_cast %swap3A_989 : vector<1x16xf32> to vector<16xf32>
        %swap3A_991 = vector.shape_cast %mul3A_986 : vector<16xf32> to vector<1x16xf32>
        tpu.vector_store %arg17[%swap3A_987, %swap3A_988], %swap3A_991 {strides = array<i32>} : memref<128x64xf32, #tpu.memory_space<vmem>>, vector<1x16xf32>,
        %mul3A_992 = arith.constant 16 : i32
        %mul3A_993 = arith.muli %scan3A_388, %mul3A_992 : i32
        %add3A_994 = arith.constant 12 : i32
        %add3A_995 = arith.addi %mul3A_993, %add3A_994 : i32
        %slice3A_996 = vector.extract_strided_slice %get3A_393 {offsets = [12], sizes = [1], strides = [1]} : vector<16xf32> to vector<1xf32>
        %squeeze3A_997 = vector.extract %slice3A_996[0] : f32 from vector<1xf32>
        %get3A_998 = arith.index_cast %add3A_995 : i32 to index
        %get3A_999 = arith.constant 0 : index
        %get3A_1000 = tpu.vector_load %arg17[%get3A_998, %get3A_999] {strides = array<i32>} : memref<128x64xf32, #tpu.memory_space<vmem>>, vector<1x16xf32>,
        %get3A_1001 = vector.shape_cast %get3A_1000 : vector<1x16xf32> to vector<16xf32>
        %mul3A_1002 = vector.broadcast %squeeze3A_997 : f32 to vector<16xf32>
        %mul3A_1003 = arith.mulf %get3A_1001, %mul3A_1002 : vector<16xf32>
        %swap3A_1004 = arith.index_cast %add3A_995 : i32 to index
        %swap3A_1005 = arith.constant 0 : index
        %swap3A_1006 = tpu.vector_load %arg17[%swap3A_1004, %swap3A_1005] {strides = array<i32>} : memref<128x64xf32, #tpu.memory_space<vmem>>, vector<1x16xf32>,
        %swap3A_1007 = vector.shape_cast %swap3A_1006 : vector<1x16xf32> to vector<16xf32>
        %swap3A_1008 = vector.shape_cast %mul3A_1003 : vector<16xf32> to vector<1x16xf32>
        tpu.vector_store %arg17[%swap3A_1004, %swap3A_1005], %swap3A_1008 {strides = array<i32>} : memref<128x64xf32, #tpu.memory_space<vmem>>, vector<1x16xf32>,
        %get3A_1009 = arith.index_cast %add3A_995 : i32 to index
        %get3A_1010 = arith.constant 16 : index
        %get3A_1011 = tpu.vector_load %arg17[%get3A_1009, %get3A_1010] {strides = array<i32>} : memref<128x64xf32, #tpu.memory_space<vmem>>, vector<1x16xf32>,
        %get3A_1012 = vector.shape_cast %get3A_1011 : vector<1x16xf32> to vector<16xf32>
        %mul3A_1013 = vector.broadcast %squeeze3A_997 : f32 to vector<16xf32>
        %mul3A_1014 = arith.mulf %get3A_1012, %mul3A_1013 : vector<16xf32>
        %swap3A_1015 = arith.index_cast %add3A_995 : i32 to index
        %swap3A_1016 = arith.constant 16 : index
        %swap3A_1017 = tpu.vector_load %arg17[%swap3A_1015, %swap3A_1016] {strides = array<i32>} : memref<128x64xf32, #tpu.memory_space<vmem>>, vector<1x16xf32>,
        %swap3A_1018 = vector.shape_cast %swap3A_1017 : vector<1x16xf32> to vector<16xf32>
        %swap3A_1019 = vector.shape_cast %mul3A_1014 : vector<16xf32> to vector<1x16xf32>
        tpu.vector_store %arg17[%swap3A_1015, %swap3A_1016], %swap3A_1019 {strides = array<i32>} : memref<128x64xf32, #tpu.memory_space<vmem>>, vector<1x16xf32>,
        %get3A_1020 = arith.index_cast %add3A_995 : i32 to index
        %get3A_1021 = arith.constant 32 : index
        %get3A_1022 = tpu.vector_load %arg17[%get3A_1020, %get3A_1021] {strides = array<i32>} : memref<128x64xf32, #tpu.memory_space<vmem>>, vector<1x16xf32>,
        %get3A_1023 = vector.shape_cast %get3A_1022 : vector<1x16xf32> to vector<16xf32>
        %mul3A_1024 = vector.broadcast %squeeze3A_997 : f32 to vector<16xf32>
        %mul3A_1025 = arith.mulf %get3A_1023, %mul3A_1024 : vector<16xf32>
        %swap3A_1026 = arith.index_cast %add3A_995 : i32 to index
        %swap3A_1027 = arith.constant 32 : index
        %swap3A_1028 = tpu.vector_load %arg17[%swap3A_1026, %swap3A_1027] {strides = array<i32>} : memref<128x64xf32, #tpu.memory_space<vmem>>, vector<1x16xf32>,
        %swap3A_1029 = vector.shape_cast %swap3A_1028 : vector<1x16xf32> to vector<16xf32>
        %swap3A_1030 = vector.shape_cast %mul3A_1025 : vector<16xf32> to vector<1x16xf32>
        tpu.vector_store %arg17[%swap3A_1026, %swap3A_1027], %swap3A_1030 {strides = array<i32>} : memref<128x64xf32, #tpu.memory_space<vmem>>, vector<1x16xf32>,
        %get3A_1031 = arith.index_cast %add3A_995 : i32 to index
        %get3A_1032 = arith.constant 48 : index
        %get3A_1033 = tpu.vector_load %arg17[%get3A_1031, %get3A_1032] {strides = array<i32>} : memref<128x64xf32, #tpu.memory_space<vmem>>, vector<1x16xf32>,
        %get3A_1034 = vector.shape_cast %get3A_1033 : vector<1x16xf32> to vector<16xf32>
        %mul3A_1035 = vector.broadcast %squeeze3A_997 : f32 to vector<16xf32>
        %mul3A_1036 = arith.mulf %get3A_1034, %mul3A_1035 : vector<16xf32>
        %swap3A_1037 = arith.index_cast %add3A_995 : i32 to index
        %swap3A_1038 = arith.constant 48 : index
        %swap3A_1039 = tpu.vector_load %arg17[%swap3A_1037, %swap3A_1038] {strides = array<i32>} : memref<128x64xf32, #tpu.memory_space<vmem>>, vector<1x16xf32>,
        %swap3A_1040 = vector.shape_cast %swap3A_1039 : vector<1x16xf32> to vector<16xf32>
        %swap3A_1041 = vector.shape_cast %mul3A_1036 : vector<16xf32> to vector<1x16xf32>
        tpu.vector_store %arg17[%swap3A_1037, %swap3A_1038], %swap3A_1041 {strides = array<i32>} : memref<128x64xf32, #tpu.memory_space<vmem>>, vector<1x16xf32>,
        %mul3A_1042 = arith.constant 16 : i32
        %mul3A_1043 = arith.muli %scan3A_388, %mul3A_1042 : i32
        %add3A_1044 = arith.constant 13 : i32
        %add3A_1045 = arith.addi %mul3A_1043, %add3A_1044 : i32
        %slice3A_1046 = vector.extract_strided_slice %get3A_393 {offsets = [13], sizes = [1], strides = [1]} : vector<16xf32> to vector<1xf32>
        %squeeze3A_1047 = vector.extract %slice3A_1046[0] : f32 from vector<1xf32>
        %get3A_1048 = arith.index_cast %add3A_1045 : i32 to index
        %get3A_1049 = arith.constant 0 : index
        %get3A_1050 = tpu.vector_load %arg17[%get3A_1048, %get3A_1049] {strides = array<i32>} : memref<128x64xf32, #tpu.memory_space<vmem>>, vector<1x16xf32>,
        %get3A_1051 = vector.shape_cast %get3A_1050 : vector<1x16xf32> to vector<16xf32>
        %mul3A_1052 = vector.broadcast %squeeze3A_1047 : f32 to vector<16xf32>
        %mul3A_1053 = arith.mulf %get3A_1051, %mul3A_1052 : vector<16xf32>
        %swap3A_1054 = arith.index_cast %add3A_1045 : i32 to index
        %swap3A_1055 = arith.constant 0 : index
        %swap3A_1056 = tpu.vector_load %arg17[%swap3A_1054, %swap3A_1055] {strides = array<i32>} : memref<128x64xf32, #tpu.memory_space<vmem>>, vector<1x16xf32>,
        %swap3A_1057 = vector.shape_cast %swap3A_1056 : vector<1x16xf32> to vector<16xf32>
        %swap3A_1058 = vector.shape_cast %mul3A_1053 : vector<16xf32> to vector<1x16xf32>
        tpu.vector_store %arg17[%swap3A_1054, %swap3A_1055], %swap3A_1058 {strides = array<i32>} : memref<128x64xf32, #tpu.memory_space<vmem>>, vector<1x16xf32>,
        %get3A_1059 = arith.index_cast %add3A_1045 : i32 to index
        %get3A_1060 = arith.constant 16 : index
        %get3A_1061 = tpu.vector_load %arg17[%get3A_1059, %get3A_1060] {strides = array<i32>} : memref<128x64xf32, #tpu.memory_space<vmem>>, vector<1x16xf32>,
        %get3A_1062 = vector.shape_cast %get3A_1061 : vector<1x16xf32> to vector<16xf32>
        %mul3A_1063 = vector.broadcast %squeeze3A_1047 : f32 to vector<16xf32>
        %mul3A_1064 = arith.mulf %get3A_1062, %mul3A_1063 : vector<16xf32>
        %swap3A_1065 = arith.index_cast %add3A_1045 : i32 to index
        %swap3A_1066 = arith.constant 16 : index
        %swap3A_1067 = tpu.vector_load %arg17[%swap3A_1065, %swap3A_1066] {strides = array<i32>} : memref<128x64xf32, #tpu.memory_space<vmem>>, vector<1x16xf32>,
        %swap3A_1068 = vector.shape_cast %swap3A_1067 : vector<1x16xf32> to vector<16xf32>
        %swap3A_1069 = vector.shape_cast %mul3A_1064 : vector<16xf32> to vector<1x16xf32>
        tpu.vector_store %arg17[%swap3A_1065, %swap3A_1066], %swap3A_1069 {strides = array<i32>} : memref<128x64xf32, #tpu.memory_space<vmem>>, vector<1x16xf32>,
        %get3A_1070 = arith.index_cast %add3A_1045 : i32 to index
        %get3A_1071 = arith.constant 32 : index
        %get3A_1072 = tpu.vector_load %arg17[%get3A_1070, %get3A_1071] {strides = array<i32>} : memref<128x64xf32, #tpu.memory_space<vmem>>, vector<1x16xf32>,
        %get3A_1073 = vector.shape_cast %get3A_1072 : vector<1x16xf32> to vector<16xf32>
        %mul3A_1074 = vector.broadcast %squeeze3A_1047 : f32 to vector<16xf32>
        %mul3A_1075 = arith.mulf %get3A_1073, %mul3A_1074 : vector<16xf32>
        %swap3A_1076 = arith.index_cast %add3A_1045 : i32 to index
        %swap3A_1077 = arith.constant 32 : index
        %swap3A_1078 = tpu.vector_load %arg17[%swap3A_1076, %swap3A_1077] {strides = array<i32>} : memref<128x64xf32, #tpu.memory_space<vmem>>, vector<1x16xf32>,
        %swap3A_1079 = vector.shape_cast %swap3A_1078 : vector<1x16xf32> to vector<16xf32>
        %swap3A_1080 = vector.shape_cast %mul3A_1075 : vector<16xf32> to vector<1x16xf32>
        tpu.vector_store %arg17[%swap3A_1076, %swap3A_1077], %swap3A_1080 {strides = array<i32>} : memref<128x64xf32, #tpu.memory_space<vmem>>, vector<1x16xf32>,
        %get3A_1081 = arith.index_cast %add3A_1045 : i32 to index
        %get3A_1082 = arith.constant 48 : index
        %get3A_1083 = tpu.vector_load %arg17[%get3A_1081, %get3A_1082] {strides = array<i32>} : memref<128x64xf32, #tpu.memory_space<vmem>>, vector<1x16xf32>,
        %get3A_1084 = vector.shape_cast %get3A_1083 : vector<1x16xf32> to vector<16xf32>
        %mul3A_1085 = vector.broadcast %squeeze3A_1047 : f32 to vector<16xf32>
        %mul3A_1086 = arith.mulf %get3A_1084, %mul3A_1085 : vector<16xf32>
        %swap3A_1087 = arith.index_cast %add3A_1045 : i32 to index
        %swap3A_1088 = arith.constant 48 : index
        %swap3A_1089 = tpu.vector_load %arg17[%swap3A_1087, %swap3A_1088] {strides = array<i32>} : memref<128x64xf32, #tpu.memory_space<vmem>>, vector<1x16xf32>,
        %swap3A_1090 = vector.shape_cast %swap3A_1089 : vector<1x16xf32> to vector<16xf32>
        %swap3A_1091 = vector.shape_cast %mul3A_1086 : vector<16xf32> to vector<1x16xf32>
        tpu.vector_store %arg17[%swap3A_1087, %swap3A_1088], %swap3A_1091 {strides = array<i32>} : memref<128x64xf32, #tpu.memory_space<vmem>>, vector<1x16xf32>,
        %mul3A_1092 = arith.constant 16 : i32
        %mul3A_1093 = arith.muli %scan3A_388, %mul3A_1092 : i32
        %add3A_1094 = arith.constant 14 : i32
        %add3A_1095 = arith.addi %mul3A_1093, %add3A_1094 : i32
        %slice3A_1096 = vector.extract_strided_slice %get3A_393 {offsets = [14], sizes = [1], strides = [1]} : vector<16xf32> to vector<1xf32>
        %squeeze3A_1097 = vector.extract %slice3A_1096[0] : f32 from vector<1xf32>
        %get3A_1098 = arith.index_cast %add3A_1095 : i32 to index
        %get3A_1099 = arith.constant 0 : index
        %get3A_1100 = tpu.vector_load %arg17[%get3A_1098, %get3A_1099] {strides = array<i32>} : memref<128x64xf32, #tpu.memory_space<vmem>>, vector<1x16xf32>,
        %get3A_1101 = vector.shape_cast %get3A_1100 : vector<1x16xf32> to vector<16xf32>
        %mul3A_1102 = vector.broadcast %squeeze3A_1097 : f32 to vector<16xf32>
        %mul3A_1103 = arith.mulf %get3A_1101, %mul3A_1102 : vector<16xf32>
        %swap3A_1104 = arith.index_cast %add3A_1095 : i32 to index
        %swap3A_1105 = arith.constant 0 : index
        %swap3A_1106 = tpu.vector_load %arg17[%swap3A_1104, %swap3A_1105] {strides = array<i32>} : memref<128x64xf32, #tpu.memory_space<vmem>>, vector<1x16xf32>,
        %swap3A_1107 = vector.shape_cast %swap3A_1106 : vector<1x16xf32> to vector<16xf32>
        %swap3A_1108 = vector.shape_cast %mul3A_1103 : vector<16xf32> to vector<1x16xf32>
        tpu.vector_store %arg17[%swap3A_1104, %swap3A_1105], %swap3A_1108 {strides = array<i32>} : memref<128x64xf32, #tpu.memory_space<vmem>>, vector<1x16xf32>,
        %get3A_1109 = arith.index_cast %add3A_1095 : i32 to index
        %get3A_1110 = arith.constant 16 : index
        %get3A_1111 = tpu.vector_load %arg17[%get3A_1109, %get3A_1110] {strides = array<i32>} : memref<128x64xf32, #tpu.memory_space<vmem>>, vector<1x16xf32>,
        %get3A_1112 = vector.shape_cast %get3A_1111 : vector<1x16xf32> to vector<16xf32>
        %mul3A_1113 = vector.broadcast %squeeze3A_1097 : f32 to vector<16xf32>
        %mul3A_1114 = arith.mulf %get3A_1112, %mul3A_1113 : vector<16xf32>
        %swap3A_1115 = arith.index_cast %add3A_1095 : i32 to index
        %swap3A_1116 = arith.constant 16 : index
        %swap3A_1117 = tpu.vector_load %arg17[%swap3A_1115, %swap3A_1116] {strides = array<i32>} : memref<128x64xf32, #tpu.memory_space<vmem>>, vector<1x16xf32>,
        %swap3A_1118 = vector.shape_cast %swap3A_1117 : vector<1x16xf32> to vector<16xf32>
        %swap3A_1119 = vector.shape_cast %mul3A_1114 : vector<16xf32> to vector<1x16xf32>
        tpu.vector_store %arg17[%swap3A_1115, %swap3A_1116], %swap3A_1119 {strides = array<i32>} : memref<128x64xf32, #tpu.memory_space<vmem>>, vector<1x16xf32>,
        %get3A_1120 = arith.index_cast %add3A_1095 : i32 to index
        %get3A_1121 = arith.constant 32 : index
        %get3A_1122 = tpu.vector_load %arg17[%get3A_1120, %get3A_1121] {strides = array<i32>} : memref<128x64xf32, #tpu.memory_space<vmem>>, vector<1x16xf32>,
        %get3A_1123 = vector.shape_cast %get3A_1122 : vector<1x16xf32> to vector<16xf32>
        %mul3A_1124 = vector.broadcast %squeeze3A_1097 : f32 to vector<16xf32>
        %mul3A_1125 = arith.mulf %get3A_1123, %mul3A_1124 : vector<16xf32>
        %swap3A_1126 = arith.index_cast %add3A_1095 : i32 to index
        %swap3A_1127 = arith.constant 32 : index
        %swap3A_1128 = tpu.vector_load %arg17[%swap3A_1126, %swap3A_1127] {strides = array<i32>} : memref<128x64xf32, #tpu.memory_space<vmem>>, vector<1x16xf32>,
        %swap3A_1129 = vector.shape_cast %swap3A_1128 : vector<1x16xf32> to vector<16xf32>
        %swap3A_1130 = vector.shape_cast %mul3A_1125 : vector<16xf32> to vector<1x16xf32>
        tpu.vector_store %arg17[%swap3A_1126, %swap3A_1127], %swap3A_1130 {strides = array<i32>} : memref<128x64xf32, #tpu.memory_space<vmem>>, vector<1x16xf32>,
        %get3A_1131 = arith.index_cast %add3A_1095 : i32 to index
        %get3A_1132 = arith.constant 48 : index
        %get3A_1133 = tpu.vector_load %arg17[%get3A_1131, %get3A_1132] {strides = array<i32>} : memref<128x64xf32, #tpu.memory_space<vmem>>, vector<1x16xf32>,
        %get3A_1134 = vector.shape_cast %get3A_1133 : vector<1x16xf32> to vector<16xf32>
        %mul3A_1135 = vector.broadcast %squeeze3A_1097 : f32 to vector<16xf32>
        %mul3A_1136 = arith.mulf %get3A_1134, %mul3A_1135 : vector<16xf32>
        %swap3A_1137 = arith.index_cast %add3A_1095 : i32 to index
        %swap3A_1138 = arith.constant 48 : index
        %swap3A_1139 = tpu.vector_load %arg17[%swap3A_1137, %swap3A_1138] {strides = array<i32>} : memref<128x64xf32, #tpu.memory_space<vmem>>, vector<1x16xf32>,
        %swap3A_1140 = vector.shape_cast %swap3A_1139 : vector<1x16xf32> to vector<16xf32>
        %swap3A_1141 = vector.shape_cast %mul3A_1136 : vector<16xf32> to vector<1x16xf32>
        tpu.vector_store %arg17[%swap3A_1137, %swap3A_1138], %swap3A_1141 {strides = array<i32>} : memref<128x64xf32, #tpu.memory_space<vmem>>, vector<1x16xf32>,
        %mul3A_1142 = arith.constant 16 : i32
        %mul3A_1143 = arith.muli %scan3A_388, %mul3A_1142 : i32
        %add3A_1144 = arith.constant 15 : i32
        %add3A_1145 = arith.addi %mul3A_1143, %add3A_1144 : i32
        %slice3A_1146 = vector.extract_strided_slice %get3A_393 {offsets = [15], sizes = [1], strides = [1]} : vector<16xf32> to vector<1xf32>
        %squeeze3A_1147 = vector.extract %slice3A_1146[0] : f32 from vector<1xf32>
        %get3A_1148 = arith.index_cast %add3A_1145 : i32 to index
        %get3A_1149 = arith.constant 0 : index
        %get3A_1150 = tpu.vector_load %arg17[%get3A_1148, %get3A_1149] {strides = array<i32>} : memref<128x64xf32, #tpu.memory_space<vmem>>, vector<1x16xf32>,
        %get3A_1151 = vector.shape_cast %get3A_1150 : vector<1x16xf32> to vector<16xf32>
        %mul3A_1152 = vector.broadcast %squeeze3A_1147 : f32 to vector<16xf32>
        %mul3A_1153 = arith.mulf %get3A_1151, %mul3A_1152 : vector<16xf32>
        %swap3A_1154 = arith.index_cast %add3A_1145 : i32 to index
        %swap3A_1155 = arith.constant 0 : index
        %swap3A_1156 = tpu.vector_load %arg17[%swap3A_1154, %swap3A_1155] {strides = array<i32>} : memref<128x64xf32, #tpu.memory_space<vmem>>, vector<1x16xf32>,
        %swap3A_1157 = vector.shape_cast %swap3A_1156 : vector<1x16xf32> to vector<16xf32>
        %swap3A_1158 = vector.shape_cast %mul3A_1153 : vector<16xf32> to vector<1x16xf32>
        tpu.vector_store %arg17[%swap3A_1154, %swap3A_1155], %swap3A_1158 {strides = array<i32>} : memref<128x64xf32, #tpu.memory_space<vmem>>, vector<1x16xf32>,
        %get3A_1159 = arith.index_cast %add3A_1145 : i32 to index
        %get3A_1160 = arith.constant 16 : index
        %get3A_1161 = tpu.vector_load %arg17[%get3A_1159, %get3A_1160] {strides = array<i32>} : memref<128x64xf32, #tpu.memory_space<vmem>>, vector<1x16xf32>,
        %get3A_1162 = vector.shape_cast %get3A_1161 : vector<1x16xf32> to vector<16xf32>
        %mul3A_1163 = vector.broadcast %squeeze3A_1147 : f32 to vector<16xf32>
        %mul3A_1164 = arith.mulf %get3A_1162, %mul3A_1163 : vector<16xf32>
        %swap3A_1165 = arith.index_cast %add3A_1145 : i32 to index
        %swap3A_1166 = arith.constant 16 : index
        %swap3A_1167 = tpu.vector_load %arg17[%swap3A_1165, %swap3A_1166] {strides = array<i32>} : memref<128x64xf32, #tpu.memory_space<vmem>>, vector<1x16xf32>,
        %swap3A_1168 = vector.shape_cast %swap3A_1167 : vector<1x16xf32> to vector<16xf32>
        %swap3A_1169 = vector.shape_cast %mul3A_1164 : vector<16xf32> to vector<1x16xf32>
        tpu.vector_store %arg17[%swap3A_1165, %swap3A_1166], %swap3A_1169 {strides = array<i32>} : memref<128x64xf32, #tpu.memory_space<vmem>>, vector<1x16xf32>,
        %get3A_1170 = arith.index_cast %add3A_1145 : i32 to index
        %get3A_1171 = arith.constant 32 : index
        %get3A_1172 = tpu.vector_load %arg17[%get3A_1170, %get3A_1171] {strides = array<i32>} : memref<128x64xf32, #tpu.memory_space<vmem>>, vector<1x16xf32>,
        %get3A_1173 = vector.shape_cast %get3A_1172 : vector<1x16xf32> to vector<16xf32>
        %mul3A_1174 = vector.broadcast %squeeze3A_1147 : f32 to vector<16xf32>
        %mul3A_1175 = arith.mulf %get3A_1173, %mul3A_1174 : vector<16xf32>
        %swap3A_1176 = arith.index_cast %add3A_1145 : i32 to index
        %swap3A_1177 = arith.constant 32 : index
        %swap3A_1178 = tpu.vector_load %arg17[%swap3A_1176, %swap3A_1177] {strides = array<i32>} : memref<128x64xf32, #tpu.memory_space<vmem>>, vector<1x16xf32>,
        %swap3A_1179 = vector.shape_cast %swap3A_1178 : vector<1x16xf32> to vector<16xf32>
        %swap3A_1180 = vector.shape_cast %mul3A_1175 : vector<16xf32> to vector<1x16xf32>
        tpu.vector_store %arg17[%swap3A_1176, %swap3A_1177], %swap3A_1180 {strides = array<i32>} : memref<128x64xf32, #tpu.memory_space<vmem>>, vector<1x16xf32>,
        %get3A_1181 = arith.index_cast %add3A_1145 : i32 to index
        %get3A_1182 = arith.constant 48 : index
        %get3A_1183 = tpu.vector_load %arg17[%get3A_1181, %get3A_1182] {strides = array<i32>} : memref<128x64xf32, #tpu.memory_space<vmem>>, vector<1x16xf32>,
        %get3A_1184 = vector.shape_cast %get3A_1183 : vector<1x16xf32> to vector<16xf32>
        %mul3A_1185 = vector.broadcast %squeeze3A_1147 : f32 to vector<16xf32>
        %mul3A_1186 = arith.mulf %get3A_1184, %mul3A_1185 : vector<16xf32>
        %swap3A_1187 = arith.index_cast %add3A_1145 : i32 to index
        %swap3A_1188 = arith.constant 48 : index
        %swap3A_1189 = tpu.vector_load %arg17[%swap3A_1187, %swap3A_1188] {strides = array<i32>} : memref<128x64xf32, #tpu.memory_space<vmem>>, vector<1x16xf32>,
        %swap3A_1190 = vector.shape_cast %swap3A_1189 : vector<1x16xf32> to vector<16xf32>
        %swap3A_1191 = vector.shape_cast %mul3A_1186 : vector<16xf32> to vector<1x16xf32>
        tpu.vector_store %arg17[%swap3A_1187, %swap3A_1188], %swap3A_1191 {strides = array<i32>} : memref<128x64xf32, #tpu.memory_space<vmem>>, vector<1x16xf32>,
      }
      %scan3A_377 = arith.constant 8 : i32
      %dma_start3A_378 = arith.constant 0 : i32
      %dma_start3A_379 = arith.constant 0 : i32
      %dma_start3A_380 = tpu.memref_slice %arg8[%dma_start3A_378, %dma_start3A_379] : memref<10240x64xf32, #tpu.memory_space<vmem_shared>> -> memref<10240x64xf32, #tpu.memory_space<vmem_shared>>
      tpu.enqueue_indirect_dma source(%arg17 : memref<128x64xf32, #tpu.memory_space<vmem>>) target(%dma_start3A_380 : memref<10240x64xf32, #tpu.memory_space<vmem_shared>>) offsets(%arg13 : memref<128xi32, #tpu.memory_space<vmem>>) semaphore(%arg21 : memref<!tpu.dma_semaphore, #tpu.memory_space<semaphore_mem>>) {add = true}
      %add3A_381 = arith.constant 2 : i32
      %add3A_382 = arith.addi %add3A_361, %add3A_381 : i32
      %lt3A_383 = arith.constant 160 : i32
      %lt3A_384 = arith.cmpi slt, %add3A_382, %lt3A_383 : i32
      %convert_element_type3A_385 = arith.extui %lt3A_384 : i1 to i32
      %cond3A_386 = arith.constant 0 : i32
      %cond3A_387 = arith.cmpi ne, %convert_element_type3A_385, %cond3A_386 : i32
      scf.if %cond3A_387 {
        %dma_wait3A_388 = arith.constant 0 : i32
        %dma_wait3A_389 = arith.constant 0 : i32
        %dma_wait3A_390 = tpu.memref_slice %arg8[%dma_wait3A_388, %dma_wait3A_389] : memref<10240x64xf32, #tpu.memory_space<vmem_shared>> -> memref<10240x64xf32, #tpu.memory_space<vmem_shared>>
        tpu.wait_indirect_dma semaphore(%arg21 : memref<!tpu.dma_semaphore, #tpu.memory_space<semaphore_mem>>) src(%arg17 : memref<128x64xf32, #tpu.memory_space<vmem>>) dst(%dma_wait3A_390 : memref<10240x64xf32, #tpu.memory_space<vmem_shared>>)
        %add3A_391 = arith.constant 2 : i32
        %add3A_392 = arith.addi %add3A_361, %add3A_391 : i32
        %get3A_393 = arith.index_cast %add3A_392 : i32 to index
        %get3A_394 = arith.constant 0 : index
        %get3A_395 = tpu.vector_load %arg9[%get3A_393, %get3A_394] {strides = array<i32>} : memref<160x128xi32, #tpu.memory_space<vmem>>, vector<1x16xi32>,
        %get3A_396 = vector.shape_cast %get3A_395 : vector<1x16xi32> to vector<16xi32>
        %and3A_397 = arith.constant 32767 : i32
        %and3A_398 = vector.broadcast %and3A_397 : i32 to vector<16xi32>
        %and3A_399 = arith.andi %get3A_396, %and3A_398 : vector<16xi32>
        %swap3A_400 = arith.constant 0 : index
        %swap3A_401 = tpu.vector_load %arg11[%swap3A_400] {strides = array<i32>} : memref<128xi32, #tpu.memory_space<vmem>>, vector<16xi32>,
        %swap3A_402 = vector.shape_cast %swap3A_401 : vector<16xi32> to vector<16xi32>
        %swap3A_403 = vector.shape_cast %and3A_399 : vector<16xi32> to vector<16xi32>
        tpu.vector_store %arg11[%swap3A_400], %swap3A_403 {strides = array<i32>} : memref<128xi32, #tpu.memory_space<vmem>>, vector<16xi32>,
        %shift_right_arithmetic3A_404 = arith.constant 15 : i32
        %shift_right_arithmetic3A_405 = vector.broadcast %shift_right_arithmetic3A_404 : i32 to vector<16xi32>
        %shift_right_arithmetic3A_406 = arith.shrsi %get3A_396, %shift_right_arithmetic3A_405 : vector<16xi32>
        %swap3A_407 = arith.constant 0 : index
        %swap3A_408 = tpu.vector_load %arg13[%swap3A_407] {strides = array<i32>} : memref<128xi32, #tpu.memory_space<vmem>>, vector<16xi32>,
        %swap3A_409 = vector.shape_cast %swap3A_408 : vector<16xi32> to vector<16xi32>
        %swap3A_410 = vector.shape_cast %shift_right_arithmetic3A_406 : vector<16xi32> to vector<16xi32>
        tpu.vector_store %arg13[%swap3A_407], %swap3A_410 {strides = array<i32>} : memref<128xi32, #tpu.memory_space<vmem>>, vector<16xi32>,
        %get3A_411 = arith.index_cast %add3A_392 : i32 to index
        %get3A_412 = arith.constant 16 : index
        %get3A_413 = tpu.vector_load %arg9[%get3A_411, %get3A_412] {strides = array<i32>} : memref<160x128xi32, #tpu.memory_space<vmem>>, vector<1x16xi32>,
        %get3A_414 = vector.shape_cast %get3A_413 : vector<1x16xi32> to vector<16xi32>
        %and3A_415 = arith.constant 32767 : i32
        %and3A_416 = vector.broadcast %and3A_415 : i32 to vector<16xi32>
        %and3A_417 = arith.andi %get3A_414, %and3A_416 : vector<16xi32>
        %swap3A_418 = arith.constant 16 : index
        %swap3A_419 = tpu.vector_load %arg11[%swap3A_418] {strides = array<i32>} : memref<128xi32, #tpu.memory_space<vmem>>, vector<16xi32>,
        %swap3A_420 = vector.shape_cast %swap3A_419 : vector<16xi32> to vector<16xi32>
        %swap3A_421 = vector.shape_cast %and3A_417 : vector<16xi32> to vector<16xi32>
        tpu.vector_store %arg11[%swap3A_418], %swap3A_421 {strides = array<i32>} : memref<128xi32, #tpu.memory_space<vmem>>, vector<16xi32>,
        %shift_right_arithmetic3A_422 = arith.constant 15 : i32
        %shift_right_arithmetic3A_423 = vector.broadcast %shift_right_arithmetic3A_422 : i32 to vector<16xi32>
        %shift_right_arithmetic3A_424 = arith.shrsi %get3A_414, %shift_right_arithmetic3A_423 : vector<16xi32>
        %swap3A_425 = arith.constant 16 : index
        %swap3A_426 = tpu.vector_load %arg13[%swap3A_425] {strides = array<i32>} : memref<128xi32, #tpu.memory_space<vmem>>, vector<16xi32>,
        %swap3A_427 = vector.shape_cast %swap3A_426 : vector<16xi32> to vector<16xi32>
        %swap3A_428 = vector.shape_cast %shift_right_arithmetic3A_424 : vector<16xi32> to vector<16xi32>
        tpu.vector_store %arg13[%swap3A_425], %swap3A_428 {strides = array<i32>} : memref<128xi32, #tpu.memory_space<vmem>>, vector<16xi32>,
        %get3A_429 = arith.index_cast %add3A_392 : i32 to index
        %get3A_430 = arith.constant 32 : index
        %get3A_431 = tpu.vector_load %arg9[%get3A_429, %get3A_430] {strides = array<i32>} : memref<160x128xi32, #tpu.memory_space<vmem>>, vector<1x16xi32>,
        %get3A_432 = vector.shape_cast %get3A_431 : vector<1x16xi32> to vector<16xi32>
        %and3A_433 = arith.constant 32767 : i32
        %and3A_434 = vector.broadcast %and3A_433 : i32 to vector<16xi32>
        %and3A_435 = arith.andi %get3A_432, %and3A_434 : vector<16xi32>
        %swap3A_436 = arith.constant 32 : index
        %swap3A_437 = tpu.vector_load %arg11[%swap3A_436] {strides = array<i32>} : memref<128xi32, #tpu.memory_space<vmem>>, vector<16xi32>,
        %swap3A_438 = vector.shape_cast %swap3A_437 : vector<16xi32> to vector<16xi32>
        %swap3A_439 = vector.shape_cast %and3A_435 : vector<16xi32> to vector<16xi32>
        tpu.vector_store %arg11[%swap3A_436], %swap3A_439 {strides = array<i32>} : memref<128xi32, #tpu.memory_space<vmem>>, vector<16xi32>,
        %shift_right_arithmetic3A_440 = arith.constant 15 : i32
        %shift_right_arithmetic3A_441 = vector.broadcast %shift_right_arithmetic3A_440 : i32 to vector<16xi32>
        %shift_right_arithmetic3A_442 = arith.shrsi %get3A_432, %shift_right_arithmetic3A_441 : vector<16xi32>
        %swap3A_443 = arith.constant 32 : index
        %swap3A_444 = tpu.vector_load %arg13[%swap3A_443] {strides = array<i32>} : memref<128xi32, #tpu.memory_space<vmem>>, vector<16xi32>,
        %swap3A_445 = vector.shape_cast %swap3A_444 : vector<16xi32> to vector<16xi32>
        %swap3A_446 = vector.shape_cast %shift_right_arithmetic3A_442 : vector<16xi32> to vector<16xi32>
        tpu.vector_store %arg13[%swap3A_443], %swap3A_446 {strides = array<i32>} : memref<128xi32, #tpu.memory_space<vmem>>, vector<16xi32>,
        %get3A_447 = arith.index_cast %add3A_392 : i32 to index
        %get3A_448 = arith.constant 48 : index
        %get3A_449 = tpu.vector_load %arg9[%get3A_447, %get3A_448] {strides = array<i32>} : memref<160x128xi32, #tpu.memory_space<vmem>>, vector<1x16xi32>,
        %get3A_450 = vector.shape_cast %get3A_449 : vector<1x16xi32> to vector<16xi32>
        %and3A_451 = arith.constant 32767 : i32
        %and3A_452 = vector.broadcast %and3A_451 : i32 to vector<16xi32>
        %and3A_453 = arith.andi %get3A_450, %and3A_452 : vector<16xi32>
        %swap3A_454 = arith.constant 48 : index
        %swap3A_455 = tpu.vector_load %arg11[%swap3A_454] {strides = array<i32>} : memref<128xi32, #tpu.memory_space<vmem>>, vector<16xi32>,
        %swap3A_456 = vector.shape_cast %swap3A_455 : vector<16xi32> to vector<16xi32>
        %swap3A_457 = vector.shape_cast %and3A_453 : vector<16xi32> to vector<16xi32>
        tpu.vector_store %arg11[%swap3A_454], %swap3A_457 {strides = array<i32>} : memref<128xi32, #tpu.memory_space<vmem>>, vector<16xi32>,
        %shift_right_arithmetic3A_458 = arith.constant 15 : i32
        %shift_right_arithmetic3A_459 = vector.broadcast %shift_right_arithmetic3A_458 : i32 to vector<16xi32>
        %shift_right_arithmetic3A_460 = arith.shrsi %get3A_450, %shift_right_arithmetic3A_459 : vector<16xi32>
        %swap3A_461 = arith.constant 48 : index
        %swap3A_462 = tpu.vector_load %arg13[%swap3A_461] {strides = array<i32>} : memref<128xi32, #tpu.memory_space<vmem>>, vector<16xi32>,
        %swap3A_463 = vector.shape_cast %swap3A_462 : vector<16xi32> to vector<16xi32>
        %swap3A_464 = vector.shape_cast %shift_right_arithmetic3A_460 : vector<16xi32> to vector<16xi32>
        tpu.vector_store %arg13[%swap3A_461], %swap3A_464 {strides = array<i32>} : memref<128xi32, #tpu.memory_space<vmem>>, vector<16xi32>,
        %get3A_465 = arith.index_cast %add3A_392 : i32 to index
        %get3A_466 = arith.constant 64 : index
        %get3A_467 = tpu.vector_load %arg9[%get3A_465, %get3A_466] {strides = array<i32>} : memref<160x128xi32, #tpu.memory_space<vmem>>, vector<1x16xi32>,
        %get3A_468 = vector.shape_cast %get3A_467 : vector<1x16xi32> to vector<16xi32>
        %and3A_469 = arith.constant 32767 : i32
        %and3A_470 = vector.broadcast %and3A_469 : i32 to vector<16xi32>
        %and3A_471 = arith.andi %get3A_468, %and3A_470 : vector<16xi32>
        %swap3A_472 = arith.constant 64 : index
        %swap3A_473 = tpu.vector_load %arg11[%swap3A_472] {strides = array<i32>} : memref<128xi32, #tpu.memory_space<vmem>>, vector<16xi32>,
        %swap3A_474 = vector.shape_cast %swap3A_473 : vector<16xi32> to vector<16xi32>
        %swap3A_475 = vector.shape_cast %and3A_471 : vector<16xi32> to vector<16xi32>
        tpu.vector_store %arg11[%swap3A_472], %swap3A_475 {strides = array<i32>} : memref<128xi32, #tpu.memory_space<vmem>>, vector<16xi32>,
        %shift_right_arithmetic3A_476 = arith.constant 15 : i32
        %shift_right_arithmetic3A_477 = vector.broadcast %shift_right_arithmetic3A_476 : i32 to vector<16xi32>
        %shift_right_arithmetic3A_478 = arith.shrsi %get3A_468, %shift_right_arithmetic3A_477 : vector<16xi32>
        %swap3A_479 = arith.constant 64 : index
        %swap3A_480 = tpu.vector_load %arg13[%swap3A_479] {strides = array<i32>} : memref<128xi32, #tpu.memory_space<vmem>>, vector<16xi32>,
        %swap3A_481 = vector.shape_cast %swap3A_480 : vector<16xi32> to vector<16xi32>
        %swap3A_482 = vector.shape_cast %shift_right_arithmetic3A_478 : vector<16xi32> to vector<16xi32>
        tpu.vector_store %arg13[%swap3A_479], %swap3A_482 {strides = array<i32>} : memref<128xi32, #tpu.memory_space<vmem>>, vector<16xi32>,
        %get3A_483 = arith.index_cast %add3A_392 : i32 to index
        %get3A_484 = arith.constant 80 : index
        %get3A_485 = tpu.vector_load %arg9[%get3A_483, %get3A_484] {strides = array<i32>} : memref<160x128xi32, #tpu.memory_space<vmem>>, vector<1x16xi32>,
        %get3A_486 = vector.shape_cast %get3A_485 : vector<1x16xi32> to vector<16xi32>
        %and3A_487 = arith.constant 32767 : i32
        %and3A_488 = vector.broadcast %and3A_487 : i32 to vector<16xi32>
        %and3A_489 = arith.andi %get3A_486, %and3A_488 : vector<16xi32>
        %swap3A_490 = arith.constant 80 : index
        %swap3A_491 = tpu.vector_load %arg11[%swap3A_490] {strides = array<i32>} : memref<128xi32, #tpu.memory_space<vmem>>, vector<16xi32>,
        %swap3A_492 = vector.shape_cast %swap3A_491 : vector<16xi32> to vector<16xi32>
        %swap3A_493 = vector.shape_cast %and3A_489 : vector<16xi32> to vector<16xi32>
        tpu.vector_store %arg11[%swap3A_490], %swap3A_493 {strides = array<i32>} : memref<128xi32, #tpu.memory_space<vmem>>, vector<16xi32>,
        %shift_right_arithmetic3A_494 = arith.constant 15 : i32
        %shift_right_arithmetic3A_495 = vector.broadcast %shift_right_arithmetic3A_494 : i32 to vector<16xi32>
        %shift_right_arithmetic3A_496 = arith.shrsi %get3A_486, %shift_right_arithmetic3A_495 : vector<16xi32>
        %swap3A_497 = arith.constant 80 : index
        %swap3A_498 = tpu.vector_load %arg13[%swap3A_497] {strides = array<i32>} : memref<128xi32, #tpu.memory_space<vmem>>, vector<16xi32>,
        %swap3A_499 = vector.shape_cast %swap3A_498 : vector<16xi32> to vector<16xi32>
        %swap3A_500 = vector.shape_cast %shift_right_arithmetic3A_496 : vector<16xi32> to vector<16xi32>
        tpu.vector_store %arg13[%swap3A_497], %swap3A_500 {strides = array<i32>} : memref<128xi32, #tpu.memory_space<vmem>>, vector<16xi32>,
        %get3A_501 = arith.index_cast %add3A_392 : i32 to index
        %get3A_502 = arith.constant 96 : index
        %get3A_503 = tpu.vector_load %arg9[%get3A_501, %get3A_502] {strides = array<i32>} : memref<160x128xi32, #tpu.memory_space<vmem>>, vector<1x16xi32>,
        %get3A_504 = vector.shape_cast %get3A_503 : vector<1x16xi32> to vector<16xi32>
        %and3A_505 = arith.constant 32767 : i32
        %and3A_506 = vector.broadcast %and3A_505 : i32 to vector<16xi32>
        %and3A_507 = arith.andi %get3A_504, %and3A_506 : vector<16xi32>
        %swap3A_508 = arith.constant 96 : index
        %swap3A_509 = tpu.vector_load %arg11[%swap3A_508] {strides = array<i32>} : memref<128xi32, #tpu.memory_space<vmem>>, vector<16xi32>,
        %swap3A_510 = vector.shape_cast %swap3A_509 : vector<16xi32> to vector<16xi32>
        %swap3A_511 = vector.shape_cast %and3A_507 : vector<16xi32> to vector<16xi32>
        tpu.vector_store %arg11[%swap3A_508], %swap3A_511 {strides = array<i32>} : memref<128xi32, #tpu.memory_space<vmem>>, vector<16xi32>,
        %shift_right_arithmetic3A_512 = arith.constant 15 : i32
        %shift_right_arithmetic3A_513 = vector.broadcast %shift_right_arithmetic3A_512 : i32 to vector<16xi32>
        %shift_right_arithmetic3A_514 = arith.shrsi %get3A_504, %shift_right_arithmetic3A_513 : vector<16xi32>
        %swap3A_515 = arith.constant 96 : index
        %swap3A_516 = tpu.vector_load %arg13[%swap3A_515] {strides = array<i32>} : memref<128xi32, #tpu.memory_space<vmem>>, vector<16xi32>,
        %swap3A_517 = vector.shape_cast %swap3A_516 : vector<16xi32> to vector<16xi32>
        %swap3A_518 = vector.shape_cast %shift_right_arithmetic3A_514 : vector<16xi32> to vector<16xi32>
        tpu.vector_store %arg13[%swap3A_515], %swap3A_518 {strides = array<i32>} : memref<128xi32, #tpu.memory_space<vmem>>, vector<16xi32>,
        %get3A_519 = arith.index_cast %add3A_392 : i32 to index
        %get3A_520 = arith.constant 112 : index
        %get3A_521 = tpu.vector_load %arg9[%get3A_519, %get3A_520] {strides = array<i32>} : memref<160x128xi32, #tpu.memory_space<vmem>>, vector<1x16xi32>,
        %get3A_522 = vector.shape_cast %get3A_521 : vector<1x16xi32> to vector<16xi32>
        %and3A_523 = arith.constant 32767 : i32
        %and3A_524 = vector.broadcast %and3A_523 : i32 to vector<16xi32>
        %and3A_525 = arith.andi %get3A_522, %and3A_524 : vector<16xi32>
        %swap3A_526 = arith.constant 112 : index
        %swap3A_527 = tpu.vector_load %arg11[%swap3A_526] {strides = array<i32>} : memref<128xi32, #tpu.memory_space<vmem>>, vector<16xi32>,
        %swap3A_528 = vector.shape_cast %swap3A_527 : vector<16xi32> to vector<16xi32>
        %swap3A_529 = vector.shape_cast %and3A_525 : vector<16xi32> to vector<16xi32>
        tpu.vector_store %arg11[%swap3A_526], %swap3A_529 {strides = array<i32>} : memref<128xi32, #tpu.memory_space<vmem>>, vector<16xi32>,
        %shift_right_arithmetic3A_530 = arith.constant 15 : i32
        %shift_right_arithmetic3A_531 = vector.broadcast %shift_right_arithmetic3A_530 : i32 to vector<16xi32>
        %shift_right_arithmetic3A_532 = arith.shrsi %get3A_522, %shift_right_arithmetic3A_531 : vector<16xi32>
        %swap3A_533 = arith.constant 112 : index
        %swap3A_534 = tpu.vector_load %arg13[%swap3A_533] {strides = array<i32>} : memref<128xi32, #tpu.memory_space<vmem>>, vector<16xi32>,
        %swap3A_535 = vector.shape_cast %swap3A_534 : vector<16xi32> to vector<16xi32>
        %swap3A_536 = vector.shape_cast %shift_right_arithmetic3A_532 : vector<16xi32> to vector<16xi32>
        tpu.vector_store %arg13[%swap3A_533], %swap3A_536 {strides = array<i32>} : memref<128xi32, #tpu.memory_space<vmem>>, vector<16xi32>,
        %add3A_537 = arith.constant 2 : i32
        %add3A_538 = arith.addi %add3A_361, %add3A_537 : i32
        %dma_start3A_539 = arith.constant 0 : i32
        %dma_start3A_540 = tpu.memref_slice %arg4[%arg1, %add3A_538, %dma_start3A_539] : memref<16x160x128xf32, #tpu.memory_space<hbm>> -> memref<1x1x128xf32, #tpu.memory_space<hbm>>
        %dma_start3A_541 = tpu.memref_squeeze %dma_start3A_540 : memref<1x1x128xf32, #tpu.memory_space<hbm>> -> memref<128xf32, #tpu.memory_space<hbm>>
        %dma_start3A_542 = arith.constant 0 : i32
        %dma_start3A_543 = tpu.memref_slice %arg4[%arg1, %add3A_538, %dma_start3A_542] : memref<16x160x128xf32, #tpu.memory_space<hbm>> -> memref<1x1x128xf32, #tpu.memory_space<hbm>>
        %dma_start3A_544 = tpu.memref_squeeze %dma_start3A_543 : memref<1x1x128xf32, #tpu.memory_space<hbm>> -> memref<128xf32, #tpu.memory_space<hbm>>
        tpu.enqueue_dma source(%dma_start3A_544 : memref<128xf32, #tpu.memory_space<hbm>>) target(%arg15 : memref<128xf32, #tpu.memory_space<vmem>>) target_semaphore(%arg23 : memref<!tpu.dma_semaphore, #tpu.memory_space<semaphore_mem>>)
        %dma_start3A_545 = arith.constant 0 : i32
        %dma_start3A_546 = arith.constant 0 : i32
        %dma_start3A_547 = tpu.memref_slice %arg7[%dma_start3A_545, %dma_start3A_546] : memref<10240x64xf32, #tpu.memory_space<vmem_shared>> -> memref<10240x64xf32, #tpu.memory_space<vmem_shared>>
        tpu.enqueue_indirect_dma source(%dma_start3A_547 : memref<10240x64xf32, #tpu.memory_space<vmem_shared>>) target(%arg17 : memref<128x64xf32, #tpu.memory_space<vmem>>) offsets(%arg11 : memref<128xi32, #tpu.memory_space<vmem>>) semaphore(%arg19 : memref<!tpu.dma_semaphore, #tpu.memory_space<semaphore_mem>>)
      } else {
      }
    }
    %scan3A_324 = arith.constant 80 : i32
    %dma_wait3A = arith.constant 0 : i32
    %dma_wait3A_325 = arith.constant 0 : i32
    %dma_wait3A_326 = tpu.memref_slice %arg8[%dma_wait3A, %dma_wait3A_325] : memref<10240x64xf32, #tpu.memory_space<vmem_shared>> -> memref<10240x64xf32, #tpu.memory_space<vmem_shared>>
    tpu.wait_indirect_dma semaphore(%arg20 : memref<!tpu.dma_semaphore, #tpu.memory_space<semaphore_mem>>) src(%arg16 : memref<128x64xf32, #tpu.memory_space<vmem>>) dst(%dma_wait3A_326 : memref<10240x64xf32, #tpu.memory_space<vmem_shared>>)
    %dma_wait3A_327 = arith.constant 0 : i32
    %dma_wait3A_328 = arith.constant 0 : i32
    %dma_wait3A_329 = tpu.memref_slice %arg8[%dma_wait3A_327, %dma_wait3A_328] : memref<10240x64xf32, #tpu.memory_space<vmem_shared>> -> memref<10240x64xf32, #tpu.memory_space<vmem_shared>>
    tpu.wait_indirect_dma semaphore(%arg21 : memref<!tpu.dma_semaphore, #tpu.memory_space<semaphore_mem>>) src(%arg17 : memref<128x64xf32, #tpu.memory_space<vmem>>) dst(%dma_wait3A_329 : memref<10240x64xf32, #tpu.memory_space<vmem_shared>>)
    %barrier3A_330 = arith.constant 0 : index
    tpu.barrier barrier_id(%barrier3A_330)
    "tpu.region"() ({
      %run_scoped3A = tpu.sem_alloc : memref<!tpu.dma_semaphore, #tpu.memory_space<semaphore_mem>>
      %dma_start3A_331 = arith.constant 0 : i32
      %dma_start3A_332 = tpu.memref_slice %arg6[%arg0, %mul3A_0, %dma_start3A_331] : memref<2x10240x64xf32, #tpu.memory_space<hbm>> -> memref<1x640x64xf32, #tpu.memory_space<hbm>>
      %dma_start3A_333 = tpu.memref_squeeze %dma_start3A_332 : memref<1x640x64xf32, #tpu.memory_space<hbm>> -> memref<640x64xf32, #tpu.memory_space<hbm>>
      %dma_start3A_334 = arith.constant 0 : i32
      %dma_start3A_335 = tpu.memref_slice %arg8[%mul3A_0, %dma_start3A_334] : memref<10240x64xf32, #tpu.memory_space<vmem_shared>> -> memref<640x64xf32, #tpu.memory_space<vmem_shared>>
      tpu.enqueue_dma source(%dma_start3A_335 : memref<640x64xf32, #tpu.memory_space<vmem_shared>>) target(%dma_start3A_333 : memref<640x64xf32, #tpu.memory_space<hbm>>) target_semaphore(%run_scoped3A : memref<!tpu.dma_semaphore, #tpu.memory_space<semaphore_mem>>)
      %dma_wait3A_336 = arith.constant 0 : i32
      %dma_wait3A_337 = tpu.memref_slice %arg6[%arg0, %mul3A_0, %dma_wait3A_336] : memref<2x10240x64xf32, #tpu.memory_space<hbm>> -> memref<1x640x64xf32, #tpu.memory_space<hbm>>
      %dma_wait3A_338 = tpu.memref_squeeze %dma_wait3A_337 : memref<1x640x64xf32, #tpu.memory_space<hbm>> -> memref<640x64xf32, #tpu.memory_space<hbm>>
      %dma_wait3A_339 = arith.constant 0 : i32
      %dma_wait3A_340 = tpu.memref_slice %arg8[%mul3A_0, %dma_wait3A_339] : memref<10240x64xf32, #tpu.memory_space<vmem_shared>> -> memref<640x64xf32, #tpu.memory_space<vmem_shared>>
      tpu.wait_dma2 semaphore(%run_scoped3A : memref<!tpu.dma_semaphore, #tpu.memory_space<semaphore_mem>>) src(%dma_wait3A_340 : memref<640x64xf32, #tpu.memory_space<vmem_shared>>) dst(%dma_wait3A_338 : memref<640x64xf32, #tpu.memory_space<hbm>>)
      tpu.yield
    }) : () -> ()
    return
  }
}

module attributes {stable_mosaic.version = 14 : i64} {
  func.func @_mm_body(%arg0: i32, %arg1: memref<2000x128xf32, #tpu.memory_space<vmem>>, %arg2: memref<2x128x64xf32, #tpu.memory_space<vmem>>, %arg3: memref<2x2000x64xf32, #tpu.memory_space<vmem>>) attributes {dimension_semantics = [#tpu.dimension_semantics<arbitrary>], iteration_bounds = array<i64: 5>, scalar_prefetch = 0 : i64, scratch_operands = 0 : i64, tpu.core_type = #tpu.core_type<tc>, window_params = [{transform_indices = @transform_0, window_bounds = array<i64: 2000, 128>}, {pipeline_mode = #tpu.pipeline_mode<synchronous>, transform_indices = @transform_1, window_bounds = array<i64: 2, 128, 64>}, {transform_indices = @transform_2, window_bounds = array<i64: 2, 2000, 64>}]} {
    %get3A = arith.constant 0 : index
    %get3A_0 = arith.constant 0 : index
    %get3A_1 = vector.load %arg1[%get3A, %get3A_0] : memref<2000x128xf32, #tpu.memory_space<vmem>>, vector<2000x128xf32>
    %get3A_2 = arith.constant 0 : index
    %get3A_3 = arith.constant 0 : index
    %get3A_4 = arith.constant 0 : index
    %get3A_5 = vector.load %arg2[%get3A_2, %get3A_3, %get3A_4] : memref<2x128x64xf32, #tpu.memory_space<vmem>>, vector<1x128x64xf32>
    %get3A_6 = vector.shape_cast %get3A_5 : vector<1x128x64xf32> to vector<128x64xf32>
    %dot_general3A = arith.constant dense<0.000000e+00> : vector<2000x64xf32>
    %dot_general3A_7 = tpu.matmul %get3A_1, %get3A_6, %dot_general3A {dimension_numbers = #tpu.dot_dimension_numbers<[1], [0], [0], [1], [0, 0, 1, 1], [], []>, transpose_lhs_hint = false} : vector<2000x128xf32>, vector<128x64xf32>, vector<2000x64xf32> -> vector<2000x64xf32>
    %swap3A = arith.constant 0 : index
    %swap3A_8 = arith.constant 0 : index
    %swap3A_9 = arith.constant 0 : index
    %swap3A_10 = vector.load %arg3[%swap3A, %swap3A_8, %swap3A_9] : memref<2x2000x64xf32, #tpu.memory_space<vmem>>, vector<1x2000x64xf32>
    %swap3A_11 = vector.shape_cast %swap3A_10 : vector<1x2000x64xf32> to vector<2000x64xf32>
    %swap3A_12 = vector.shape_cast %dot_general3A_7 : vector<2000x64xf32> to vector<1x2000x64xf32>
    tpu.vector_store %arg3[%swap3A, %swap3A_8, %swap3A_9], %swap3A_12 {strides = array<i32>} : memref<2x2000x64xf32, #tpu.memory_space<vmem>>, vector<1x2000x64xf32>,
    %get3A_13 = arith.constant 0 : index
    %get3A_14 = arith.constant 0 : index
    %get3A_15 = vector.load %arg1[%get3A_13, %get3A_14] : memref<2000x128xf32, #tpu.memory_space<vmem>>, vector<2000x128xf32>
    %get3A_16 = arith.constant 1 : index
    %get3A_17 = arith.constant 0 : index
    %get3A_18 = arith.constant 0 : index
    %get3A_19 = vector.load %arg2[%get3A_16, %get3A_17, %get3A_18] : memref<2x128x64xf32, #tpu.memory_space<vmem>>, vector<1x128x64xf32>
    %get3A_20 = vector.shape_cast %get3A_19 : vector<1x128x64xf32> to vector<128x64xf32>
    %dot_general3A_21 = arith.constant dense<0.000000e+00> : vector<2000x64xf32>
    %dot_general3A_22 = tpu.matmul %get3A_15, %get3A_20, %dot_general3A_21 {dimension_numbers = #tpu.dot_dimension_numbers<[1], [0], [0], [1], [0, 0, 1, 1], [], []>, transpose_lhs_hint = false} : vector<2000x128xf32>, vector<128x64xf32>, vector<2000x64xf32> -> vector<2000x64xf32>
    %swap3A_23 = arith.constant 1 : index
    %swap3A_24 = arith.constant 0 : index
    %swap3A_25 = arith.constant 0 : index
    %swap3A_26 = vector.load %arg3[%swap3A_23, %swap3A_24, %swap3A_25] : memref<2x2000x64xf32, #tpu.memory_space<vmem>>, vector<1x2000x64xf32>
    %swap3A_27 = vector.shape_cast %swap3A_26 : vector<1x2000x64xf32> to vector<2000x64xf32>
    %swap3A_28 = vector.shape_cast %dot_general3A_22 : vector<2000x64xf32> to vector<1x2000x64xf32>
    tpu.vector_store %arg3[%swap3A_23, %swap3A_24, %swap3A_25], %swap3A_28 {strides = array<i32>} : memref<2x2000x64xf32, #tpu.memory_space<vmem>>, vector<1x2000x64xf32>,
    return
  }
  func.func @transform_0(%arg0: i32) -> (i32, i32) {
    %c0_i32 = arith.constant 0 : i32
    %c0_i32_0 = arith.constant 0 : i32
    return %arg0, %c0_i32 : i32, i32
  }
  func.func @transform_1(%arg0: i32) -> (i32, i32, i32) {
    %c0_i32 = arith.constant 0 : i32
    %c0_i32_0 = arith.constant 0 : i32
    %c0_i32_1 = arith.constant 0 : i32
    %c0_i32_2 = arith.constant 0 : i32
    return %c0_i32, %c0_i32_0, %c0_i32_1 : i32, i32, i32
  }
  func.func @transform_2(%arg0: i32) -> (i32, i32, i32) {
    %c0_i32 = arith.constant 0 : i32
    %c0_i32_0 = arith.constant 0 : i32
    %c0_i32_1 = arith.constant 0 : i32
    return %c0_i32, %arg0, %c0_i32_0 : i32, i32, i32
  }
}

module attributes {stable_mosaic.version = 14 : i64} {
  func.func @_comb_body(%arg0: i32, %arg1: memref<2x1000x64xf32, #tpu.memory_space<vmem>>, %arg2: memref<1000x128xf32, #tpu.memory_space<vmem>>) attributes {dimension_semantics = [#tpu.dimension_semantics<arbitrary>], iteration_bounds = array<i64: 10>, scalar_prefetch = 0 : i64, scratch_operands = 0 : i64, tpu.core_type = #tpu.core_type<tc>, window_params = [{transform_indices = @transform_0, window_bounds = array<i64: 2, 1000, 64>}, {transform_indices = @transform_1, window_bounds = array<i64: 1000, 128>}]} {
    %get3A = arith.constant 0 : index
    %get3A_0 = arith.constant 0 : index
    %get3A_1 = arith.constant 0 : index
    %get3A_2 = vector.load %arg1[%get3A, %get3A_0, %get3A_1] : memref<2x1000x64xf32, #tpu.memory_space<vmem>>, vector<1x1000x64xf32>
    %get3A_3 = vector.shape_cast %get3A_2 : vector<1x1000x64xf32> to vector<1000x64xf32>
    %get3A_4 = arith.constant 1 : index
    %get3A_5 = arith.constant 0 : index
    %get3A_6 = arith.constant 0 : index
    %get3A_7 = vector.load %arg1[%get3A_4, %get3A_5, %get3A_6] : memref<2x1000x64xf32, #tpu.memory_space<vmem>>, vector<1x1000x64xf32>
    %get3A_8 = vector.shape_cast %get3A_7 : vector<1x1000x64xf32> to vector<1000x64xf32>
    %concatenate3A = tpu.concatenate %get3A_3, %get3A_8 in 1 : vector<1000x64xf32>, vector<1000x64xf32> -> vector<1000x128xf32>
    %swap3A = arith.constant 0 : index
    %swap3A_9 = arith.constant 0 : index
    %swap3A_10 = vector.load %arg2[%swap3A, %swap3A_9] : memref<1000x128xf32, #tpu.memory_space<vmem>>, vector<1000x128xf32>
    tpu.vector_store %arg2[%swap3A, %swap3A_9], %concatenate3A {strides = array<i32>} : memref<1000x128xf32, #tpu.memory_space<vmem>>, vector<1000x128xf32>,
    return
  }
  func.func @transform_0(%arg0: i32) -> (i32, i32, i32) {
    %c0_i32 = arith.constant 0 : i32
    %c0_i32_0 = arith.constant 0 : i32
    %c0_i32_1 = arith.constant 0 : i32
    return %c0_i32, %arg0, %c0_i32_0 : i32, i32, i32
  }
  func.func @transform_1(%arg0: i32) -> (i32, i32) {
    %c0_i32 = arith.constant 0 : i32
    %c0_i32_0 = arith.constant 0 : i32
    return %arg0, %c0_i32 : i32, i32
  }
}

</mosaic_0001>

<sc_bundles>
// kernel: kernel.5.cloned.1.call-start
scs
__scs_entry_jumppad:
0x0: {  	(pc) =	sbr.rel $0x88, $3  }
0x1: {  	(tag) =	ssettag $0x0;
	lr =	simm.s32 $0x1  }
0x2: {  	[smem:$0x3F9C] =	sst lr;
	_ =	strace $0xD0000000  }
0x3: {  	_ = 	snop  }
0x4: {  	_ = 	snop  }
0x5: {  	_ = 	snop  }
0x6: {  	_ = 	snop  }
0x7: {  	_ = 	snop  }
__scs_overlays_trampoline_lowered:
0x8: {  	[smem:$0x3FAB] =	sst s0  }
0x9: {  	[smem:$0x3FAC] =	sst s1  }
0xa: {  	[smem:$0x3FAD] =	sst s2  }
0xb: {  	[smem:$0x3FAE] =	sst s3  }
0xc: {  	[smem:$0x3FAF] =	sst s4  }
0xd: {  	[smem:$0x3FB0] =	sst s5  }
0xe: {  	[smem:$0x3FB1] =	sst s6  }
0xf: {  	[smem:$0x3FB2] =	sst s7  }
0x10: {  	[smem:$0x3FB3] =	sst s8  }
0x11: {  	[smem:$0x3FB4] =	sst s9;
	s0 =	simm.s32 @!p0 $0x0  }
0x12: {  	s1 =	sld [smem:$0x3F9A];
	s0 =	simm.s32 @p0 $0x1  }
0x13: {  	[smem:$0x3FB5] =	sst s0;
	s0 =	simm.s32 @!p1 $0x0  }
0x14: {  	s2 =	sld [smem:$0x3F99];
	s0 =	simm.s32 @p1 $0x1  }
0x15: {  	[smem:$0x3FB6] =	sst s0;
	s0 =	simm.s32 @!p2 $0x0  }
0x16: {  	s3 =	sld [smem:$0x3FDB];
	s0 =	simm.s32 @p2 $0x1  }
0x17: {  	s4 =	simm.s32 $0x1BF5;
	[smem:$0x3FB8] =	sst s0  }
0x18: {  	s0 =	sld [smem:$0x3F9B];
	_ =	swait.ge [sflag:s4], $0x0  }
0x19: {  	s7 =	sld [smem:$0x3F9C]  }
0x1a: {  	s8 =	sadd.s32 $0xFFFFE003, lr  }
0x1b: {  	s9 =	sadd.s32 $0xFFFFFEF7, lr;
	s5 =	simm.s32 $0xFFFFFFFF;
	p2 =	slt.u32 s8, $0xFFFFF086  }
0x1c: {  	p1 =	slt.u32 s9, $0xF7A;
	s5 =	simm.s32 @!p2 $0x0  }
0x1d: {  	s5 =	simm.s32 @p1 $0x1;
	p0 =	seq.s32 s7, s2  }
0x1e: {  	s7 =	smul.u32 @!p0 $0xF7A, s2;
	p2 =	seq.s32 @!p0 s5, $0x0  }
0x1f: {  	s9 =	smul.u32 $0xF7A, s1;
	s8 =	simm.s32 @!p0 $0x1BF5;
	p2 =	por !p2, p0  }
0x20: {  	[sflag:s8] =	ssyncset.s32 @!p0 $0xFFFFF086;
	s6 =	sadd.s32 @!p0 s3, s7;
	s7 =	simm.s32 @!p0 $0x108  }
0x21: {  	s3 =	sadd.s32 s3, s9;
	s6 =	sadd.s32 @!p0 $0x88, s6;
	s7 =	simm.s32 @p2 $0x1082  }
0x22: {  	[simem:s7], [sflag:s8] =	dma.local @!p0 [hbm:s6], $0xF7A  }
0x23: {  	s9 =	sor.u32 $0xD0000000, s2;
	s6 =	simm.s32 $0x108;
	_ =	swait.ge @!p0 [sflag:s8], $0x0  }
0x24: {  	s3 =	sadd.s32 $0x88, s3;
	s6 =	simm.s32 @!p1 $0x1082;
	[sflag:s4] =	ssyncset.s32 $0xFFFFF086  }
0x25: {  	[simem:s6], [sflag:s4] =	dma.local [hbm:s3], $0xF7A  }
0x26: {  	[smem:$0x3F9C] =	sst s1;
	(tag) =	ssettag s2;
	_ =	strace s9  }
0x27: {  	s1 =	sld [smem:$0x3FAC]  }
0x28: {  	s2 =	sld [smem:$0x3FAD]  }
0x29: {  	s4 =	sld [smem:$0x3FAF]  }
0x2a: {  	p0 =	seq.s32 s5, $0x0;
	s5 =	sld [smem:$0x3FB0]  }
0x2b: {  	s6 =	sld [smem:$0x3FB1]  }
0x2c: {  	s7 =	sld [smem:$0x3FB2]  }
0x2d: {  	s3 =	simm.s32 $0x108;
	s8 =	sld [smem:$0x3FB3]  }
0x2e: {  	s3 =	simm.s32 @!p0 $0x1082;
	s9 =	sld [smem:$0x3FB4]  }
0x2f: {  	lr =	sadd.s32 s0, s3;
	s0 =	sld [smem:$0x3FAB]  }
0x30: {  	s3 =	sld [smem:$0x3FAE]  }
0x31: {  	[smem:$0x3FB7] =	sst s10  }
0x32: {  	s10 =	sld [smem:$0x3FB5];
	_ =	sdelay $0x3  }
0x33: {  	p0 =	seq.s32 s10, $0x1;
	s10 =	sld [smem:$0x3FB7];
	_ =	sdelay $0x3  }
0x34: {  	[smem:$0x3FB7] =	sst s10  }
0x35: {  	s10 =	sld [smem:$0x3FB6];
	_ =	sdelay $0x3  }
0x36: {  	p1 =	seq.s32 s10, $0x1;
	s10 =	sld [smem:$0x3FB7];
	_ =	sdelay $0x3  }
0x37: {  	[smem:$0x3FB7] =	sst s10  }
0x38: {  	s10 =	sld [smem:$0x3FB8]  }
0x39: {  	_ = 	snop;
	(pc) =	sbr.ind lr, $3  }
0x3a: {  	_ = 	snop  }
0x3b: {  	_ = 	snop  }
0x3c: {  	p2 =	seq.s32 s10, $0x1;
	s10 =	sld [smem:$0x3FB7]  }
0x3d: {  	_ =	shalt  }
0x3e: {  	_ =	shalt  }
0x3f: {  	_ =	shalt  }
0x40: {  	_ =	shalt  }
0x41: {  	_ =	shalt  }
0x42: {  	_ =	shalt  }
0x43: {  	_ =	shalt  }
0x44: {  	_ =	shalt  }
0x45: {  	_ =	shalt  }
0x46: {  	_ =	shalt  }
0x47: {  	_ =	shalt  }
0x48: {  	_ =	shalt  }
0x49: {  	_ =	shalt  }
0x4a: {  	_ =	shalt  }
0x4b: {  	_ =	shalt  }
0x4c: {  	_ =	shalt  }
0x4d: {  	_ =	shalt  }
0x4e: {  	_ =	shalt  }
0x4f: {  	_ =	shalt  }
0x50: {  	_ =	shalt  }
0x51: {  	_ =	shalt  }
0x52: {  	_ =	shalt  }
0x53: {  	_ =	shalt  }
0x54: {  	_ =	shalt  }
0x55: {  	_ =	shalt  }
0x56: {  	_ =	shalt  }
0x57: {  	_ =	shalt  }
0x58: {  	_ =	shalt  }
0x59: {  	_ =	shalt  }
0x5a: {  	_ =	shalt  }
0x5b: {  	_ =	shalt  }
0x5c: {  	_ =	shalt  }
0x5d: {  	_ =	shalt  }
0x5e: {  	_ =	shalt  }
0x5f: {  	_ =	shalt  }
0x60: {  	_ =	shalt  }
0x61: {  	_ =	shalt  }
0x62: {  	_ =	shalt  }
0x63: {  	_ =	shalt  }
0x64: {  	_ =	shalt  }
0x65: {  	_ =	shalt  }
0x66: {  	_ =	shalt  }
0x67: {  	_ =	shalt  }
0x68: {  	_ =	shalt  }
0x69: {  	_ =	shalt  }
0x6a: {  	_ =	shalt  }
0x6b: {  	_ =	shalt  }
0x6c: {  	_ =	shalt  }
0x6d: {  	_ =	shalt  }
0x6e: {  	_ =	shalt  }
0x6f: {  	_ =	shalt  }
0x70: {  	_ =	shalt  }
0x71: {  	_ =	shalt  }
0x72: {  	_ =	shalt  }
0x73: {  	_ =	shalt  }
0x74: {  	_ =	shalt  }
0x75: {  	_ =	shalt  }
0x76: {  	_ =	shalt  }
0x77: {  	_ =	shalt  }
0x78: {  	_ =	shalt  }
0x79: {  	_ =	shalt  }
0x7a: {  	_ =	shalt  }
0x7b: {  	_ =	shalt  }
0x7c: {  	_ =	shalt  }
0x7d: {  	_ =	shalt  }
0x7e: {  	_ =	shalt  }
0x7f: {  	_ =	shalt  }
0x80: {  	_ =	shalt  }
0x81: {  	_ =	shalt  }
0x82: {  	_ =	shalt  }
0x83: {  	_ =	shalt  }
0x84: {  	_ =	shalt  }
0x85: {  	_ =	shalt  }
0x86: {  	_ =	shalt  }
0x87: {  	_ =	shalt  }
.Lfunc_end0:
.L_simem_size_0:
called_computation_lowered:
.L_overlay_start_0:
0x88: {  	s2 =	sld [smem:$0x3FD9]  }
0x89: {  	s3 =	sld [smem:$0x3FFE];
	_ =	sdelay $0x1  }
0x8a: {  	s1 =	srdreg.scid  }
0x8b: {  	s0 =	sand.u32 $0x1, s1  }
0x8c: {  	s17 =	sshll.u32 s0, $0xA;
	s2 =	sadd.s32 s3, s2  }
0x8d: {  	s2 =	sadd.s32 s2, s17  }
0x8e: {  	[smem:$0x3FC3] =	sst s2  }
0x8f: {  	_ = 	snop  }
0x90: {  	s2 =	sld [smem:$0x3FD0];
	(tm) =	ssettm $0x1  }
0x91: {  	s18 =	sld [smem:$0x3FFB];
	_ =	sdelay $0x3  }
0x92: {  	_ =	strace s18  }
0x93: {  	s3 =	sld [smem:$0x3FFC];
	_ =	sdelay $0x3  }
0x94: {  	_ =	strace s3  }
0x95: {  	s3 =	sld [smem:$0x3FFD];
	_ =	sdelay $0x3  }
0x96: {  	_ =	strace s3  }
0x97: {  	_ =	strace $0x8FFFFFFF  }
0x98: {  	s19 =	sld [smem:$0x3FDB];
	_ =	sdelay $0x1  }
0x99: {  	s4 =	simm.s32 $_scs_section_size  }
0x9a: {  	s5 =	simm.s32 $_size__tile_overlayer_lowered;
	s6 =	simm.s32 $_tile_overlayer_lowered  }
0x9b: {  	s22 =	simm.s32 $0x1BFF;
	s21 =	sshll.u32 s6, $0x1;
	s3 =	sadd.s32 s4, s19  }
0x9c: {  	s7 =	simm.s32 $0x0;
	s20 =	sshll.u32 s5, $0x1;
	s5 =	sadd.s32 s21, s3  }
0x9d: {  	[timem:s7], [sflag:s22] =	dma.local [hbm:s5], s20  }
0x9e: {  	_ =	swait.ge [sflag:s22], s20  }
0x9f: {  	s4 =	ssub.s32 $0x0, s20;
	[sflag:s22] =	ssyncset.done $0x0  }
0xa0: {  	[sflag:s22] =	ssyncadd.s32 s4;
	_ =	sdelay $0x1  }
0xa1: {  	s23 =	simm.s32 $0x1B8B  }
0xa2: {  	_ =	swait.ge [sflag:s23], $0x1  }
0xa3: {  	[sflag:s23] =	ssyncset.done $0x0  }
0xa4: {  	s25 =	simm.s32 $0x1B8E;
	s24 =	sld [smem:$0x3FFE];
	[sflag:s23] =	ssyncadd.s32 $0xFFFFFFFF  }
0xa5: {  	s26 =	simm.s32 $execute0_lowered;
	[smem:$0x3FD2] =	sst s25  }
0xa6: {  	s5 =	sshll.u32 s26, $0x1;
	_ =	strace $0x80000046;
	[dreg:$0x1] =	wrdreg $0xFFFFFFFF  }
0xa7: {  	s28 =	simm.s32 $_size_execute0_lowered;
	s3 =	sadd.s32 s3, s5;
	[dreg:$0x0] =	wrdreg $0x0  }
0xa8: {  	s5 =	sshll.u32 s28, $0x1;
	[dreg:$0x2] =	wrdreg s3  }
0xa9: {  	[dreg:$0x3] =	wrdreg s5  }
0xaa: {  	[dreg:$0x4] =	wrdreg $0xC0  }
0xab: {  	_ =	task [dreg:s7], $0x5FFFF  }
0xac: {  	[dreg:$0x1] =	wrdreg $0xFFFFFFFF  }
0xad: {  	[dreg:$0x0] =	wrdreg $0x60  }
0xae: {  	[dreg:$0x2] =	wrdreg s24  }
0xaf: {  	[dreg:$0x3] =	wrdreg s2  }
0xb0: {  	[dreg:$0x4] =	wrdreg $0x0  }
0xb1: {  	[dreg:$0x5] =	wrdreg $0xA0000  }
0xb2: {  	[dreg:$0x6] =	wrdreg $0x9  }
0xb3: {  	_ =	task.clear_ibuf [dreg:s7], $0x7FFFF;
	_ =	strace $0x90000046  }
0xb4: {  	s29 =	simm.s32 $0x9;
	_ =	strace $0x80000048  }
0xb5: {  	_ =	swait.ge [sflag:s29], $0x1  }
0xb6: {  	[sflag:s29] =	ssyncadd.s32 $0xFFFFFFFF  }
0xb7: {  	_ =	strace $0x90000048  }
0xb8: {  	_ =	sfence  }
0xb9: {  	s30 =	sld [smem:$0x0];
	_ =	sdelay $0x2  }
0xba: {  	s31 =	sshll.u32 s1, $0xD;
	s1 =	sshrl.u32 s1, $0x2  }
0xbb: {  	s3 =	sand.u32 $0x4000, s31;
	s1 =	sadd.s32 s1, s30  }
0xbc: {  	s0 =	sor.u32 s3, s0;
	s1 =	sshll.u32 s1, $0x11  }
0xbd: {  	s0 =	sor.u32 s1, s0  }
0xbe: {  	s0 =	sadd.s32 $0x8F2B, s0  }
0xbf: {  	[sflag:s0] =	ssyncadd.remote.s32 $0x1  }
0xc0: {  	_ =	sfence.sel $0xFFFF  }
0xc1: {  	[dreg:$0x0] =	wrdreg $0xFFFFFFFF;
	(pc) =	sbr.abs _section_cstart, $3  }
0xc2: {  	[dreg:$0x1] =	wrdreg $0xFFFFFFFF  }
0xc3: {  	_ =	task.clear_ibuf [dreg:s7], $0x2FFFF;
	_ =	strace $0x9FFFFFFF  }
0xc4: {  	(tm) =	ssettm $0x7FFFFFFF  }
0xc5: {  	_ =	shalt  }
tec
execute0_lowered:
.L_overlay_start_1:
0x0: {  	(tag) =	ssettag $0x1  }
0x1: {  	s0 =	rddreg [dreg:$0x0]  }
0x2: {  	s1 =	rddreg [dreg:$0x1]  }
0x3: {  	s2 =	rddreg [dreg:$0x2];
	s4 =	srdreg.scid  }
0x4: {  	s3 =	rddreg [dreg:$0x3];
	s10 =	stileid.u32  }
0x5: {  	s16 =	simm.s32 $0x7;
	s20 =	simm.s32 $0x80;
	s28 =	simm.s32 $0x5  }
0x6: {  	s29 =	simm.s32 $0x19100;
	s30 =	simm.s32 $0x2;
	s31 =	simm.s32 $0x6  }
0x7: {  	s18 =	simm.s32 $0x4;
	s19 =	simm.s32 $0x0;
	s6 =	sand.u32 $0x1, s4  }
0x8: {  	s4 =	simm.s32 $0x0;
	s7 =	smul.u32 $0xA000, s10;
	s23 =	sshll.u32 s10, $0x6  }
0x9: {  	s5 =	smul.u32 $0xA0000, s6;
	[smem:$0x7FF] =	sst s4;
	s9 =	ssub.s32 $0x2, s6  }
0xa: {  	s6 =	smul.u32 $0x5000, s10;
	_ =	strace $0x80000047;
	s22 =	sshrl.u32 s9, $0x1  }
0xb: {  	s11 =	sadd.s32 s7, s2;
	s8 =	sadd.s32 s7, s5;
	s5 =	sadd.s32 $0x50800, s0  }
0xc: {  	s9 =	ssub.s32 s9, s22;
	s12 =	sshrl.u32 s6, $0x3;
	s7 =	sadd.s32 s7, s3  }
0xd: {  	s15 =	sshrl.u32 s11, $0x3;
	s22 =	simm.s32 $0x19300;
	s8 =	sshrl.u32 s8, $0x3  }
0xe: {  	s10 =	sadd.s32 s5, s12;
	s1 =	sadd.s32 s1, s12;
	s14 =	smax.u32 s9, $0x1  }
0xf: {  	s17 =	sshrl.u32 s7, $0x3;
	s0 =	sadd.s32 s8, s0;
	s8 =	sor.u32 $0x1C07, s23  }
.Ltmp0:
0x10: {  	[dreg:$0x7] =	wrdreg s1;
	s26 =	sadd.s32 $0x10, s10;
	(pc) =	sbr.rel .LBB2_1-.Ltmp0, $4  }
0x11: {  	s23 =	simm.s32 $0x19280;
	s1 =	simm.s32 $0x3;
	s24 =	sadd.s32 $0x800, s0  }
0x12: {  	s25 =	sadd.s32 $0x28800, s0;
	[dreg:$0x8] =	wrdreg s26;
	s13 =	sadd.s32 $0x5A800, s0  }
0x13: {  	s26 =	simm.s32 $0x1;
	s0 =	simm.s32 $0x19180;
	[dreg:$0x5] =	wrdreg s24  }
0x14: {  	[dreg:$0x6] =	wrdreg s25;
	s24 =	simm.s32 $0x19080;
	s25 =	simm.s32 $0x1B300  }
.LBB2_8:
0x15: {  	_ =	swait.ge [sflag:s1], $0x2000  }
0x16: {  	[sflag:s1] =	ssyncset.done $0x0  }
0x17: {  	[sflag:s1] =	ssyncadd.s32 $0xFFFFE000  }
0x18: {  	_ =	swait.ge [sflag:s18], $0x2000  }
0x19: {  	s19 =	sadd.s32 $0x1, s19;
	[sflag:s18] =	ssyncset.done $0x0  }
0x1a: {  	p0 =	sne.s32 s19, s14;
	[sflag:s18] =	ssyncadd.s32 $0xFFFFE000  }
.Ltmp1:
0x1b: {  	[bflag:$0x0] =	sbarrier.arrive $0xFFFF;
	(pc) =	sbr.rel @!p0 .LBB2_9-.Ltmp1, $4  }
0x1c: {  	[hbm:s13], [sflag:s8] =	dma.local [spmem:s17], $0x1400  }
0x1d: {  	_ =	swait.ge [sflag:s16], $0x1400  }
0x1e: {  	[sflag:s16] =	ssyncset.done $0x0  }
0x1f: {  	[sflag:s16] =	ssyncadd.s32 $0xFFFFEC00  }
.LBB2_1:
0x20: {  	s7 =	rddreg [dreg:$0x5]  }
0x21: {  	[spmem:s15], [sflag:s8] =	dma.local [hbm:s7], $0x1400  }
0x22: {  	_ =	swait.ge [sflag:s16], $0x1400  }
0x23: {  	[sflag:s16] =	ssyncset.done $0x0  }
0x24: {  	s12 =	rddreg [dreg:$0x6];
	[sflag:s16] =	ssyncadd.s32 $0xFFFFEC00  }
0x25: {  	[spmem:s17], [sflag:s8] =	dma.local [hbm:s12], $0x1400  }
0x26: {  	_ =	swait.ge [sflag:s16], $0x1400  }
0x27: {  	[sflag:s16] =	ssyncset.done $0x0  }
0x28: {  	s9 =	simm.s32 $0x14000;
	s21 =	rddreg [dreg:$0x7];
	[sflag:s16] =	ssyncadd.s32 $0xFFFFEC00  }
0x29: {  	[tilespmem:s9], [sflag:$0x7] =	stream.linear.gather [hbm4b:s21+s4], $0x5000, $0x38;
	[tilespmem:$0x1D300] =	vst v63  }
0x2a: {  	_ =	swait.ge [sflag:s16], $0x5000  }
0x2b: {  	[sflag:s16] =	ssyncset.done $0x0  }
0x2c: {  	[sflag:s16] =	ssyncadd.s32 $0xFFFFB000  }
0x2d: {  	[bflag:$0x0] =	sbarrier.arrive $0xFFFF  }
0x2e: {  	v0 =	vld [tilespmem:$0x14000];
	_ =	sdelay $0x1  }
0x2f: {  	v1 =	vld [tilespmem:$0x14010];
	_ =	sdelay $0x1  }
0x30: {  	v2 =	vld [tilespmem:$0x14020]  }
0x31: {  	v3 =	vand.u32 $0x7FFF, v0  }
0x32: {  	v22 =	vld [tilespmem:$0x14030];
	v0 =	vshra.s32 v0, $0xF;
	[tilespmem:$0x19000] =	vst v3  }
0x33: {  	v23 =	vand.u32 $0x7FFF, v1;
	[tilespmem:$0x19100] =	vst v0  }
0x34: {  	v25 =	vld [tilespmem:$0x14040];
	v24 =	vshra.s32 v1, $0xF;
	[tilespmem:$0x19010] =	vst v23  }
0x35: {  	v26 =	vand.u32 $0x7FFF, v2;
	[tilespmem:$0x19110] =	vst v24  }
0x36: {  	v28 =	vld [tilespmem:$0x14050];
	v27 =	vshra.s32 v2, $0xF;
	[tilespmem:$0x19020] =	vst v26  }
0x37: {  	v29 =	vand.u32 $0x7FFF, v22;
	[tilespmem:$0x19120] =	vst v27  }
0x38: {  	v31 =	vld [tilespmem:$0x14060];
	v30 =	vshra.s32 v22, $0xF;
	[tilespmem:$0x19030] =	vst v29  }
0x39: {  	v32 =	vand.u32 $0x7FFF, v25;
	[tilespmem:$0x19130] =	vst v30  }
0x3a: {  	v34 =	vld [tilespmem:$0x14070];
	v33 =	vshra.s32 v25, $0xF;
	[tilespmem:$0x19040] =	vst v32  }
0x3b: {  	v35 =	vand.u32 $0x7FFF, v28;
	[tilespmem:$0x19140] =	vst v33  }
0x3c: {  	v36 =	vshra.s32 v28, $0xF;
	[tilespmem:$0x19050] =	vst v35  }
0x3d: {  	v37 =	vand.u32 $0x7FFF, v31;
	[tilespmem:$0x19150] =	vst v36  }
0x3e: {  	v38 =	vshra.s32 v31, $0xF;
	[tilespmem:$0x19060] =	vst v37  }
0x3f: {  	v39 =	vand.u32 $0x7FFF, v34;
	[tilespmem:$0x19160] =	vst v38  }
0x40: {  	v40 =	vshra.s32 v34, $0xF;
	[tilespmem:$0x19070] =	vst v39  }
0x41: {  	s11 =	simm.s32 $0x19200;
	[tilespmem:$0x19170] =	vst v40  }
0x42: {  	[tilespmem:s11], [sflag:$0x5] =	stream.linear.gather [hbm4b:s10+s4], $0x80, $0x38;
	[tilespmem:$0x1D300] =	vst v63  }
0x43: {  	s12 =	simm.s32 $0x19000  }
0x44: {  	[tilespmem:s22], [sflag:$0x1] =	stream.indirect.gather [spmem:s2], $0x40, s12, s20, $0xb8;
	[tilespmem:$0x1D300] =	vst v63  }
0x45: {  	v41 =	vld [tilespmem:$0x14080];
	_ =	sdelay $0x1  }
0x46: {  	v42 =	vld [tilespmem:$0x14090];
	_ =	sdelay $0x1  }
0x47: {  	v43 =	vld [tilespmem:$0x140A0]  }
0x48: {  	v44 =	vand.u32 $0x7FFF, v41  }
0x49: {  	v45 =	vld [tilespmem:$0x140B0];
	v0 =	vshra.s32 v41, $0xF;
	[tilespmem:$0x19080] =	vst v44  }
0x4a: {  	v46 =	vand.u32 $0x7FFF, v42;
	[tilespmem:$0x19180] =	vst v0  }
0x4b: {  	v48 =	vld [tilespmem:$0x140C0];
	v47 =	vshra.s32 v42, $0xF;
	[tilespmem:$0x19090] =	vst v46  }
0x4c: {  	v49 =	vand.u32 $0x7FFF, v43;
	[tilespmem:$0x19190] =	vst v47  }
0x4d: {  	v51 =	vld [tilespmem:$0x140D0];
	v50 =	vshra.s32 v43, $0xF;
	[tilespmem:$0x190A0] =	vst v49  }
0x4e: {  	v52 =	vand.u32 $0x7FFF, v45;
	[tilespmem:$0x191A0] =	vst v50  }
0x4f: {  	v54 =	vld [tilespmem:$0x140E0];
	v53 =	vshra.s32 v45, $0xF;
	[tilespmem:$0x190B0] =	vst v52  }
0x50: {  	v55 =	vand.u32 $0x7FFF, v48;
	[tilespmem:$0x191B0] =	vst v53  }
0x51: {  	v57 =	vld [tilespmem:$0x140F0];
	v56 =	vshra.s32 v48, $0xF;
	[tilespmem:$0x190C0] =	vst v55  }
0x52: {  	v58 =	vand.u32 $0x7FFF, v51;
	[tilespmem:$0x191C0] =	vst v56  }
0x53: {  	v59 =	vshra.s32 v51, $0xF;
	[tilespmem:$0x190D0] =	vst v58  }
0x54: {  	v60 =	vand.u32 $0x7FFF, v54;
	[tilespmem:$0x191D0] =	vst v59  }
0x55: {  	v61 =	vshra.s32 v54, $0xF;
	[tilespmem:$0x190E0] =	vst v60  }
0x56: {  	v62 =	vand.u32 $0x7FFF, v57;
	[tilespmem:$0x191E0] =	vst v61  }
0x57: {  	v63 =	vshra.s32 v57, $0xF;
	[tilespmem:$0x190F0] =	vst v62  }
0x58: {  	s21 =	rddreg [dreg:$0x8];
	[tilespmem:$0x191F0] =	vst v63  }
0x59: {  	[tilespmem:s23], [sflag:$0x6] =	stream.linear.gather [hbm4b:s21+s4], $0x80, $0x38;
	[tilespmem:$0x1D300] =	vst v63  }
0x5a: {  	s21 =	simm.s32 $0x0  }
0x5b: {  	[tilespmem:s25], [sflag:$0x2] =	stream.indirect.gather [spmem:s2], $0x40, s24, s20, $0xb8;
	[tilespmem:$0x1D300] =	vst v63  }
.LBB2_2:
0x5c: {  	_ =	swait.ge [sflag:s26], $0x2000  }
0x5d: {  	[sflag:s26] =	ssyncset.done $0x0  }
0x5e: {  	[sflag:s26] =	ssyncadd.s32 $0xFFFFE000  }
0x5f: {  	_ =	swait.ge [sflag:s28], $0x80  }
0x60: {  	[sflag:s28] =	ssyncset.done $0x0  }
0x61: {  	s7 =	simm.s32 $0x0;
	s9 =	simm.s32 $0x19500;
	[sflag:s28] =	ssyncadd.s32 $0xFFFFFF80  }
.LBB2_3:
0x62: {  	s11 =	sshra.s32 s7, $0x2  }
0x63: {  	v0 =	vld [tilespmem:s11+$0x19200];
	_ =	sdelay $0x1  }
0x64: {  	v1 =	vld [tilespmem:s9+$0xFFFFFE00];
	_ =	sdelay $0x1  }
0x65: {  	v47 =	vld [tilespmem:s9+$0xFFFFFE10]  }
0x66: {  	v2 =	vbroadcast v0, $0x0  }
0x67: {  	v48 =	vld [tilespmem:s9+$0xFFFFFE20]  }
0x68: {  	v1 =	vmul.f32 v2, v1  }
0x69: {  	v49 =	vld [tilespmem:s9+$0xFFFFFE30]  }
0x6a: {  	[tilespmem:s9+$0xFFFFFE00] =	vst v1;
	v1 =	vmul.f32 v47, v2  }
0x6b: {  	v50 =	vld [tilespmem:s9+$0xFFFFFE40]  }
0x6c: {  	[tilespmem:s9+$0xFFFFFE10] =	vst v1;
	v1 =	vmul.f32 v48, v2  }
0x6d: {  	v52 =	vld [tilespmem:s9+$0xFFFFFE50]  }
0x6e: {  	v51 =	vbroadcast v0, $0x1;
	[tilespmem:s9+$0xFFFFFE20] =	vst v1;
	v1 =	vmul.f32 v49, v2  }
0x6f: {  	v53 =	vld [tilespmem:s9+$0xFFFFFE60]  }
0x70: {  	[tilespmem:s9+$0xFFFFFE30] =	vst v1;
	v1 =	vmul.f32 v50, v51  }
0x71: {  	v54 =	vld [tilespmem:s9+$0xFFFFFE70]  }
0x72: {  	[tilespmem:s9+$0xFFFFFE40] =	vst v1;
	v1 =	vmul.f32 v52, v51  }
0x73: {  	v55 =	vld [tilespmem:s9+$0xFFFFFE80]  }
0x74: {  	[tilespmem:s9+$0xFFFFFE50] =	vst v1;
	v1 =	vmul.f32 v53, v51  }
0x75: {  	v57 =	vld [tilespmem:s9+$0xFFFFFE90]  }
0x76: {  	v56 =	vbroadcast v0, $0x2;
	[tilespmem:s9+$0xFFFFFE60] =	vst v1;
	v1 =	vmul.f32 v54, v51  }
0x77: {  	v58 =	vld [tilespmem:s9+$0xFFFFFEA0]  }
0x78: {  	[tilespmem:s9+$0xFFFFFE70] =	vst v1;
	v1 =	vmul.f32 v55, v56  }
0x79: {  	v59 =	vld [tilespmem:s9+$0xFFFFFEB0]  }
0x7a: {  	[tilespmem:s9+$0xFFFFFE80] =	vst v1;
	v1 =	vmul.f32 v57, v56  }
0x7b: {  	v60 =	vld [tilespmem:s9+$0xFFFFFEC0]  }
0x7c: {  	[tilespmem:s9+$0xFFFFFE90] =	vst v1;
	v1 =	vmul.f32 v58, v56  }
0x7d: {  	v62 =	vld [tilespmem:s9+$0xFFFFFED0]  }
0x7e: {  	v61 =	vbroadcast v0, $0x3;
	[tilespmem:s9+$0xFFFFFEA0] =	vst v1;
	v1 =	vmul.f32 v59, v56  }
0x7f: {  	v63 =	vld [tilespmem:s9+$0xFFFFFEE0]  }
0x80: {  	[tilespmem:s9+$0xFFFFFEB0] =	vst v1;
	v1 =	vmul.f32 v60, v61  }
0x81: {  	v4 =	vld [tilespmem:s9+$0xFFFFFEF0]  }
0x82: {  	[tilespmem:s9+$0xFFFFFEC0] =	vst v1;
	v1 =	vmul.f32 v62, v61  }
0x83: {  	v5 =	vld [tilespmem:s9+$0xFFFFFF00]  }
0x84: {  	[tilespmem:s9+$0xFFFFFED0] =	vst v1;
	v1 =	vmul.f32 v63, v61  }
0x85: {  	v7 =	vld [tilespmem:s9+$0xFFFFFF10]  }
0x86: {  	v6 =	vbroadcast v0, $0x4;
	[tilespmem:s9+$0xFFFFFEE0] =	vst v1;
	v1 =	vmul.f32 v4, v61  }
0x87: {  	v8 =	vld [tilespmem:s9+$0xFFFFFF20]  }
0x88: {  	[tilespmem:s9+$0xFFFFFEF0] =	vst v1;
	v1 =	vmul.f32 v5, v6  }
0x89: {  	v9 =	vld [tilespmem:s9+$0xFFFFFF30]  }
0x8a: {  	[tilespmem:s9+$0xFFFFFF00] =	vst v1;
	v1 =	vmul.f32 v7, v6  }
0x8b: {  	v10 =	vld [tilespmem:s9+$0xFFFFFF40]  }
0x8c: {  	[tilespmem:s9+$0xFFFFFF10] =	vst v1;
	v1 =	vmul.f32 v8, v6  }
0x8d: {  	v12 =	vld [tilespmem:s9+$0xFFFFFF50]  }
0x8e: {  	v11 =	vbroadcast v0, $0x5;
	[tilespmem:s9+$0xFFFFFF20] =	vst v1;
	v1 =	vmul.f32 v9, v6  }
0x8f: {  	v13 =	vld [tilespmem:s9+$0xFFFFFF60]  }
0x90: {  	[tilespmem:s9+$0xFFFFFF30] =	vst v1;
	v1 =	vmul.f32 v10, v11  }
0x91: {  	v14 =	vld [tilespmem:s9+$0xFFFFFF70]  }
0x92: {  	[tilespmem:s9+$0xFFFFFF40] =	vst v1;
	v1 =	vmul.f32 v12, v11  }
0x93: {  	v15 =	vld [tilespmem:s9+$0xFFFFFF80]  }
0x94: {  	[tilespmem:s9+$0xFFFFFF50] =	vst v1;
	v1 =	vmul.f32 v13, v11  }
0x95: {  	v17 =	vld [tilespmem:s9+$0xFFFFFF90]  }
0x96: {  	v16 =	vbroadcast v0, $0x6;
	[tilespmem:s9+$0xFFFFFF60] =	vst v1;
	v1 =	vmul.f32 v14, v11  }
0x97: {  	v18 =	vld [tilespmem:s9+$0xFFFFFFA0]  }
0x98: {  	[tilespmem:s9+$0xFFFFFF70] =	vst v1;
	v1 =	vmul.f32 v15, v16  }
0x99: {  	v19 =	vld [tilespmem:s9+$0xFFFFFFB0]  }
0x9a: {  	[tilespmem:s9+$0xFFFFFF80] =	vst v1;
	v1 =	vmul.f32 v17, v16  }
0x9b: {  	v20 =	vld [tilespmem:s9+$0xFFFFFFC0]  }
0x9c: {  	[tilespmem:s9+$0xFFFFFF90] =	vst v1;
	v1 =	vmul.f32 v18, v16  }
0x9d: {  	v22 =	vld [tilespmem:s9+$0xFFFFFFD0]  }
0x9e: {  	v21 =	vbroadcast v0, $0x7;
	[tilespmem:s9+$0xFFFFFFA0] =	vst v1;
	v1 =	vmul.f32 v19, v16  }
0x9f: {  	v23 =	vld [tilespmem:s9+$0xFFFFFFE0]  }
0xa0: {  	[tilespmem:s9+$0xFFFFFFB0] =	vst v1;
	v1 =	vmul.f32 v20, v21  }
0xa1: {  	v24 =	vld [tilespmem:s9+$0xFFFFFFF0]  }
0xa2: {  	[tilespmem:s9+$0xFFFFFFC0] =	vst v1;
	v1 =	vmul.f32 v22, v21  }
0xa3: {  	v25 =	vld [tilespmem:s9+$0x0]  }
0xa4: {  	[tilespmem:s9+$0xFFFFFFD0] =	vst v1;
	v1 =	vmul.f32 v23, v21  }
0xa5: {  	v27 =	vld [tilespmem:s9+$0x10]  }
0xa6: {  	v26 =	vbroadcast v0, $0x8;
	[tilespmem:s9+$0xFFFFFFE0] =	vst v1;
	v1 =	vmul.f32 v24, v21  }
0xa7: {  	v28 =	vld [tilespmem:s9+$0x20]  }
0xa8: {  	[tilespmem:s9+$0xFFFFFFF0] =	vst v1;
	v1 =	vmul.f32 v25, v26  }
0xa9: {  	v29 =	vld [tilespmem:s9+$0x30]  }
0xaa: {  	[tilespmem:s9+$0x0] =	vst v1;
	v1 =	vmul.f32 v27, v26  }
0xab: {  	v30 =	vld [tilespmem:s9+$0x40]  }
0xac: {  	[tilespmem:s9+$0x10] =	vst v1;
	v1 =	vmul.f32 v28, v26  }
0xad: {  	v32 =	vld [tilespmem:s9+$0x50]  }
0xae: {  	v31 =	vbroadcast v0, $0x9;
	[tilespmem:s9+$0x20] =	vst v1;
	v1 =	vmul.f32 v29, v26  }
0xaf: {  	v33 =	vld [tilespmem:s9+$0x60]  }
0xb0: {  	[tilespmem:s9+$0x30] =	vst v1;
	v1 =	vmul.f32 v30, v31  }
0xb1: {  	v34 =	vld [tilespmem:s9+$0x70]  }
0xb2: {  	[tilespmem:s9+$0x40] =	vst v1;
	v1 =	vmul.f32 v32, v31  }
0xb3: {  	v35 =	vld [tilespmem:s9+$0x80]  }
0xb4: {  	[tilespmem:s9+$0x50] =	vst v1;
	v1 =	vmul.f32 v33, v31  }
0xb5: {  	v37 =	vld [tilespmem:s9+$0x90]  }
0xb6: {  	v36 =	vbroadcast v0, $0xA;
	[tilespmem:s9+$0x60] =	vst v1;
	v1 =	vmul.f32 v34, v31  }
0xb7: {  	v38 =	vld [tilespmem:s9+$0xA0]  }
0xb8: {  	[tilespmem:s9+$0x70] =	vst v1;
	v1 =	vmul.f32 v35, v36  }
0xb9: {  	v39 =	vld [tilespmem:s9+$0xB0]  }
0xba: {  	[tilespmem:s9+$0x80] =	vst v1;
	v1 =	vmul.f32 v37, v36  }
0xbb: {  	v40 =	vld [tilespmem:s9+$0xC0]  }
0xbc: {  	[tilespmem:s9+$0x90] =	vst v1;
	v1 =	vmul.f32 v38, v36  }
0xbd: {  	v42 =	vld [tilespmem:s9+$0xD0]  }
0xbe: {  	v41 =	vbroadcast v0, $0xB;
	[tilespmem:s9+$0xA0] =	vst v1;
	v1 =	vmul.f32 v39, v36  }
0xbf: {  	v43 =	vld [tilespmem:s9+$0xE0]  }
0xc0: {  	[tilespmem:s9+$0xB0] =	vst v1;
	v1 =	vmul.f32 v40, v41  }
0xc1: {  	v44 =	vld [tilespmem:s9+$0xF0]  }
0xc2: {  	[tilespmem:s9+$0xC0] =	vst v1;
	v1 =	vmul.f32 v42, v41  }
0xc3: {  	v45 =	vld [tilespmem:s9+$0x100]  }
0xc4: {  	[tilespmem:s9+$0xD0] =	vst v1;
	v1 =	vmul.f32 v43, v41  }
0xc5: {  	v47 =	vld [tilespmem:s9+$0x110]  }
0xc6: {  	v46 =	vbroadcast v0, $0xC;
	[tilespmem:s9+$0xE0] =	vst v1;
	v1 =	vmul.f32 v44, v41  }
0xc7: {  	v48 =	vld [tilespmem:s9+$0x120]  }
0xc8: {  	[tilespmem:s9+$0xF0] =	vst v1;
	v1 =	vmul.f32 v45, v46  }
0xc9: {  	v49 =	vld [tilespmem:s9+$0x130]  }
0xca: {  	[tilespmem:s9+$0x100] =	vst v1;
	v1 =	vmul.f32 v47, v46  }
0xcb: {  	v50 =	vld [tilespmem:s9+$0x140]  }
0xcc: {  	[tilespmem:s9+$0x110] =	vst v1;
	v1 =	vmul.f32 v48, v46  }
0xcd: {  	v52 =	vld [tilespmem:s9+$0x150]  }
0xce: {  	v51 =	vbroadcast v0, $0xD;
	[tilespmem:s9+$0x120] =	vst v1;
	v1 =	vmul.f32 v49, v46  }
0xcf: {  	v53 =	vld [tilespmem:s9+$0x160]  }
0xd0: {  	[tilespmem:s9+$0x130] =	vst v1;
	v1 =	vmul.f32 v50, v51  }
0xd1: {  	v54 =	vld [tilespmem:s9+$0x170]  }
0xd2: {  	[tilespmem:s9+$0x140] =	vst v1;
	v1 =	vmul.f32 v52, v51  }
0xd3: {  	v55 =	vld [tilespmem:s9+$0x180]  }
0xd4: {  	[tilespmem:s9+$0x150] =	vst v1;
	v1 =	vmul.f32 v53, v51  }
0xd5: {  	v57 =	vld [tilespmem:s9+$0x190]  }
0xd6: {  	v56 =	vbroadcast v0, $0xE;
	[tilespmem:s9+$0x160] =	vst v1;
	v1 =	vmul.f32 v54, v51  }
0xd7: {  	v58 =	vld [tilespmem:s9+$0x1A0]  }
0xd8: {  	[tilespmem:s9+$0x170] =	vst v1;
	v1 =	vmul.f32 v55, v56  }
0xd9: {  	v59 =	vld [tilespmem:s9+$0x1B0]  }
0xda: {  	[tilespmem:s9+$0x180] =	vst v1;
	v1 =	vmul.f32 v57, v56  }
0xdb: {  	v60 =	vld [tilespmem:s9+$0x1C0]  }
0xdc: {  	[tilespmem:s9+$0x190] =	vst v1;
	v1 =	vmul.f32 v58, v56  }
0xdd: {  	v61 =	vld [tilespmem:s9+$0x1D0]  }
0xde: {  	v0 =	vbroadcast v0, $0xF;
	[tilespmem:s9+$0x1A0] =	vst v1;
	v1 =	vmul.f32 v59, v56  }
0xdf: {  	v62 =	vld [tilespmem:s9+$0x1E0]  }
0xe0: {  	v63 =	vld [tilespmem:s9+$0x1F0];
	[tilespmem:s9+$0x1B0] =	vst v1;
	v1 =	vmul.f32 v60, v0;
	_ =	sdelay $0x1  }
0xe1: {  	p0 =	sne.s32 s7, $0x1C0;
	[tilespmem:s9+$0x1C0] =	vst v1;
	v1 =	vmul.f32 v61, v0  }
.Ltmp2:
0xe2: {  	_ = 	snop;
	(pc) =	sbr.rel @p0 .LBB2_3-.Ltmp2, $4  }
0xe3: {  	[tilespmem:s9+$0x1D0] =	vst v1;
	v1 =	vmul.f32 v62, v0  }
0xe4: {  	v0 =	vmul.f32 v63, v0  }
0xe5: {  	[tilespmem:s9+$0x1E0] =	vst v1  }
0xe6: {  	s7 =	sadd.s32 $0x40, s7;
	[tilespmem:s9+$0x1F0] =	vst v0;
	s9 =	sadd.s32 $0x400, s9  }
0xe7: {  	[spmem:s3] =	stream.indirect.scatter.add.f32 [tilespmem:s22], [sflag:$0x3], $0x40, s29, s20, $0xb8;
	[tilespmem:$0x1D300] =	vst v63  }
0xe8: {  	p0 =	seq.s32 s21, $0x4F  }
0xe9: {  	s9 =	simm.s32 @!p0 $0x3  }
0xea: {  	_ =	swait.ge @!p0 [sflag:s9], $0x2000  }
0xeb: {  	[sflag:s9] =	ssyncset.done @!p0 $0x0  }
0xec: {  	s7 =	sshll.u32 s21, $0x8;
	[sflag:s9] =	ssyncadd.s32 @!p0 $0xFFFFE000  }
0xed: {  	v0 =	vld @!p0 [tilespmem:s7+$0x14100];
	_ =	sdelay $0x4  }
0xee: {  	v1 =	vand.u32 @!p0 $0x7FFF, v0  }
0xef: {  	v0 =	vshra.s32 @!p0 v0, $0xF;
	[tilespmem:$0x19000] =	vst @!p0 v1  }
0xf0: {  	[tilespmem:$0x19100] =	vst @!p0 v0  }
0xf1: {  	v0 =	vld @!p0 [tilespmem:s7+$0x14110];
	_ =	sdelay $0x4  }
0xf2: {  	v1 =	vand.u32 @!p0 $0x7FFF, v0  }
0xf3: {  	v0 =	vshra.s32 @!p0 v0, $0xF;
	[tilespmem:$0x19010] =	vst @!p0 v1  }
0xf4: {  	[tilespmem:$0x19110] =	vst @!p0 v0  }
0xf5: {  	v0 =	vld @!p0 [tilespmem:s7+$0x14120];
	_ =	sdelay $0x4  }
0xf6: {  	v1 =	vand.u32 @!p0 $0x7FFF, v0  }
0xf7: {  	v0 =	vshra.s32 @!p0 v0, $0xF;
	[tilespmem:$0x19020] =	vst @!p0 v1  }
0xf8: {  	[tilespmem:$0x19120] =	vst @!p0 v0  }
0xf9: {  	v0 =	vld @!p0 [tilespmem:s7+$0x14130];
	_ =	sdelay $0x4  }
0xfa: {  	v1 =	vand.u32 @!p0 $0x7FFF, v0  }
0xfb: {  	v0 =	vshra.s32 @!p0 v0, $0xF;
	[tilespmem:$0x19030] =	vst @!p0 v1  }
0xfc: {  	[tilespmem:$0x19130] =	vst @!p0 v0  }
0xfd: {  	v0 =	vld @!p0 [tilespmem:s7+$0x14140];
	_ =	sdelay $0x4  }
0xfe: {  	v1 =	vand.u32 @!p0 $0x7FFF, v0  }
0xff: {  	v0 =	vshra.s32 @!p0 v0, $0xF;
	[tilespmem:$0x19040] =	vst @!p0 v1  }
0x100: {  	[tilespmem:$0x19140] =	vst @!p0 v0  }
0x101: {  	v0 =	vld @!p0 [tilespmem:s7+$0x14150];
	_ =	sdelay $0x4  }
0x102: {  	v1 =	vand.u32 @!p0 $0x7FFF, v0  }
0x103: {  	v0 =	vshra.s32 @!p0 v0, $0xF;
	[tilespmem:$0x19050] =	vst @!p0 v1  }
0x104: {  	[tilespmem:$0x19150] =	vst @!p0 v0  }
0x105: {  	v0 =	vld @!p0 [tilespmem:s7+$0x14160];
	_ =	sdelay $0x4  }
0x106: {  	v1 =	vand.u32 @!p0 $0x7FFF, v0  }
0x107: {  	v0 =	vshra.s32 @!p0 v0, $0xF;
	[tilespmem:$0x19060] =	vst @!p0 v1  }
0x108: {  	[tilespmem:$0x19160] =	vst @!p0 v0  }
0x109: {  	v0 =	vld @!p0 [tilespmem:s7+$0x14170];
	_ =	sdelay $0x3  }
0x10a: {  	s9 =	sadd.s32 @!p0 s6, s7  }
0x10b: {  	s9 =	sshrl.u32 @!p0 s9, $0x3;
	v1 =	vand.u32 @!p0 $0x7FFF, v0  }
0x10c: {  	s9 =	sadd.s32 @!p0 s5, s9;
	v0 =	vshra.s32 @!p0 v0, $0xF;
	[tilespmem:$0x19070] =	vst @!p0 v1  }
0x10d: {  	s11 =	simm.s32 @!p0 $0x0;
	s12 =	simm.s32 @!p0 $0x19200;
	s9 =	sadd.s32 @!p0 $0x20, s9;
	[tilespmem:$0x19170] =	vst @!p0 v0  }
0x10e: {  	[tilespmem:s12], [sflag:$0x5] =	stream.linear.gather @!p0 [hbm4b:s9+s11], $0x80, $0x38;
	[tilespmem:$0x1D300] =	vst v63  }
0x10f: {  	s9 =	simm.s32 @!p0 $0x80;
	s11 =	simm.s32 @!p0 $0x19000;
	s12 =	simm.s32 @!p0 $0x19300  }
0x110: {  	[tilespmem:s12], [sflag:$0x1] =	stream.indirect.gather @!p0 [spmem:s2], $0x40, s11, s9, $0xb8;
	[tilespmem:$0x1D300] =	vst v63  }
0x111: {  	_ =	swait.ge [sflag:s30], $0x2000  }
0x112: {  	[sflag:s30] =	ssyncset.done $0x0  }
0x113: {  	[sflag:s30] =	ssyncadd.s32 $0xFFFFE000  }
0x114: {  	_ =	swait.ge [sflag:s31], $0x80  }
0x115: {  	[sflag:s31] =	ssyncset.done $0x0  }
0x116: {  	s9 =	simm.s32 $0x0;
	s11 =	simm.s32 $0x1B500;
	[sflag:s31] =	ssyncadd.s32 $0xFFFFFF80  }
.LBB2_5:
0x117: {  	s12 =	sshra.s32 s9, $0x2  }
0x118: {  	v0 =	vld [tilespmem:s12+$0x19280];
	_ =	sdelay $0x1  }
0x119: {  	v1 =	vld [tilespmem:s11+$0xFFFFFE00];
	_ =	sdelay $0x1  }
0x11a: {  	v47 =	vld [tilespmem:s11+$0xFFFFFE10]  }
0x11b: {  	v2 =	vbroadcast v0, $0x0  }
0x11c: {  	v48 =	vld [tilespmem:s11+$0xFFFFFE20]  }
0x11d: {  	v1 =	vmul.f32 v2, v1  }
0x11e: {  	v49 =	vld [tilespmem:s11+$0xFFFFFE30]  }
0x11f: {  	[tilespmem:s11+$0xFFFFFE00] =	vst v1;
	v1 =	vmul.f32 v47, v2  }
0x120: {  	v50 =	vld [tilespmem:s11+$0xFFFFFE40]  }
0x121: {  	[tilespmem:s11+$0xFFFFFE10] =	vst v1;
	v1 =	vmul.f32 v48, v2  }
0x122: {  	v52 =	vld [tilespmem:s11+$0xFFFFFE50]  }
0x123: {  	v51 =	vbroadcast v0, $0x1;
	[tilespmem:s11+$0xFFFFFE20] =	vst v1;
	v1 =	vmul.f32 v49, v2  }
0x124: {  	v53 =	vld [tilespmem:s11+$0xFFFFFE60]  }
0x125: {  	[tilespmem:s11+$0xFFFFFE30] =	vst v1;
	v1 =	vmul.f32 v50, v51  }
0x126: {  	v54 =	vld [tilespmem:s11+$0xFFFFFE70]  }
0x127: {  	[tilespmem:s11+$0xFFFFFE40] =	vst v1;
	v1 =	vmul.f32 v52, v51  }
0x128: {  	v55 =	vld [tilespmem:s11+$0xFFFFFE80]  }
0x129: {  	[tilespmem:s11+$0xFFFFFE50] =	vst v1;
	v1 =	vmul.f32 v53, v51  }
0x12a: {  	v57 =	vld [tilespmem:s11+$0xFFFFFE90]  }
0x12b: {  	v56 =	vbroadcast v0, $0x2;
	[tilespmem:s11+$0xFFFFFE60] =	vst v1;
	v1 =	vmul.f32 v54, v51  }
0x12c: {  	v58 =	vld [tilespmem:s11+$0xFFFFFEA0]  }
0x12d: {  	[tilespmem:s11+$0xFFFFFE70] =	vst v1;
	v1 =	vmul.f32 v55, v56  }
0x12e: {  	v59 =	vld [tilespmem:s11+$0xFFFFFEB0]  }
0x12f: {  	[tilespmem:s11+$0xFFFFFE80] =	vst v1;
	v1 =	vmul.f32 v57, v56  }
0x130: {  	v60 =	vld [tilespmem:s11+$0xFFFFFEC0]  }
0x131: {  	[tilespmem:s11+$0xFFFFFE90] =	vst v1;
	v1 =	vmul.f32 v58, v56  }
0x132: {  	v62 =	vld [tilespmem:s11+$0xFFFFFED0]  }
0x133: {  	v61 =	vbroadcast v0, $0x3;
	[tilespmem:s11+$0xFFFFFEA0] =	vst v1;
	v1 =	vmul.f32 v59, v56  }
0x134: {  	v63 =	vld [tilespmem:s11+$0xFFFFFEE0]  }
0x135: {  	[tilespmem:s11+$0xFFFFFEB0] =	vst v1;
	v1 =	vmul.f32 v60, v61  }
0x136: {  	v4 =	vld [tilespmem:s11+$0xFFFFFEF0]  }
0x137: {  	[tilespmem:s11+$0xFFFFFEC0] =	vst v1;
	v1 =	vmul.f32 v62, v61  }
0x138: {  	v5 =	vld [tilespmem:s11+$0xFFFFFF00]  }
0x139: {  	[tilespmem:s11+$0xFFFFFED0] =	vst v1;
	v1 =	vmul.f32 v63, v61  }
0x13a: {  	v7 =	vld [tilespmem:s11+$0xFFFFFF10]  }
0x13b: {  	v6 =	vbroadcast v0, $0x4;
	[tilespmem:s11+$0xFFFFFEE0] =	vst v1;
	v1 =	vmul.f32 v4, v61  }
0x13c: {  	v8 =	vld [tilespmem:s11+$0xFFFFFF20]  }
0x13d: {  	[tilespmem:s11+$0xFFFFFEF0] =	vst v1;
	v1 =	vmul.f32 v5, v6  }
0x13e: {  	v9 =	vld [tilespmem:s11+$0xFFFFFF30]  }
0x13f: {  	[tilespmem:s11+$0xFFFFFF00] =	vst v1;
	v1 =	vmul.f32 v7, v6  }
0x140: {  	v10 =	vld [tilespmem:s11+$0xFFFFFF40]  }
0x141: {  	[tilespmem:s11+$0xFFFFFF10] =	vst v1;
	v1 =	vmul.f32 v8, v6  }
0x142: {  	v12 =	vld [tilespmem:s11+$0xFFFFFF50]  }
0x143: {  	v11 =	vbroadcast v0, $0x5;
	[tilespmem:s11+$0xFFFFFF20] =	vst v1;
	v1 =	vmul.f32 v9, v6  }
0x144: {  	v13 =	vld [tilespmem:s11+$0xFFFFFF60]  }
0x145: {  	[tilespmem:s11+$0xFFFFFF30] =	vst v1;
	v1 =	vmul.f32 v10, v11  }
0x146: {  	v14 =	vld [tilespmem:s11+$0xFFFFFF70]  }
0x147: {  	[tilespmem:s11+$0xFFFFFF40] =	vst v1;
	v1 =	vmul.f32 v12, v11  }
0x148: {  	v15 =	vld [tilespmem:s11+$0xFFFFFF80]  }
0x149: {  	[tilespmem:s11+$0xFFFFFF50] =	vst v1;
	v1 =	vmul.f32 v13, v11  }
0x14a: {  	v17 =	vld [tilespmem:s11+$0xFFFFFF90]  }
0x14b: {  	v16 =	vbroadcast v0, $0x6;
	[tilespmem:s11+$0xFFFFFF60] =	vst v1;
	v1 =	vmul.f32 v14, v11  }
0x14c: {  	v18 =	vld [tilespmem:s11+$0xFFFFFFA0]  }
0x14d: {  	[tilespmem:s11+$0xFFFFFF70] =	vst v1;
	v1 =	vmul.f32 v15, v16  }
0x14e: {  	v19 =	vld [tilespmem:s11+$0xFFFFFFB0]  }
0x14f: {  	[tilespmem:s11+$0xFFFFFF80] =	vst v1;
	v1 =	vmul.f32 v17, v16  }
0x150: {  	v20 =	vld [tilespmem:s11+$0xFFFFFFC0]  }
0x151: {  	[tilespmem:s11+$0xFFFFFF90] =	vst v1;
	v1 =	vmul.f32 v18, v16  }
0x152: {  	v22 =	vld [tilespmem:s11+$0xFFFFFFD0]  }
0x153: {  	v21 =	vbroadcast v0, $0x7;
	[tilespmem:s11+$0xFFFFFFA0] =	vst v1;
	v1 =	vmul.f32 v19, v16  }
0x154: {  	v23 =	vld [tilespmem:s11+$0xFFFFFFE0]  }
0x155: {  	[tilespmem:s11+$0xFFFFFFB0] =	vst v1;
	v1 =	vmul.f32 v20, v21  }
0x156: {  	v24 =	vld [tilespmem:s11+$0xFFFFFFF0]  }
0x157: {  	[tilespmem:s11+$0xFFFFFFC0] =	vst v1;
	v1 =	vmul.f32 v22, v21  }
0x158: {  	v25 =	vld [tilespmem:s11+$0x0]  }
0x159: {  	[tilespmem:s11+$0xFFFFFFD0] =	vst v1;
	v1 =	vmul.f32 v23, v21  }
0x15a: {  	v27 =	vld [tilespmem:s11+$0x10]  }
0x15b: {  	v26 =	vbroadcast v0, $0x8;
	[tilespmem:s11+$0xFFFFFFE0] =	vst v1;
	v1 =	vmul.f32 v24, v21  }
0x15c: {  	v28 =	vld [tilespmem:s11+$0x20]  }
0x15d: {  	[tilespmem:s11+$0xFFFFFFF0] =	vst v1;
	v1 =	vmul.f32 v25, v26  }
0x15e: {  	v29 =	vld [tilespmem:s11+$0x30]  }
0x15f: {  	[tilespmem:s11+$0x0] =	vst v1;
	v1 =	vmul.f32 v27, v26  }
0x160: {  	v30 =	vld [tilespmem:s11+$0x40]  }
0x161: {  	[tilespmem:s11+$0x10] =	vst v1;
	v1 =	vmul.f32 v28, v26  }
0x162: {  	v32 =	vld [tilespmem:s11+$0x50]  }
0x163: {  	v31 =	vbroadcast v0, $0x9;
	[tilespmem:s11+$0x20] =	vst v1;
	v1 =	vmul.f32 v29, v26  }
0x164: {  	v33 =	vld [tilespmem:s11+$0x60]  }
0x165: {  	[tilespmem:s11+$0x30] =	vst v1;
	v1 =	vmul.f32 v30, v31  }
0x166: {  	v34 =	vld [tilespmem:s11+$0x70]  }
0x167: {  	[tilespmem:s11+$0x40] =	vst v1;
	v1 =	vmul.f32 v32, v31  }
0x168: {  	v35 =	vld [tilespmem:s11+$0x80]  }
0x169: {  	[tilespmem:s11+$0x50] =	vst v1;
	v1 =	vmul.f32 v33, v31  }
0x16a: {  	v37 =	vld [tilespmem:s11+$0x90]  }
0x16b: {  	v36 =	vbroadcast v0, $0xA;
	[tilespmem:s11+$0x60] =	vst v1;
	v1 =	vmul.f32 v34, v31  }
0x16c: {  	v38 =	vld [tilespmem:s11+$0xA0]  }
0x16d: {  	[tilespmem:s11+$0x70] =	vst v1;
	v1 =	vmul.f32 v35, v36  }
0x16e: {  	v39 =	vld [tilespmem:s11+$0xB0]  }
0x16f: {  	[tilespmem:s11+$0x80] =	vst v1;
	v1 =	vmul.f32 v37, v36  }
0x170: {  	v40 =	vld [tilespmem:s11+$0xC0]  }
0x171: {  	[tilespmem:s11+$0x90] =	vst v1;
	v1 =	vmul.f32 v38, v36  }
0x172: {  	v42 =	vld [tilespmem:s11+$0xD0]  }
0x173: {  	v41 =	vbroadcast v0, $0xB;
	[tilespmem:s11+$0xA0] =	vst v1;
	v1 =	vmul.f32 v39, v36  }
0x174: {  	v43 =	vld [tilespmem:s11+$0xE0]  }
0x175: {  	[tilespmem:s11+$0xB0] =	vst v1;
	v1 =	vmul.f32 v40, v41  }
0x176: {  	v44 =	vld [tilespmem:s11+$0xF0]  }
0x177: {  	[tilespmem:s11+$0xC0] =	vst v1;
	v1 =	vmul.f32 v42, v41  }
0x178: {  	v45 =	vld [tilespmem:s11+$0x100]  }
0x179: {  	[tilespmem:s11+$0xD0] =	vst v1;
	v1 =	vmul.f32 v43, v41  }
0x17a: {  	v47 =	vld [tilespmem:s11+$0x110]  }
0x17b: {  	v46 =	vbroadcast v0, $0xC;
	[tilespmem:s11+$0xE0] =	vst v1;
	v1 =	vmul.f32 v44, v41  }
0x17c: {  	v48 =	vld [tilespmem:s11+$0x120]  }
0x17d: {  	[tilespmem:s11+$0xF0] =	vst v1;
	v1 =	vmul.f32 v45, v46  }
0x17e: {  	v49 =	vld [tilespmem:s11+$0x130]  }
0x17f: {  	[tilespmem:s11+$0x100] =	vst v1;
	v1 =	vmul.f32 v47, v46  }
0x180: {  	v50 =	vld [tilespmem:s11+$0x140]  }
0x181: {  	[tilespmem:s11+$0x110] =	vst v1;
	v1 =	vmul.f32 v48, v46  }
0x182: {  	v52 =	vld [tilespmem:s11+$0x150]  }
0x183: {  	v51 =	vbroadcast v0, $0xD;
	[tilespmem:s11+$0x120] =	vst v1;
	v1 =	vmul.f32 v49, v46  }
0x184: {  	v53 =	vld [tilespmem:s11+$0x160]  }
0x185: {  	[tilespmem:s11+$0x130] =	vst v1;
	v1 =	vmul.f32 v50, v51  }
0x186: {  	v54 =	vld [tilespmem:s11+$0x170]  }
0x187: {  	[tilespmem:s11+$0x140] =	vst v1;
	v1 =	vmul.f32 v52, v51  }
0x188: {  	v55 =	vld [tilespmem:s11+$0x180]  }
0x189: {  	[tilespmem:s11+$0x150] =	vst v1;
	v1 =	vmul.f32 v53, v51  }
0x18a: {  	v57 =	vld [tilespmem:s11+$0x190]  }
0x18b: {  	v56 =	vbroadcast v0, $0xE;
	[tilespmem:s11+$0x160] =	vst v1;
	v1 =	vmul.f32 v54, v51  }
0x18c: {  	v58 =	vld [tilespmem:s11+$0x1A0]  }
0x18d: {  	[tilespmem:s11+$0x170] =	vst v1;
	v1 =	vmul.f32 v55, v56  }
0x18e: {  	v59 =	vld [tilespmem:s11+$0x1B0]  }
0x18f: {  	[tilespmem:s11+$0x180] =	vst v1;
	v1 =	vmul.f32 v57, v56  }
0x190: {  	v60 =	vld [tilespmem:s11+$0x1C0]  }
0x191: {  	[tilespmem:s11+$0x190] =	vst v1;
	v1 =	vmul.f32 v58, v56  }
0x192: {  	v61 =	vld [tilespmem:s11+$0x1D0]  }
0x193: {  	v0 =	vbroadcast v0, $0xF;
	[tilespmem:s11+$0x1A0] =	vst v1;
	v1 =	vmul.f32 v59, v56  }
0x194: {  	v62 =	vld [tilespmem:s11+$0x1E0]  }
0x195: {  	v63 =	vld [tilespmem:s11+$0x1F0];
	[tilespmem:s11+$0x1B0] =	vst v1;
	v1 =	vmul.f32 v60, v0;
	_ =	sdelay $0x1  }
0x196: {  	p1 =	sne.s32 s9, $0x1C0;
	[tilespmem:s11+$0x1C0] =	vst v1;
	v1 =	vmul.f32 v61, v0  }
.Ltmp3:
0x197: {  	_ = 	snop;
	(pc) =	sbr.rel @p1 .LBB2_5-.Ltmp3, $4  }
0x198: {  	[tilespmem:s11+$0x1D0] =	vst v1;
	v1 =	vmul.f32 v62, v0  }
0x199: {  	v0 =	vmul.f32 v63, v0  }
0x19a: {  	[tilespmem:s11+$0x1E0] =	vst v1  }
0x19b: {  	s9 =	sadd.s32 $0x40, s9;
	[tilespmem:s11+$0x1F0] =	vst v0;
	s11 =	sadd.s32 $0x400, s11  }
.Ltmp4:
0x19c: {  	(pc) =	sbr.rel @p0 .LBB2_8-.Ltmp4, $2  }
0x19d: {  	_ =	sdelay $0x2  }
0x19e: {  	[spmem:s3] =	stream.indirect.scatter.add.f32 [tilespmem:s25], [sflag:$0x4], $0x40, s0, s20, $0xb8;
	[tilespmem:$0x1D300] =	vst v63  }
0x19f: {  	_ =	swait.ge [sflag:s18], $0x2000  }
0x1a0: {  	[sflag:s18] =	ssyncset.done $0x0  }
0x1a1: {  	[sflag:s18] =	ssyncadd.s32 $0xFFFFE000  }
0x1a2: {  	v0 =	vld [tilespmem:s7+$0x14180];
	_ =	sdelay $0x4  }
0x1a3: {  	v1 =	vand.u32 $0x7FFF, v0  }
0x1a4: {  	v0 =	vshra.s32 v0, $0xF;
	[tilespmem:$0x19080] =	vst v1  }
0x1a5: {  	[tilespmem:$0x19180] =	vst v0  }
0x1a6: {  	v0 =	vld [tilespmem:s7+$0x14190];
	_ =	sdelay $0x4  }
0x1a7: {  	v57 =	vand.u32 $0x7FFF, v0  }
0x1a8: {  	v0 =	vshra.s32 v0, $0xF;
	[tilespmem:$0x19090] =	vst v57  }
0x1a9: {  	[tilespmem:$0x19190] =	vst v0  }
0x1aa: {  	v0 =	vld [tilespmem:s7+$0x141A0];
	_ =	sdelay $0x4  }
0x1ab: {  	v58 =	vand.u32 $0x7FFF, v0  }
0x1ac: {  	v0 =	vshra.s32 v0, $0xF;
	[tilespmem:$0x190A0] =	vst v58  }
0x1ad: {  	[tilespmem:$0x191A0] =	vst v0  }
0x1ae: {  	v0 =	vld [tilespmem:s7+$0x141B0];
	_ =	sdelay $0x4  }
0x1af: {  	v59 =	vand.u32 $0x7FFF, v0  }
0x1b0: {  	v0 =	vshra.s32 v0, $0xF;
	[tilespmem:$0x190B0] =	vst v59  }
0x1b1: {  	[tilespmem:$0x191B0] =	vst v0  }
0x1b2: {  	v0 =	vld [tilespmem:s7+$0x141C0];
	_ =	sdelay $0x4  }
0x1b3: {  	v60 =	vand.u32 $0x7FFF, v0  }
0x1b4: {  	v0 =	vshra.s32 v0, $0xF;
	[tilespmem:$0x190C0] =	vst v60  }
0x1b5: {  	[tilespmem:$0x191C0] =	vst v0  }
0x1b6: {  	v0 =	vld [tilespmem:s7+$0x141D0];
	_ =	sdelay $0x4  }
0x1b7: {  	v61 =	vand.u32 $0x7FFF, v0  }
0x1b8: {  	v0 =	vshra.s32 v0, $0xF;
	[tilespmem:$0x190D0] =	vst v61  }
0x1b9: {  	[tilespmem:$0x191D0] =	vst v0  }
0x1ba: {  	v0 =	vld [tilespmem:s7+$0x141E0];
	_ =	sdelay $0x4  }
0x1bb: {  	v62 =	vand.u32 $0x7FFF, v0  }
0x1bc: {  	v0 =	vshra.s32 v0, $0xF;
	[tilespmem:$0x190E0] =	vst v62  }
0x1bd: {  	[tilespmem:$0x191E0] =	vst v0  }
0x1be: {  	v0 =	vld [tilespmem:s7+$0x141F0];
	_ =	sdelay $0x3  }
0x1bf: {  	s12 =	sadd.s32 s6, s7  }
0x1c0: {  	s7 =	sshrl.u32 s12, $0x3;
	v63 =	vand.u32 $0x7FFF, v0  }
.Ltmp5:
0x1c1: {  	s7 =	sadd.s32 s5, s7;
	v0 =	vshra.s32 v0, $0xF;
	[tilespmem:$0x190F0] =	vst v63;
	(pc) =	sbr.rel .LBB2_2-.Ltmp5, $4  }
0x1c2: {  	s7 =	sadd.s32 $0x30, s7;
	[tilespmem:$0x191F0] =	vst v0  }
0x1c3: {  	[tilespmem:s23], [sflag:$0x6] =	stream.linear.gather [hbm4b:s7+s4], $0x80, $0x38;
	[tilespmem:$0x1D300] =	vst v63  }
0x1c4: {  	s21 =	sadd.s32 $0x1, s21  }
0x1c5: {  	[tilespmem:s25], [sflag:$0x2] =	stream.indirect.gather [spmem:s2], $0x40, s24, s20, $0xb8;
	[tilespmem:$0x1D300] =	vst v63  }
.LBB2_9:
0x1c6: {  	_ =	sfence.sel $0x180000  }
0x1c7: {  	[bflag:$0x0] =	sbarrier.arrive $0xFFFF  }
0x1c8: {  	_ =	strace $0x90000047  }
0x1c9: {  	s0 =	stileid.u32;
	[bflag:$0x2] =	sbarrier.arrive $0xFFFF  }
0x1ca: {  	p0 =	sne.s32 s0, $0x0;
	s0 =	rddreg [dreg:$0x4]  }
0x1cb: {  	s0 =	sadd.s32 @!p0 $0x100000, s0  }
0x1cc: {  	[sflag:s0] =	ssyncadd.tile.s32 @!p0 $0x1;
	_ =	shalt  }
.Lfunc_end2:
_tile_overlayer_lowered:
.L_overlay_start_2:
0x1cd: {  	(tag) =	ssettag $0x2  }
0x1ce: {  	s0 =	rddreg [dreg:$0x0];
	s2 =	stileid.u32  }
0x1cf: {  	s1 =	rddreg [dreg:$0x1];
	p0 =	sne.s32 s2, $0x0  }
0x1d0: {  	s3 =	rddreg [dreg:$0x2];
	[bflag:$0x3] =	sbarrier.arrive $0xFFFF;
	s2 =	simm.s32 @!p0 $0x1C07  }
0x1d1: {  	[timem:s3], [sflag:s2] =	dma.local @!p0 [hbm:s0], s1  }
0x1d2: {  	s0 =	simm.s32 @!p0 $0x7  }
0x1d3: {  	_ =	swait.ge @!p0 [sflag:s0], s1  }
0x1d4: {  	s1 =	ssub.s32 @!p0 $0x0, s1;
	[sflag:s0] =	ssyncset.done @!p0 $0x0  }
0x1d5: {  	[sflag:s0] =	ssyncadd.s32 @!p0 s1  }
0x1d6: {  	[bflag:$0x3] =	sbarrier.arrive $0xFFFF  }
0x1d7: {  	_ =	shalt  }

</sc_bundles>
